<compile_context>
chip_gen: v7x
topology: tpu7x:2x2x1
jax: 0.10.2.dev20260603
libtpu: 0.0.44.dev20260713+nightly
codegen_flags: <defaults>
</compile_context>

<pallas_src>
import jax
import jax.numpy as jnp
from jax import lax
from jax.experimental import pallas as pl
from jax.experimental.pallas import tpu as pltpu
from jax.experimental.pallas import tpu_sc as plsc

N = 65536
R = 8192
B = 256
L = 16
NW = 32
ROWS_PER_W = N // NW
C = 32
NCHUNK = ROWS_PER_W // C

PRUNE_THRESHOLD = 0.05


def _sc_body(acts, src, dst, tro, ema, act, coef,
             o_tro, o_act, o_ema, o_gain,
             idx_s, idx_d,
             a0, b0, a1, b1, a2, b2, a3, b3, co_buf,
             tro_buf, ema_buf, act_buf,
             ot_buf, oa_buf, oe_buf, og_buf,
             coef_v, sem_a0, sem_b0, sem_a1, sem_b1,
             sem_a2, sem_b2, sem_a3, sem_b3, sem_in):
    wid = lax.axis_index("s") * 2 + lax.axis_index("c")
    base = wid * ROWS_PER_W

    ci = pltpu.async_copy(src.at[pl.ds(base, ROWS_PER_W)], idx_s, sem_in)
    cd = pltpu.async_copy(dst.at[pl.ds(base, ROWS_PER_W)], idx_d, sem_in)
    ci.wait()
    cd.wait()

    bufs = ((a0, b0, sem_a0, sem_b0), (a1, b1, sem_a1, sem_b1),
            (a2, b2, sem_a2, sem_b2), (a3, b3, sem_a3, sem_b3))
    NSLOT = len(bufs)

    def start(g, slot):
        a_b, b_b, s_a, s_b = bufs[slot]
        off = g * C
        pltpu.async_copy(acts.at[idx_s.at[pl.ds(off, C)]], a_b, s_a)
        pltpu.async_copy(acts.at[idx_d.at[pl.ds(off, C)]], b_b, s_b)

    def wait(g, slot):
        a_b, b_b, s_a, s_b = bufs[slot]
        off = g * C
        pltpu.make_async_copy(acts.at[idx_s.at[pl.ds(off, C)]], a_b,
                              s_a).wait()
        pltpu.make_async_copy(acts.at[idx_d.at[pl.ds(off, C)]], b_b,
                              s_b).wait()

    lane_ids = lax.iota(jnp.int32, L)
    lane_last = lane_ids == (L - 1)

    def compute(g, slot):
        a_b, b_b = bufs[slot][0], bufs[slot][1]
        off = g * C

        @plsc.parallel_loop(0, C)
        def row_body(r):
            acc = a_b[r, pl.ds(0, L)] * b_b[r, pl.ds(0, L)]
            for k in range(1, B // L):
                acc = acc + (a_b[r, pl.ds(k * L, L)]
                             * b_b[r, pl.ds(k * L, L)])
            cs = plsc.cumsum(acc)
            plsc.store_compressed(co_buf.at[pl.ds(r, L)], cs, mask=lane_last)

        @plsc.parallel_loop(0, C // L)
        def group_body(t):
            sl = pl.ds(off + t * L, L)
            co = jnp.clip(co_buf[pl.ds(t * L, L)] * (1.0 / B), 0.0, 1.0)
            new_ema = 0.95 * ema_buf[sl] + 0.05 * co
            new_t = jnp.clip(tro_buf[sl] + (c0 + c1 * new_ema), 0.0, 1.0)
            ac = act_buf[sl]
            pruned = new_t < PRUNE_THRESHOLD
            resprout = (new_t > PRUNE_THRESHOLD * 2.0) & (ac == 0.0)
            new_a = jnp.where(pruned, 0.0, jnp.where(resprout, 1.0, ac))
            ot_buf[sl] = new_t
            oa_buf[sl] = new_a
            oe_buf[sl] = new_ema
            og_buf[sl] = new_a * (0.2 + 1.6 * new_t)

    start(0, 0)
    start(1, 1)
    start(2, 2)

    c1_ = pltpu.async_copy(tro.at[pl.ds(base, ROWS_PER_W)], tro_buf,
                           sem_in)
    c2_ = pltpu.async_copy(ema.at[pl.ds(base, ROWS_PER_W)], ema_buf,
                           sem_in)
    c3_ = pltpu.async_copy(act.at[pl.ds(base, ROWS_PER_W)], act_buf,
                           sem_in)
    c4_ = pltpu.async_copy(coef, coef_v, sem_in)
    c1_.wait()
    c2_.wait()
    c3_.wait()
    c4_.wait()
    c0 = coef_v[0, pl.ds(0, L)]
    c1 = coef_v[1, pl.ds(0, L)]

    def ring_body(i, _):
        g = i * NSLOT
        for s in range(NSLOT):
            gg = g + s

            @pl.when(gg + NSLOT - 1 < NCHUNK)
            def _():
                start(gg + NSLOT - 1, (s + NSLOT - 1) % NSLOT)

            wait(gg, s)
            compute(gg, s)
        return 0

    lax.fori_loop(0, NCHUNK // NSLOT, ring_body, 0)

    pltpu.sync_copy(ot_buf, o_tro.at[pl.ds(base, ROWS_PER_W)])
    pltpu.sync_copy(oa_buf, o_act.at[pl.ds(base, ROWS_PER_W)])
    pltpu.sync_copy(oe_buf, o_ema.at[pl.ds(base, ROWS_PER_W)])
    pltpu.sync_copy(og_buf, o_gain.at[pl.ds(base, ROWS_PER_W)])


@jax.jit
def _run(activities, src_idx, dst_idx, trophic, ema_coact, active, coef):
    f32 = jnp.float32
    out = jax.ShapeDtypeStruct((N,), f32)
    k = pl.kernel(
        _sc_body,
        out_type=(out, out, out, out),
        mesh=plsc.VectorSubcoreMesh(core_axis_name="c", subcore_axis_name="s"),
        compiler_params=pltpu.CompilerParams(needs_layout_passes=False),
        scratch_types=(
            pltpu.VMEM((ROWS_PER_W,), jnp.int32),
            pltpu.VMEM((ROWS_PER_W,), jnp.int32),
            pltpu.VMEM((C, B), f32),
            pltpu.VMEM((C, B), f32),
            pltpu.VMEM((C, B), f32),
            pltpu.VMEM((C, B), f32),
            pltpu.VMEM((C, B), f32),
            pltpu.VMEM((C, B), f32),
            pltpu.VMEM((C, B), f32),
            pltpu.VMEM((C, B), f32),
            pltpu.VMEM((C + L,), f32),
            pltpu.VMEM((ROWS_PER_W,), f32),
            pltpu.VMEM((ROWS_PER_W,), f32),
            pltpu.VMEM((ROWS_PER_W,), f32),
            pltpu.VMEM((ROWS_PER_W,), f32),
            pltpu.VMEM((ROWS_PER_W,), f32),
            pltpu.VMEM((ROWS_PER_W,), f32),
            pltpu.VMEM((ROWS_PER_W,), f32),
            pltpu.VMEM((2, L), f32),
            pltpu.SemaphoreType.DMA,
            pltpu.SemaphoreType.DMA,
            pltpu.SemaphoreType.DMA,
            pltpu.SemaphoreType.DMA,
            pltpu.SemaphoreType.DMA,
            pltpu.SemaphoreType.DMA,
            pltpu.SemaphoreType.DMA,
            pltpu.SemaphoreType.DMA,
            pltpu.SemaphoreType.DMA,
        ),
    )
    return k(activities, src_idx, dst_idx, trophic, ema_coact, active, coef)


def kernel(activities, src_idx, dst_idx, trophic, ema_coact, active,
           bdnf, ngf):
    bdnf_eff = jnp.clip(bdnf[0] * 0.05, 0.0, 0.05)
    ngf_eff = jnp.clip(ngf[0] * 0.01, 0.0, 0.01)
    g = bdnf_eff + 0.005
    c0 = 0.1 * g - (ngf_eff + 0.003)
    c1 = g + 0.001
    coef = jnp.stack([jnp.broadcast_to(c0, (L,)),
                      jnp.broadcast_to(c1, (L,))]).astype(jnp.float32)
    return _run(activities, src_idx, dst_idx, trophic, ema_coact, active,
                coef)

# --- scband reference (transcript-rebuilt; emitter-appended) ---
"""Pipeline reference for scband-trophic-system-89970974917449 (READ-ONLY COPY).

The authoritative reference and input builder live on the scoring server;
editing this copy changes nothing except your own understanding.
"""

import jax, jax.numpy as jnp
import numpy as np

N = 65536
R = 8192
B = 256

PRUNE_THRESHOLD = 0.05
BDNF_BASELINE = 0.005
NGF_DECAY = 0.002


def setup_inputs(seed: int = 0) -> dict:
    key = jax.random.key(seed)
    k1, k2, k3, k4 = jax.random.split(key, 4)
    activities = jax.random.uniform(k1, (R, B), dtype=jnp.float32)
    src_idx = jax.random.randint(k2, (N,), 0, R, dtype=jnp.int32)
    dst_idx = jax.random.randint(k3, (N,), 0, R, dtype=jnp.int32)
    trophic = jnp.full((N,), 0.5, dtype=jnp.float32)
    ema_coact = jnp.zeros((N,), dtype=jnp.float32)
    active = jnp.ones((N,), dtype=jnp.float32)
    bdnf = jax.random.uniform(k4, (1,), dtype=jnp.float32)
    ngf = jax.random.uniform(jax.random.fold_in(key, 7), (1,), dtype=jnp.float32)
    return {
        'activities': activities,
        'src_idx': src_idx,
        'dst_idx': dst_idx,
        'trophic': trophic,
        'ema_coact': ema_coact,
        'active': active,
        'bdnf': bdnf,
        'ngf': ngf,
    }


def reference(activities, src_idx, dst_idx, trophic, ema_coact, active, bdnf, ngf):
    # scalar neurotrophin clamps (same math as the torch module)
    bdnf_eff = jnp.clip(bdnf[0] * 0.05, 0.0, 0.05)
    ngf_eff = jnp.clip(ngf[0] * 0.01, 0.0, 0.01)
    # gather src/dst region activities per projection (dict lookup -> gather)
    a = jnp.take(activities, src_idx, axis=0)  # [N, B]
    b = jnp.take(activities, dst_idx, axis=0)  # [N, B]
    co = jnp.clip(jnp.mean(a * b, axis=1), 0.0, 1.0)  # [N]
    # EMA of co-activity (each i depends only on its own prior state, so the
    # sequential python loop vectorizes exactly)
    new_ema = 0.95 * ema_coact + 0.05 * co
    growth = (bdnf_eff + BDNF_BASELINE) * (0.1 + new_ema)
    decay = ngf_eff + NGF_DECAY + 0.001 * (1.0 - new_ema)
    new_trophic = jnp.clip(trophic + growth - decay, 0.0, 1.0)
    pruned = new_trophic < PRUNE_THRESHOLD
    resprout = (new_trophic > PRUNE_THRESHOLD * 2.0) & (active == 0.0)
    new_active = jnp.where(pruned, 0.0, jnp.where(resprout, 1.0, active))
    # gain() applied to every projection (vectorized)
    gains = new_active * (0.2 + 1.6 * new_trophic)
    return new_trophic, new_active, new_ema, gains

if __name__ == "__main__":
    import jax
    _d = setup_inputs()
    print(jax.jit(kernel)(*tuple(_d.values())))

</pallas_src>

<mosaic_0001>
#map = affine_map<(d0, d1) -> (0, 0)>
#map1 = affine_map<(d0, d1) -> (0)>
module attributes {stable_mosaic.version = 14 : i64} {
  func.func @_sc_body(%arg0: i32, %arg1: i32, %arg2: memref<8192x256xf32, #tpu.memory_space<hbm>>, %arg3: memref<65536xi32, #tpu.memory_space<hbm>>, %arg4: memref<65536xi32, #tpu.memory_space<hbm>>, %arg5: memref<65536xf32, #tpu.memory_space<hbm>>, %arg6: memref<65536xf32, #tpu.memory_space<hbm>>, %arg7: memref<65536xf32, #tpu.memory_space<hbm>>, %arg8: memref<2x16xf32, #tpu.memory_space<hbm>>, %arg9: memref<65536xf32, #tpu.memory_space<hbm>>, %arg10: memref<65536xf32, #tpu.memory_space<hbm>>, %arg11: memref<65536xf32, #tpu.memory_space<hbm>>, %arg12: memref<65536xf32, #tpu.memory_space<hbm>>, %arg13: memref<2048xi32, #tpu.memory_space<vmem>>, %arg14: memref<2048xi32, #tpu.memory_space<vmem>>, %arg15: memref<32x256xf32, #tpu.memory_space<vmem>>, %arg16: memref<32x256xf32, #tpu.memory_space<vmem>>, %arg17: memref<32x256xf32, #tpu.memory_space<vmem>>, %arg18: memref<32x256xf32, #tpu.memory_space<vmem>>, %arg19: memref<32x256xf32, #tpu.memory_space<vmem>>, %arg20: memref<32x256xf32, #tpu.memory_space<vmem>>, %arg21: memref<32x256xf32, #tpu.memory_space<vmem>>, %arg22: memref<32x256xf32, #tpu.memory_space<vmem>>, %arg23: memref<48xf32, #tpu.memory_space<vmem>>, %arg24: memref<2048xf32, #tpu.memory_space<vmem>>, %arg25: memref<2048xf32, #tpu.memory_space<vmem>>, %arg26: memref<2048xf32, #tpu.memory_space<vmem>>, %arg27: memref<2048xf32, #tpu.memory_space<vmem>>, %arg28: memref<2048xf32, #tpu.memory_space<vmem>>, %arg29: memref<2048xf32, #tpu.memory_space<vmem>>, %arg30: memref<2048xf32, #tpu.memory_space<vmem>>, %arg31: memref<2x16xf32, #tpu.memory_space<vmem>>, %arg32: memref<!tpu.dma_semaphore, #tpu.memory_space<semaphore_mem>>, %arg33: memref<!tpu.dma_semaphore, #tpu.memory_space<semaphore_mem>>, %arg34: memref<!tpu.dma_semaphore, #tpu.memory_space<semaphore_mem>>, %arg35: memref<!tpu.dma_semaphore, #tpu.memory_space<semaphore_mem>>, %arg36: memref<!tpu.dma_semaphore, #tpu.memory_space<semaphore_mem>>, %arg37: memref<!tpu.dma_semaphore, #tpu.memory_space<semaphore_mem>>, %arg38: memref<!tpu.dma_semaphore, #tpu.memory_space<semaphore_mem>>, %arg39: memref<!tpu.dma_semaphore, #tpu.memory_space<semaphore_mem>>, %arg40: memref<!tpu.dma_semaphore, #tpu.memory_space<semaphore_mem>>) attributes {dimension_semantics = [#tpu.dimension_semantics<core_parallel>, #tpu.dimension_semantics<subcore_parallel>], iteration_bounds = array<i64: 2, 16>, scalar_prefetch = 0 : i64, scratch_operands = 28 : i64, tpu.core_type = #tpu.core_type<sc_vector_subcore>, window_params = [{transform_indices = #map}, {transform_indices = #map1}, {transform_indices = #map1}, {transform_indices = #map1}, {transform_indices = #map1}, {transform_indices = #map1}, {transform_indices = #map}, {transform_indices = #map1}, {transform_indices = #map1}, {transform_indices = #map1}, {transform_indices = #map1}]} {
    %mul3A = arith.constant 2 : i32
    %mul3A_0 = arith.muli %arg1, %mul3A : i32
    %add3A = arith.addi %mul3A_0, %arg0 : i32
    %mul3A_1 = arith.constant 2048 : i32
    %mul3A_2 = arith.muli %add3A, %mul3A_1 : i32
    %dma_start3A = tpu.memref_slice %arg3[%mul3A_2] : memref<65536xi32, #tpu.memory_space<hbm>> -> memref<2048xi32, #tpu.memory_space<hbm>>
    %dma_start3A_3 = tpu.memref_slice %arg3[%mul3A_2] : memref<65536xi32, #tpu.memory_space<hbm>> -> memref<2048xi32, #tpu.memory_space<hbm>>
    tpu.enqueue_dma source(%dma_start3A_3 : memref<2048xi32, #tpu.memory_space<hbm>>) target(%arg13 : memref<2048xi32, #tpu.memory_space<vmem>>) target_semaphore(%arg40 : memref<!tpu.dma_semaphore, #tpu.memory_space<semaphore_mem>>)
    %dma_start3A_4 = tpu.memref_slice %arg4[%mul3A_2] : memref<65536xi32, #tpu.memory_space<hbm>> -> memref<2048xi32, #tpu.memory_space<hbm>>
    %dma_start3A_5 = tpu.memref_slice %arg4[%mul3A_2] : memref<65536xi32, #tpu.memory_space<hbm>> -> memref<2048xi32, #tpu.memory_space<hbm>>
    tpu.enqueue_dma source(%dma_start3A_5 : memref<2048xi32, #tpu.memory_space<hbm>>) target(%arg14 : memref<2048xi32, #tpu.memory_space<vmem>>) target_semaphore(%arg40 : memref<!tpu.dma_semaphore, #tpu.memory_space<semaphore_mem>>)
    %dma_wait3A = tpu.memref_slice %arg3[%mul3A_2] : memref<65536xi32, #tpu.memory_space<hbm>> -> memref<2048xi32, #tpu.memory_space<hbm>>
    %dma_wait3A_6 = tpu.memref_slice %arg3[%mul3A_2] : memref<65536xi32, #tpu.memory_space<hbm>> -> memref<2048xi32, #tpu.memory_space<hbm>>
    tpu.wait_dma2 semaphore(%arg40 : memref<!tpu.dma_semaphore, #tpu.memory_space<semaphore_mem>>) src(%dma_wait3A_6 : memref<2048xi32, #tpu.memory_space<hbm>>) dst(%arg13 : memref<2048xi32, #tpu.memory_space<vmem>>)
    %dma_wait3A_7 = tpu.memref_slice %arg4[%mul3A_2] : memref<65536xi32, #tpu.memory_space<hbm>> -> memref<2048xi32, #tpu.memory_space<hbm>>
    %dma_wait3A_8 = tpu.memref_slice %arg4[%mul3A_2] : memref<65536xi32, #tpu.memory_space<hbm>> -> memref<2048xi32, #tpu.memory_space<hbm>>
    tpu.wait_dma2 semaphore(%arg40 : memref<!tpu.dma_semaphore, #tpu.memory_space<semaphore_mem>>) src(%dma_wait3A_8 : memref<2048xi32, #tpu.memory_space<hbm>>) dst(%arg14 : memref<2048xi32, #tpu.memory_space<vmem>>)
    %iota3A = tpu.iota {dimensions = array<i32: 0>} : vector<16xi32>
    %eq3A = arith.constant 15 : i32
    %eq3A_9 = vector.broadcast %eq3A : i32 to vector<16xi32>
    %eq3A_10 = arith.cmpi eq, %iota3A, %eq3A_9 : vector<16xi32>
    %dma_start3A_11 = arith.constant 0 : i32
    %dma_start3A_12 = tpu.memref_slice %arg13[%dma_start3A_11] : memref<2048xi32, #tpu.memory_space<vmem>> -> memref<32xi32, #tpu.memory_space<vmem>>
    %dma_start3A_13 = arith.constant 0 : i32
    %dma_start3A_14 = arith.constant 0 : i32
    %dma_start3A_15 = tpu.memref_slice %arg2[%dma_start3A_13, %dma_start3A_14] : memref<8192x256xf32, #tpu.memory_space<hbm>> -> memref<8192x256xf32, #tpu.memory_space<hbm>>
    tpu.enqueue_indirect_dma source(%dma_start3A_15 : memref<8192x256xf32, #tpu.memory_space<hbm>>) target(%arg15 : memref<32x256xf32, #tpu.memory_space<vmem>>) offsets(%dma_start3A_12 : memref<32xi32, #tpu.memory_space<vmem>>) semaphore(%arg32 : memref<!tpu.dma_semaphore, #tpu.memory_space<semaphore_mem>>)
    %dma_start3A_16 = arith.constant 0 : i32
    %dma_start3A_17 = tpu.memref_slice %arg14[%dma_start3A_16] : memref<2048xi32, #tpu.memory_space<vmem>> -> memref<32xi32, #tpu.memory_space<vmem>>
    %dma_start3A_18 = arith.constant 0 : i32
    %dma_start3A_19 = arith.constant 0 : i32
    %dma_start3A_20 = tpu.memref_slice %arg2[%dma_start3A_18, %dma_start3A_19] : memref<8192x256xf32, #tpu.memory_space<hbm>> -> memref<8192x256xf32, #tpu.memory_space<hbm>>
    tpu.enqueue_indirect_dma source(%dma_start3A_20 : memref<8192x256xf32, #tpu.memory_space<hbm>>) target(%arg16 : memref<32x256xf32, #tpu.memory_space<vmem>>) offsets(%dma_start3A_17 : memref<32xi32, #tpu.memory_space<vmem>>) semaphore(%arg33 : memref<!tpu.dma_semaphore, #tpu.memory_space<semaphore_mem>>)
    %dma_start3A_21 = arith.constant 32 : i32
    %dma_start3A_22 = tpu.memref_slice %arg13[%dma_start3A_21] : memref<2048xi32, #tpu.memory_space<vmem>> -> memref<32xi32, #tpu.memory_space<vmem>>
    %dma_start3A_23 = arith.constant 0 : i32
    %dma_start3A_24 = arith.constant 0 : i32
    %dma_start3A_25 = tpu.memref_slice %arg2[%dma_start3A_23, %dma_start3A_24] : memref<8192x256xf32, #tpu.memory_space<hbm>> -> memref<8192x256xf32, #tpu.memory_space<hbm>>
    tpu.enqueue_indirect_dma source(%dma_start3A_25 : memref<8192x256xf32, #tpu.memory_space<hbm>>) target(%arg17 : memref<32x256xf32, #tpu.memory_space<vmem>>) offsets(%dma_start3A_22 : memref<32xi32, #tpu.memory_space<vmem>>) semaphore(%arg34 : memref<!tpu.dma_semaphore, #tpu.memory_space<semaphore_mem>>)
    %dma_start3A_26 = arith.constant 32 : i32
    %dma_start3A_27 = tpu.memref_slice %arg14[%dma_start3A_26] : memref<2048xi32, #tpu.memory_space<vmem>> -> memref<32xi32, #tpu.memory_space<vmem>>
    %dma_start3A_28 = arith.constant 0 : i32
    %dma_start3A_29 = arith.constant 0 : i32
    %dma_start3A_30 = tpu.memref_slice %arg2[%dma_start3A_28, %dma_start3A_29] : memref<8192x256xf32, #tpu.memory_space<hbm>> -> memref<8192x256xf32, #tpu.memory_space<hbm>>
    tpu.enqueue_indirect_dma source(%dma_start3A_30 : memref<8192x256xf32, #tpu.memory_space<hbm>>) target(%arg18 : memref<32x256xf32, #tpu.memory_space<vmem>>) offsets(%dma_start3A_27 : memref<32xi32, #tpu.memory_space<vmem>>) semaphore(%arg35 : memref<!tpu.dma_semaphore, #tpu.memory_space<semaphore_mem>>)
    %dma_start3A_31 = arith.constant 64 : i32
    %dma_start3A_32 = tpu.memref_slice %arg13[%dma_start3A_31] : memref<2048xi32, #tpu.memory_space<vmem>> -> memref<32xi32, #tpu.memory_space<vmem>>
    %dma_start3A_33 = arith.constant 0 : i32
    %dma_start3A_34 = arith.constant 0 : i32
    %dma_start3A_35 = tpu.memref_slice %arg2[%dma_start3A_33, %dma_start3A_34] : memref<8192x256xf32, #tpu.memory_space<hbm>> -> memref<8192x256xf32, #tpu.memory_space<hbm>>
    tpu.enqueue_indirect_dma source(%dma_start3A_35 : memref<8192x256xf32, #tpu.memory_space<hbm>>) target(%arg19 : memref<32x256xf32, #tpu.memory_space<vmem>>) offsets(%dma_start3A_32 : memref<32xi32, #tpu.memory_space<vmem>>) semaphore(%arg36 : memref<!tpu.dma_semaphore, #tpu.memory_space<semaphore_mem>>)
    %dma_start3A_36 = arith.constant 64 : i32
    %dma_start3A_37 = tpu.memref_slice %arg14[%dma_start3A_36] : memref<2048xi32, #tpu.memory_space<vmem>> -> memref<32xi32, #tpu.memory_space<vmem>>
    %dma_start3A_38 = arith.constant 0 : i32
    %dma_start3A_39 = arith.constant 0 : i32
    %dma_start3A_40 = tpu.memref_slice %arg2[%dma_start3A_38, %dma_start3A_39] : memref<8192x256xf32, #tpu.memory_space<hbm>> -> memref<8192x256xf32, #tpu.memory_space<hbm>>
    tpu.enqueue_indirect_dma source(%dma_start3A_40 : memref<8192x256xf32, #tpu.memory_space<hbm>>) target(%arg20 : memref<32x256xf32, #tpu.memory_space<vmem>>) offsets(%dma_start3A_37 : memref<32xi32, #tpu.memory_space<vmem>>) semaphore(%arg37 : memref<!tpu.dma_semaphore, #tpu.memory_space<semaphore_mem>>)
    %dma_start3A_41 = tpu.memref_slice %arg5[%mul3A_2] : memref<65536xf32, #tpu.memory_space<hbm>> -> memref<2048xf32, #tpu.memory_space<hbm>>
    %dma_start3A_42 = tpu.memref_slice %arg5[%mul3A_2] : memref<65536xf32, #tpu.memory_space<hbm>> -> memref<2048xf32, #tpu.memory_space<hbm>>
    tpu.enqueue_dma source(%dma_start3A_42 : memref<2048xf32, #tpu.memory_space<hbm>>) target(%arg24 : memref<2048xf32, #tpu.memory_space<vmem>>) target_semaphore(%arg40 : memref<!tpu.dma_semaphore, #tpu.memory_space<semaphore_mem>>)
    %dma_start3A_43 = tpu.memref_slice %arg6[%mul3A_2] : memref<65536xf32, #tpu.memory_space<hbm>> -> memref<2048xf32, #tpu.memory_space<hbm>>
    %dma_start3A_44 = tpu.memref_slice %arg6[%mul3A_2] : memref<65536xf32, #tpu.memory_space<hbm>> -> memref<2048xf32, #tpu.memory_space<hbm>>
    tpu.enqueue_dma source(%dma_start3A_44 : memref<2048xf32, #tpu.memory_space<hbm>>) target(%arg25 : memref<2048xf32, #tpu.memory_space<vmem>>) target_semaphore(%arg40 : memref<!tpu.dma_semaphore, #tpu.memory_space<semaphore_mem>>)
    %dma_start3A_45 = tpu.memref_slice %arg7[%mul3A_2] : memref<65536xf32, #tpu.memory_space<hbm>> -> memref<2048xf32, #tpu.memory_space<hbm>>
    %dma_start3A_46 = tpu.memref_slice %arg7[%mul3A_2] : memref<65536xf32, #tpu.memory_space<hbm>> -> memref<2048xf32, #tpu.memory_space<hbm>>
    tpu.enqueue_dma source(%dma_start3A_46 : memref<2048xf32, #tpu.memory_space<hbm>>) target(%arg26 : memref<2048xf32, #tpu.memory_space<vmem>>) target_semaphore(%arg40 : memref<!tpu.dma_semaphore, #tpu.memory_space<semaphore_mem>>)
    tpu.enqueue_dma source(%arg8 : memref<2x16xf32, #tpu.memory_space<hbm>>) target(%arg31 : memref<2x16xf32, #tpu.memory_space<vmem>>) target_semaphore(%arg40 : memref<!tpu.dma_semaphore, #tpu.memory_space<semaphore_mem>>)
    %dma_wait3A_47 = tpu.memref_slice %arg5[%mul3A_2] : memref<65536xf32, #tpu.memory_space<hbm>> -> memref<2048xf32, #tpu.memory_space<hbm>>
    %dma_wait3A_48 = tpu.memref_slice %arg5[%mul3A_2] : memref<65536xf32, #tpu.memory_space<hbm>> -> memref<2048xf32, #tpu.memory_space<hbm>>
    tpu.wait_dma2 semaphore(%arg40 : memref<!tpu.dma_semaphore, #tpu.memory_space<semaphore_mem>>) src(%dma_wait3A_48 : memref<2048xf32, #tpu.memory_space<hbm>>) dst(%arg24 : memref<2048xf32, #tpu.memory_space<vmem>>)
    %dma_wait3A_49 = tpu.memref_slice %arg6[%mul3A_2] : memref<65536xf32, #tpu.memory_space<hbm>> -> memref<2048xf32, #tpu.memory_space<hbm>>
    %dma_wait3A_50 = tpu.memref_slice %arg6[%mul3A_2] : memref<65536xf32, #tpu.memory_space<hbm>> -> memref<2048xf32, #tpu.memory_space<hbm>>
    tpu.wait_dma2 semaphore(%arg40 : memref<!tpu.dma_semaphore, #tpu.memory_space<semaphore_mem>>) src(%dma_wait3A_50 : memref<2048xf32, #tpu.memory_space<hbm>>) dst(%arg25 : memref<2048xf32, #tpu.memory_space<vmem>>)
    %dma_wait3A_51 = tpu.memref_slice %arg7[%mul3A_2] : memref<65536xf32, #tpu.memory_space<hbm>> -> memref<2048xf32, #tpu.memory_space<hbm>>
    %dma_wait3A_52 = tpu.memref_slice %arg7[%mul3A_2] : memref<65536xf32, #tpu.memory_space<hbm>> -> memref<2048xf32, #tpu.memory_space<hbm>>
    tpu.wait_dma2 semaphore(%arg40 : memref<!tpu.dma_semaphore, #tpu.memory_space<semaphore_mem>>) src(%dma_wait3A_52 : memref<2048xf32, #tpu.memory_space<hbm>>) dst(%arg26 : memref<2048xf32, #tpu.memory_space<vmem>>)
    tpu.wait_dma2 semaphore(%arg40 : memref<!tpu.dma_semaphore, #tpu.memory_space<semaphore_mem>>) src(%arg8 : memref<2x16xf32, #tpu.memory_space<hbm>>) dst(%arg31 : memref<2x16xf32, #tpu.memory_space<vmem>>)
    %get3A = arith.constant 0 : i32
    %get3A_53 = arith.index_cast %get3A : i32 to index
    %get3A_54 = arith.constant 0 : index
    %get3A_55 = tpu.vector_load %arg31[%get3A_53, %get3A_54] {strides = array<i32>} : memref<2x16xf32, #tpu.memory_space<vmem>>, vector<16xf32>,
    %get3A_56 = arith.constant 1 : i32
    %get3A_57 = arith.index_cast %get3A_56 : i32 to index
    %get3A_58 = arith.constant 0 : index
    %get3A_59 = tpu.vector_load %arg31[%get3A_57, %get3A_58] {strides = array<i32>} : memref<2x16xf32, #tpu.memory_space<vmem>>, vector<16xf32>,
    %scan3A = arith.constant 0 : i32
    %scan3A_60 = arith.constant 0 : i32
    %scan3A_61 = arith.constant 16 : i32
    %scan3A_62 = arith.addi %scan3A_60, %scan3A_61 : i32
    %scan3A_63 = arith.constant 1 : i32
    %scan3A_64 = scf.for %scan3A_66 = %scan3A_60 to %scan3A_62 step %scan3A_63 iter_args(%scan3A_67 = %scan3A) -> (i32)  : i32 {
      %mul3A_68 = arith.constant 4 : i32
      %mul3A_69 = arith.muli %scan3A_66, %mul3A_68 : i32
      %add3A_70 = arith.constant 0 : i32
      %add3A_71 = arith.addi %mul3A_69, %add3A_70 : i32
      %add3A_72 = arith.constant 4 : i32
      %add3A_73 = arith.addi %add3A_71, %add3A_72 : i32
      %sub3A = arith.constant 1 : i32
      %sub3A_74 = arith.subi %add3A_73, %sub3A : i32
      %lt3A = arith.constant 64 : i32
      %lt3A_75 = arith.cmpi slt, %sub3A_74, %lt3A : i32
      %convert_element_type3A = arith.extui %lt3A_75 : i1 to i32
      %cond3A = arith.constant 0 : i32
      %cond3A_76 = arith.cmpi ne, %convert_element_type3A, %cond3A : i32
      scf.if %cond3A_76 {
        %add3A_182 = arith.constant 4 : i32
        %add3A_183 = arith.addi %add3A_71, %add3A_182 : i32
        %sub3A_184 = arith.constant 1 : i32
        %sub3A_185 = arith.subi %add3A_183, %sub3A_184 : i32
        %mul3A_186 = arith.constant 32 : i32
        %mul3A_187 = arith.muli %sub3A_185, %mul3A_186 : i32
        %dma_start3A_188 = tpu.memref_slice %arg13[%mul3A_187] : memref<2048xi32, #tpu.memory_space<vmem>> -> memref<32xi32, #tpu.memory_space<vmem>>
        %dma_start3A_189 = arith.constant 0 : i32
        %dma_start3A_190 = arith.constant 0 : i32
        %dma_start3A_191 = tpu.memref_slice %arg2[%dma_start3A_189, %dma_start3A_190] : memref<8192x256xf32, #tpu.memory_space<hbm>> -> memref<8192x256xf32, #tpu.memory_space<hbm>>
        tpu.enqueue_indirect_dma source(%dma_start3A_191 : memref<8192x256xf32, #tpu.memory_space<hbm>>) target(%arg21 : memref<32x256xf32, #tpu.memory_space<vmem>>) offsets(%dma_start3A_188 : memref<32xi32, #tpu.memory_space<vmem>>) semaphore(%arg38 : memref<!tpu.dma_semaphore, #tpu.memory_space<semaphore_mem>>)
        %dma_start3A_192 = tpu.memref_slice %arg14[%mul3A_187] : memref<2048xi32, #tpu.memory_space<vmem>> -> memref<32xi32, #tpu.memory_space<vmem>>
        %dma_start3A_193 = arith.constant 0 : i32
        %dma_start3A_194 = arith.constant 0 : i32
        %dma_start3A_195 = tpu.memref_slice %arg2[%dma_start3A_193, %dma_start3A_194] : memref<8192x256xf32, #tpu.memory_space<hbm>> -> memref<8192x256xf32, #tpu.memory_space<hbm>>
        tpu.enqueue_indirect_dma source(%dma_start3A_195 : memref<8192x256xf32, #tpu.memory_space<hbm>>) target(%arg22 : memref<32x256xf32, #tpu.memory_space<vmem>>) offsets(%dma_start3A_192 : memref<32xi32, #tpu.memory_space<vmem>>) semaphore(%arg39 : memref<!tpu.dma_semaphore, #tpu.memory_space<semaphore_mem>>)
      } else {
      }
      %mul3A_77 = arith.constant 32 : i32
      %mul3A_78 = arith.muli %add3A_71, %mul3A_77 : i32
      %dma_wait3A_79 = tpu.memref_slice %arg13[%mul3A_78] : memref<2048xi32, #tpu.memory_space<vmem>> -> memref<32xi32, #tpu.memory_space<vmem>>
      %dma_wait3A_80 = arith.constant 0 : i32
      %dma_wait3A_81 = arith.constant 0 : i32
      %dma_wait3A_82 = tpu.memref_slice %arg2[%dma_wait3A_80, %dma_wait3A_81] : memref<8192x256xf32, #tpu.memory_space<hbm>> -> memref<8192x256xf32, #tpu.memory_space<hbm>>
      tpu.wait_indirect_dma semaphore(%arg32 : memref<!tpu.dma_semaphore, #tpu.memory_space<semaphore_mem>>) src(%dma_wait3A_82 : memref<8192x256xf32, #tpu.memory_space<hbm>>) dst(%arg15 : memref<32x256xf32, #tpu.memory_space<vmem>>)
      %dma_wait3A_83 = tpu.memref_slice %arg14[%mul3A_78] : memref<2048xi32, #tpu.memory_space<vmem>> -> memref<32xi32, #tpu.memory_space<vmem>>
      %dma_wait3A_84 = arith.constant 0 : i32
      %dma_wait3A_85 = arith.constant 0 : i32
      %dma_wait3A_86 = tpu.memref_slice %arg2[%dma_wait3A_84, %dma_wait3A_85] : memref<8192x256xf32, #tpu.memory_space<hbm>> -> memref<8192x256xf32, #tpu.memory_space<hbm>>
      tpu.wait_indirect_dma semaphore(%arg33 : memref<!tpu.dma_semaphore, #tpu.memory_space<semaphore_mem>>) src(%dma_wait3A_86 : memref<8192x256xf32, #tpu.memory_space<hbm>>) dst(%arg16 : memref<32x256xf32, #tpu.memory_space<vmem>>)
      %mul3A_87 = arith.constant 32 : i32
      %mul3A_88 = arith.muli %add3A_71, %mul3A_87 : i32
      %parallel_loop3A = arith.constant 0 : i32
      %parallel_loop3A_89 = arith.constant 32 : i32
      %parallel_loop3A_90 = arith.constant 1 : i32
      scf.for %parallel_loop3A_182 = %parallel_loop3A to %parallel_loop3A_89 step %parallel_loop3A_90  : i32 {
        %parallel_loop3A_183 = arith.index_cast %parallel_loop3A_182 : i32 to index
        %parallel_loop3A_184 = arith.constant 0 : index
        %parallel_loop3A_185 = tpu.vector_load %arg15[%parallel_loop3A_183, %parallel_loop3A_184] {strides = array<i32>} : memref<32x256xf32, #tpu.memory_space<vmem>>, vector<16xf32>,
        %parallel_loop3A_186 = arith.index_cast %parallel_loop3A_182 : i32 to index
        %parallel_loop3A_187 = arith.constant 0 : index
        %parallel_loop3A_188 = tpu.vector_load %arg16[%parallel_loop3A_186, %parallel_loop3A_187] {strides = array<i32>} : memref<32x256xf32, #tpu.memory_space<vmem>>, vector<16xf32>,
        %parallel_loop3A_189 = arith.mulf %parallel_loop3A_185, %parallel_loop3A_188 : vector<16xf32>
        %parallel_loop3A_190 = arith.index_cast %parallel_loop3A_182 : i32 to index
        %parallel_loop3A_191 = arith.constant 16 : index
        %parallel_loop3A_192 = tpu.vector_load %arg15[%parallel_loop3A_190, %parallel_loop3A_191] {strides = array<i32>} : memref<32x256xf32, #tpu.memory_space<vmem>>, vector<16xf32>,
        %parallel_loop3A_193 = arith.index_cast %parallel_loop3A_182 : i32 to index
        %parallel_loop3A_194 = arith.constant 16 : index
        %parallel_loop3A_195 = tpu.vector_load %arg16[%parallel_loop3A_193, %parallel_loop3A_194] {strides = array<i32>} : memref<32x256xf32, #tpu.memory_space<vmem>>, vector<16xf32>,
        %parallel_loop3A_196 = arith.mulf %parallel_loop3A_192, %parallel_loop3A_195 : vector<16xf32>
        %parallel_loop3A_197 = arith.addf %parallel_loop3A_189, %parallel_loop3A_196 : vector<16xf32>
        %parallel_loop3A_198 = arith.index_cast %parallel_loop3A_182 : i32 to index
        %parallel_loop3A_199 = arith.constant 32 : index
        %parallel_loop3A_200 = tpu.vector_load %arg15[%parallel_loop3A_198, %parallel_loop3A_199] {strides = array<i32>} : memref<32x256xf32, #tpu.memory_space<vmem>>, vector<16xf32>,
        %parallel_loop3A_201 = arith.index_cast %parallel_loop3A_182 : i32 to index
        %parallel_loop3A_202 = arith.constant 32 : index
        %parallel_loop3A_203 = tpu.vector_load %arg16[%parallel_loop3A_201, %parallel_loop3A_202] {strides = array<i32>} : memref<32x256xf32, #tpu.memory_space<vmem>>, vector<16xf32>,
        %parallel_loop3A_204 = arith.mulf %parallel_loop3A_200, %parallel_loop3A_203 : vector<16xf32>
        %parallel_loop3A_205 = arith.addf %parallel_loop3A_197, %parallel_loop3A_204 : vector<16xf32>
        %parallel_loop3A_206 = arith.index_cast %parallel_loop3A_182 : i32 to index
        %parallel_loop3A_207 = arith.constant 48 : index
        %parallel_loop3A_208 = tpu.vector_load %arg15[%parallel_loop3A_206, %parallel_loop3A_207] {strides = array<i32>} : memref<32x256xf32, #tpu.memory_space<vmem>>, vector<16xf32>,
        %parallel_loop3A_209 = arith.index_cast %parallel_loop3A_182 : i32 to index
        %parallel_loop3A_210 = arith.constant 48 : index
        %parallel_loop3A_211 = tpu.vector_load %arg16[%parallel_loop3A_209, %parallel_loop3A_210] {strides = array<i32>} : memref<32x256xf32, #tpu.memory_space<vmem>>, vector<16xf32>,
        %parallel_loop3A_212 = arith.mulf %parallel_loop3A_208, %parallel_loop3A_211 : vector<16xf32>
        %parallel_loop3A_213 = arith.addf %parallel_loop3A_205, %parallel_loop3A_212 : vector<16xf32>
        %parallel_loop3A_214 = arith.index_cast %parallel_loop3A_182 : i32 to index
        %parallel_loop3A_215 = arith.constant 64 : index
        %parallel_loop3A_216 = tpu.vector_load %arg15[%parallel_loop3A_214, %parallel_loop3A_215] {strides = array<i32>} : memref<32x256xf32, #tpu.memory_space<vmem>>, vector<16xf32>,
        %parallel_loop3A_217 = arith.index_cast %parallel_loop3A_182 : i32 to index
        %parallel_loop3A_218 = arith.constant 64 : index
        %parallel_loop3A_219 = tpu.vector_load %arg16[%parallel_loop3A_217, %parallel_loop3A_218] {strides = array<i32>} : memref<32x256xf32, #tpu.memory_space<vmem>>, vector<16xf32>,
        %parallel_loop3A_220 = arith.mulf %parallel_loop3A_216, %parallel_loop3A_219 : vector<16xf32>
        %parallel_loop3A_221 = arith.addf %parallel_loop3A_213, %parallel_loop3A_220 : vector<16xf32>
        %parallel_loop3A_222 = arith.index_cast %parallel_loop3A_182 : i32 to index
        %parallel_loop3A_223 = arith.constant 80 : index
        %parallel_loop3A_224 = tpu.vector_load %arg15[%parallel_loop3A_222, %parallel_loop3A_223] {strides = array<i32>} : memref<32x256xf32, #tpu.memory_space<vmem>>, vector<16xf32>,
        %parallel_loop3A_225 = arith.index_cast %parallel_loop3A_182 : i32 to index
        %parallel_loop3A_226 = arith.constant 80 : index
        %parallel_loop3A_227 = tpu.vector_load %arg16[%parallel_loop3A_225, %parallel_loop3A_226] {strides = array<i32>} : memref<32x256xf32, #tpu.memory_space<vmem>>, vector<16xf32>,
        %parallel_loop3A_228 = arith.mulf %parallel_loop3A_224, %parallel_loop3A_227 : vector<16xf32>
        %parallel_loop3A_229 = arith.addf %parallel_loop3A_221, %parallel_loop3A_228 : vector<16xf32>
        %parallel_loop3A_230 = arith.index_cast %parallel_loop3A_182 : i32 to index
        %parallel_loop3A_231 = arith.constant 96 : index
        %parallel_loop3A_232 = tpu.vector_load %arg15[%parallel_loop3A_230, %parallel_loop3A_231] {strides = array<i32>} : memref<32x256xf32, #tpu.memory_space<vmem>>, vector<16xf32>,
        %parallel_loop3A_233 = arith.index_cast %parallel_loop3A_182 : i32 to index
        %parallel_loop3A_234 = arith.constant 96 : index
        %parallel_loop3A_235 = tpu.vector_load %arg16[%parallel_loop3A_233, %parallel_loop3A_234] {strides = array<i32>} : memref<32x256xf32, #tpu.memory_space<vmem>>, vector<16xf32>,
        %parallel_loop3A_236 = arith.mulf %parallel_loop3A_232, %parallel_loop3A_235 : vector<16xf32>
        %parallel_loop3A_237 = arith.addf %parallel_loop3A_229, %parallel_loop3A_236 : vector<16xf32>
        %parallel_loop3A_238 = arith.index_cast %parallel_loop3A_182 : i32 to index
        %parallel_loop3A_239 = arith.constant 112 : index
        %parallel_loop3A_240 = tpu.vector_load %arg15[%parallel_loop3A_238, %parallel_loop3A_239] {strides = array<i32>} : memref<32x256xf32, #tpu.memory_space<vmem>>, vector<16xf32>,
        %parallel_loop3A_241 = arith.index_cast %parallel_loop3A_182 : i32 to index
        %parallel_loop3A_242 = arith.constant 112 : index
        %parallel_loop3A_243 = tpu.vector_load %arg16[%parallel_loop3A_241, %parallel_loop3A_242] {strides = array<i32>} : memref<32x256xf32, #tpu.memory_space<vmem>>, vector<16xf32>,
        %parallel_loop3A_244 = arith.mulf %parallel_loop3A_240, %parallel_loop3A_243 : vector<16xf32>
        %parallel_loop3A_245 = arith.addf %parallel_loop3A_237, %parallel_loop3A_244 : vector<16xf32>
        %parallel_loop3A_246 = arith.index_cast %parallel_loop3A_182 : i32 to index
        %parallel_loop3A_247 = arith.constant 128 : index
        %parallel_loop3A_248 = tpu.vector_load %arg15[%parallel_loop3A_246, %parallel_loop3A_247] {strides = array<i32>} : memref<32x256xf32, #tpu.memory_space<vmem>>, vector<16xf32>,
        %parallel_loop3A_249 = arith.index_cast %parallel_loop3A_182 : i32 to index
        %parallel_loop3A_250 = arith.constant 128 : index
        %parallel_loop3A_251 = tpu.vector_load %arg16[%parallel_loop3A_249, %parallel_loop3A_250] {strides = array<i32>} : memref<32x256xf32, #tpu.memory_space<vmem>>, vector<16xf32>,
        %parallel_loop3A_252 = arith.mulf %parallel_loop3A_248, %parallel_loop3A_251 : vector<16xf32>
        %parallel_loop3A_253 = arith.addf %parallel_loop3A_245, %parallel_loop3A_252 : vector<16xf32>
        %parallel_loop3A_254 = arith.index_cast %parallel_loop3A_182 : i32 to index
        %parallel_loop3A_255 = arith.constant 144 : index
        %parallel_loop3A_256 = tpu.vector_load %arg15[%parallel_loop3A_254, %parallel_loop3A_255] {strides = array<i32>} : memref<32x256xf32, #tpu.memory_space<vmem>>, vector<16xf32>,
        %parallel_loop3A_257 = arith.index_cast %parallel_loop3A_182 : i32 to index
        %parallel_loop3A_258 = arith.constant 144 : index
        %parallel_loop3A_259 = tpu.vector_load %arg16[%parallel_loop3A_257, %parallel_loop3A_258] {strides = array<i32>} : memref<32x256xf32, #tpu.memory_space<vmem>>, vector<16xf32>,
        %parallel_loop3A_260 = arith.mulf %parallel_loop3A_256, %parallel_loop3A_259 : vector<16xf32>
        %parallel_loop3A_261 = arith.addf %parallel_loop3A_253, %parallel_loop3A_260 : vector<16xf32>
        %parallel_loop3A_262 = arith.index_cast %parallel_loop3A_182 : i32 to index
        %parallel_loop3A_263 = arith.constant 160 : index
        %parallel_loop3A_264 = tpu.vector_load %arg15[%parallel_loop3A_262, %parallel_loop3A_263] {strides = array<i32>} : memref<32x256xf32, #tpu.memory_space<vmem>>, vector<16xf32>,
        %parallel_loop3A_265 = arith.index_cast %parallel_loop3A_182 : i32 to index
        %parallel_loop3A_266 = arith.constant 160 : index
        %parallel_loop3A_267 = tpu.vector_load %arg16[%parallel_loop3A_265, %parallel_loop3A_266] {strides = array<i32>} : memref<32x256xf32, #tpu.memory_space<vmem>>, vector<16xf32>,
        %parallel_loop3A_268 = arith.mulf %parallel_loop3A_264, %parallel_loop3A_267 : vector<16xf32>
        %parallel_loop3A_269 = arith.addf %parallel_loop3A_261, %parallel_loop3A_268 : vector<16xf32>
        %parallel_loop3A_270 = arith.index_cast %parallel_loop3A_182 : i32 to index
        %parallel_loop3A_271 = arith.constant 176 : index
        %parallel_loop3A_272 = tpu.vector_load %arg15[%parallel_loop3A_270, %parallel_loop3A_271] {strides = array<i32>} : memref<32x256xf32, #tpu.memory_space<vmem>>, vector<16xf32>,
        %parallel_loop3A_273 = arith.index_cast %parallel_loop3A_182 : i32 to index
        %parallel_loop3A_274 = arith.constant 176 : index
        %parallel_loop3A_275 = tpu.vector_load %arg16[%parallel_loop3A_273, %parallel_loop3A_274] {strides = array<i32>} : memref<32x256xf32, #tpu.memory_space<vmem>>, vector<16xf32>,
        %parallel_loop3A_276 = arith.mulf %parallel_loop3A_272, %parallel_loop3A_275 : vector<16xf32>
        %parallel_loop3A_277 = arith.addf %parallel_loop3A_269, %parallel_loop3A_276 : vector<16xf32>
        %parallel_loop3A_278 = arith.index_cast %parallel_loop3A_182 : i32 to index
        %parallel_loop3A_279 = arith.constant 192 : index
        %parallel_loop3A_280 = tpu.vector_load %arg15[%parallel_loop3A_278, %parallel_loop3A_279] {strides = array<i32>} : memref<32x256xf32, #tpu.memory_space<vmem>>, vector<16xf32>,
        %parallel_loop3A_281 = arith.index_cast %parallel_loop3A_182 : i32 to index
        %parallel_loop3A_282 = arith.constant 192 : index
        %parallel_loop3A_283 = tpu.vector_load %arg16[%parallel_loop3A_281, %parallel_loop3A_282] {strides = array<i32>} : memref<32x256xf32, #tpu.memory_space<vmem>>, vector<16xf32>,
        %parallel_loop3A_284 = arith.mulf %parallel_loop3A_280, %parallel_loop3A_283 : vector<16xf32>
        %parallel_loop3A_285 = arith.addf %parallel_loop3A_277, %parallel_loop3A_284 : vector<16xf32>
        %parallel_loop3A_286 = arith.index_cast %parallel_loop3A_182 : i32 to index
        %parallel_loop3A_287 = arith.constant 208 : index
        %parallel_loop3A_288 = tpu.vector_load %arg15[%parallel_loop3A_286, %parallel_loop3A_287] {strides = array<i32>} : memref<32x256xf32, #tpu.memory_space<vmem>>, vector<16xf32>,
        %parallel_loop3A_289 = arith.index_cast %parallel_loop3A_182 : i32 to index
        %parallel_loop3A_290 = arith.constant 208 : index
        %parallel_loop3A_291 = tpu.vector_load %arg16[%parallel_loop3A_289, %parallel_loop3A_290] {strides = array<i32>} : memref<32x256xf32, #tpu.memory_space<vmem>>, vector<16xf32>,
        %parallel_loop3A_292 = arith.mulf %parallel_loop3A_288, %parallel_loop3A_291 : vector<16xf32>
        %parallel_loop3A_293 = arith.addf %parallel_loop3A_285, %parallel_loop3A_292 : vector<16xf32>
        %parallel_loop3A_294 = arith.index_cast %parallel_loop3A_182 : i32 to index
        %parallel_loop3A_295 = arith.constant 224 : index
        %parallel_loop3A_296 = tpu.vector_load %arg15[%parallel_loop3A_294, %parallel_loop3A_295] {strides = array<i32>} : memref<32x256xf32, #tpu.memory_space<vmem>>, vector<16xf32>,
        %parallel_loop3A_297 = arith.index_cast %parallel_loop3A_182 : i32 to index
        %parallel_loop3A_298 = arith.constant 224 : index
        %parallel_loop3A_299 = tpu.vector_load %arg16[%parallel_loop3A_297, %parallel_loop3A_298] {strides = array<i32>} : memref<32x256xf32, #tpu.memory_space<vmem>>, vector<16xf32>,
        %parallel_loop3A_300 = arith.mulf %parallel_loop3A_296, %parallel_loop3A_299 : vector<16xf32>
        %parallel_loop3A_301 = arith.addf %parallel_loop3A_293, %parallel_loop3A_300 : vector<16xf32>
        %parallel_loop3A_302 = arith.index_cast %parallel_loop3A_182 : i32 to index
        %parallel_loop3A_303 = arith.constant 240 : index
        %parallel_loop3A_304 = tpu.vector_load %arg15[%parallel_loop3A_302, %parallel_loop3A_303] {strides = array<i32>} : memref<32x256xf32, #tpu.memory_space<vmem>>, vector<16xf32>,
        %parallel_loop3A_305 = arith.index_cast %parallel_loop3A_182 : i32 to index
        %parallel_loop3A_306 = arith.constant 240 : index
        %parallel_loop3A_307 = tpu.vector_load %arg16[%parallel_loop3A_305, %parallel_loop3A_306] {strides = array<i32>} : memref<32x256xf32, #tpu.memory_space<vmem>>, vector<16xf32>,
        %parallel_loop3A_308 = arith.mulf %parallel_loop3A_304, %parallel_loop3A_307 : vector<16xf32>
        %parallel_loop3A_309 = arith.addf %parallel_loop3A_301, %parallel_loop3A_308 : vector<16xf32>
        %parallel_loop3A_310 = arith.constant true
        %parallel_loop3A_311 = vector.broadcast %parallel_loop3A_310 : i1 to vector<16xi1>
        %parallel_loop3A_312 = tpu.scan <sum>, %parallel_loop3A_309 masked %parallel_loop3A_311 : vector<16xf32>, vector<16xi1> -> vector<16xf32>
        %parallel_loop3A_313 = arith.index_cast %parallel_loop3A_182 : i32 to index
        %parallel_loop3A_314 = tpu.vector_load %arg23[%parallel_loop3A_313] masked %eq3A_10 {strides = array<i32>} : memref<48xf32, #tpu.memory_space<vmem>>, vector<16xf32>, vector<16xi1>
        tpu.vector_store %arg23[%parallel_loop3A_313], %parallel_loop3A_312 masked %eq3A_10 {strides = array<i32>} : memref<48xf32, #tpu.memory_space<vmem>>, vector<16xf32>, vector<16xi1>
      } {sc.loop_unroll_factor = 1 : i64, sc.parallel_access}
      %parallel_loop3A_91 = arith.constant 0 : i32
      %parallel_loop3A_92 = arith.constant 2 : i32
      %parallel_loop3A_93 = arith.constant 1 : i32
      scf.for %parallel_loop3A_182 = %parallel_loop3A_91 to %parallel_loop3A_92 step %parallel_loop3A_93  : i32 {
        %parallel_loop3A_183 = arith.constant 16 : i32
        %parallel_loop3A_184 = arith.muli %parallel_loop3A_182, %parallel_loop3A_183 : i32
        %parallel_loop3A_185 = arith.addi %mul3A_88, %parallel_loop3A_184 : i32
        %parallel_loop3A_186 = arith.constant 16 : i32
        %parallel_loop3A_187 = arith.muli %parallel_loop3A_182, %parallel_loop3A_186 : i32
        %parallel_loop3A_188 = arith.index_cast %parallel_loop3A_187 : i32 to index
        %parallel_loop3A_189 = tpu.vector_load %arg23[%parallel_loop3A_188] {strides = array<i32>} : memref<48xf32, #tpu.memory_space<vmem>>, vector<16xf32>,
        %parallel_loop3A_190 = arith.constant 3.906250e-03 : f32
        %parallel_loop3A_191 = vector.broadcast %parallel_loop3A_190 : f32 to vector<16xf32>
        %parallel_loop3A_192 = arith.mulf %parallel_loop3A_189, %parallel_loop3A_191 : vector<16xf32>
        %parallel_loop3A_193 = arith.constant 0.000000e+00 : f32
        %parallel_loop3A_194 = arith.constant 1.000000e+00 : f32
        %parallel_loop3A_195 = vector.broadcast %parallel_loop3A_193 : f32 to vector<16xf32>
        %parallel_loop3A_196 = arith.maximumf %parallel_loop3A_195, %parallel_loop3A_192 : vector<16xf32>
        %parallel_loop3A_197 = vector.broadcast %parallel_loop3A_194 : f32 to vector<16xf32>
        %parallel_loop3A_198 = arith.minimumf %parallel_loop3A_197, %parallel_loop3A_196 : vector<16xf32>
        %parallel_loop3A_199 = arith.index_cast %parallel_loop3A_185 : i32 to index
        %parallel_loop3A_200 = tpu.vector_load %arg25[%parallel_loop3A_199] {strides = array<i32>} : memref<2048xf32, #tpu.memory_space<vmem>>, vector<16xf32>,
        %parallel_loop3A_201 = arith.constant 0.949999988 : f32
        %parallel_loop3A_202 = vector.broadcast %parallel_loop3A_201 : f32 to vector<16xf32>
        %parallel_loop3A_203 = arith.mulf %parallel_loop3A_202, %parallel_loop3A_200 : vector<16xf32>
        %parallel_loop3A_204 = arith.constant 5.000000e-02 : f32
        %parallel_loop3A_205 = vector.broadcast %parallel_loop3A_204 : f32 to vector<16xf32>
        %parallel_loop3A_206 = arith.mulf %parallel_loop3A_205, %parallel_loop3A_198 : vector<16xf32>
        %parallel_loop3A_207 = arith.addf %parallel_loop3A_203, %parallel_loop3A_206 : vector<16xf32>
        %parallel_loop3A_208 = arith.index_cast %parallel_loop3A_185 : i32 to index
        %parallel_loop3A_209 = tpu.vector_load %arg24[%parallel_loop3A_208] {strides = array<i32>} : memref<2048xf32, #tpu.memory_space<vmem>>, vector<16xf32>,
        %parallel_loop3A_210 = arith.mulf %get3A_59, %parallel_loop3A_207 : vector<16xf32>
        %parallel_loop3A_211 = arith.addf %get3A_55, %parallel_loop3A_210 : vector<16xf32>
        %parallel_loop3A_212 = arith.addf %parallel_loop3A_209, %parallel_loop3A_211 : vector<16xf32>
        %parallel_loop3A_213 = arith.constant 0.000000e+00 : f32
        %parallel_loop3A_214 = arith.constant 1.000000e+00 : f32
        %parallel_loop3A_215 = vector.broadcast %parallel_loop3A_213 : f32 to vector<16xf32>
        %parallel_loop3A_216 = arith.maximumf %parallel_loop3A_215, %parallel_loop3A_212 : vector<16xf32>
        %parallel_loop3A_217 = vector.broadcast %parallel_loop3A_214 : f32 to vector<16xf32>
        %parallel_loop3A_218 = arith.minimumf %parallel_loop3A_217, %parallel_loop3A_216 : vector<16xf32>
        %parallel_loop3A_219 = arith.index_cast %parallel_loop3A_185 : i32 to index
        %parallel_loop3A_220 = tpu.vector_load %arg26[%parallel_loop3A_219] {strides = array<i32>} : memref<2048xf32, #tpu.memory_space<vmem>>, vector<16xf32>,
        %parallel_loop3A_221 = arith.constant 5.000000e-02 : f32
        %parallel_loop3A_222 = vector.broadcast %parallel_loop3A_221 : f32 to vector<16xf32>
        %parallel_loop3A_223 = arith.cmpf olt, %parallel_loop3A_218, %parallel_loop3A_222 : vector<16xf32>
        %parallel_loop3A_224 = arith.constant 1.000000e-01 : f32
        %parallel_loop3A_225 = vector.broadcast %parallel_loop3A_224 : f32 to vector<16xf32>
        %parallel_loop3A_226 = arith.cmpf ogt, %parallel_loop3A_218, %parallel_loop3A_225 : vector<16xf32>
        %parallel_loop3A_227 = arith.constant 0.000000e+00 : f32
        %parallel_loop3A_228 = vector.broadcast %parallel_loop3A_227 : f32 to vector<16xf32>
        %parallel_loop3A_229 = arith.cmpf oeq, %parallel_loop3A_220, %parallel_loop3A_228 : vector<16xf32>
        %parallel_loop3A_230 = arith.andi %parallel_loop3A_226, %parallel_loop3A_229 : vector<16xi1>
        %parallel_loop3A_231 = arith.constant 1.000000e+00 : f32
        %parallel_loop3A_232 = vector.broadcast %parallel_loop3A_231 : f32 to vector<16xf32>
        %parallel_loop3A_233 = arith.select %parallel_loop3A_230, %parallel_loop3A_232, %parallel_loop3A_220 : vector<16xi1>, vector<16xf32>
        %parallel_loop3A_234 = arith.constant 0.000000e+00 : f32
        %parallel_loop3A_235 = vector.broadcast %parallel_loop3A_234 : f32 to vector<16xf32>
        %parallel_loop3A_236 = arith.select %parallel_loop3A_223, %parallel_loop3A_235, %parallel_loop3A_233 : vector<16xi1>, vector<16xf32>
        %parallel_loop3A_237 = arith.index_cast %parallel_loop3A_185 : i32 to index
        %parallel_loop3A_238 = tpu.vector_load %arg27[%parallel_loop3A_237] {strides = array<i32>} : memref<2048xf32, #tpu.memory_space<vmem>>, vector<16xf32>,
        tpu.vector_store %arg27[%parallel_loop3A_237], %parallel_loop3A_218 {strides = array<i32>} : memref<2048xf32, #tpu.memory_space<vmem>>, vector<16xf32>,
        %parallel_loop3A_239 = arith.index_cast %parallel_loop3A_185 : i32 to index
        %parallel_loop3A_240 = tpu.vector_load %arg28[%parallel_loop3A_239] {strides = array<i32>} : memref<2048xf32, #tpu.memory_space<vmem>>, vector<16xf32>,
        tpu.vector_store %arg28[%parallel_loop3A_239], %parallel_loop3A_236 {strides = array<i32>} : memref<2048xf32, #tpu.memory_space<vmem>>, vector<16xf32>,
        %parallel_loop3A_241 = arith.index_cast %parallel_loop3A_185 : i32 to index
        %parallel_loop3A_242 = tpu.vector_load %arg29[%parallel_loop3A_241] {strides = array<i32>} : memref<2048xf32, #tpu.memory_space<vmem>>, vector<16xf32>,
        tpu.vector_store %arg29[%parallel_loop3A_241], %parallel_loop3A_207 {strides = array<i32>} : memref<2048xf32, #tpu.memory_space<vmem>>, vector<16xf32>,
        %parallel_loop3A_243 = arith.constant 1.600000e+00 : f32
        %parallel_loop3A_244 = vector.broadcast %parallel_loop3A_243 : f32 to vector<16xf32>
        %parallel_loop3A_245 = arith.mulf %parallel_loop3A_244, %parallel_loop3A_218 : vector<16xf32>
        %parallel_loop3A_246 = arith.constant 2.000000e-01 : f32
        %parallel_loop3A_247 = vector.broadcast %parallel_loop3A_246 : f32 to vector<16xf32>
        %parallel_loop3A_248 = arith.addf %parallel_loop3A_247, %parallel_loop3A_245 : vector<16xf32>
        %parallel_loop3A_249 = arith.mulf %parallel_loop3A_236, %parallel_loop3A_248 : vector<16xf32>
        %parallel_loop3A_250 = arith.index_cast %parallel_loop3A_185 : i32 to index
        %parallel_loop3A_251 = tpu.vector_load %arg30[%parallel_loop3A_250] {strides = array<i32>} : memref<2048xf32, #tpu.memory_space<vmem>>, vector<16xf32>,
        tpu.vector_store %arg30[%parallel_loop3A_250], %parallel_loop3A_249 {strides = array<i32>} : memref<2048xf32, #tpu.memory_space<vmem>>, vector<16xf32>,
      } {sc.loop_unroll_factor = 1 : i64, sc.parallel_access}
      %add3A_94 = arith.constant 1 : i32
      %add3A_95 = arith.addi %mul3A_69, %add3A_94 : i32
      %add3A_96 = arith.constant 4 : i32
      %add3A_97 = arith.addi %add3A_95, %add3A_96 : i32
      %sub3A_98 = arith.constant 1 : i32
      %sub3A_99 = arith.subi %add3A_97, %sub3A_98 : i32
      %lt3A_100 = arith.constant 64 : i32
      %lt3A_101 = arith.cmpi slt, %sub3A_99, %lt3A_100 : i32
      %convert_element_type3A_102 = arith.extui %lt3A_101 : i1 to i32
      %cond3A_103 = arith.constant 0 : i32
      %cond3A_104 = arith.cmpi ne, %convert_element_type3A_102, %cond3A_103 : i32
      scf.if %cond3A_104 {
        %add3A_182 = arith.constant 4 : i32
        %add3A_183 = arith.addi %add3A_95, %add3A_182 : i32
        %sub3A_184 = arith.constant 1 : i32
        %sub3A_185 = arith.subi %add3A_183, %sub3A_184 : i32
        %mul3A_186 = arith.constant 32 : i32
        %mul3A_187 = arith.muli %sub3A_185, %mul3A_186 : i32
        %dma_start3A_188 = tpu.memref_slice %arg13[%mul3A_187] : memref<2048xi32, #tpu.memory_space<vmem>> -> memref<32xi32, #tpu.memory_space<vmem>>
        %dma_start3A_189 = arith.constant 0 : i32
        %dma_start3A_190 = arith.constant 0 : i32
        %dma_start3A_191 = tpu.memref_slice %arg2[%dma_start3A_189, %dma_start3A_190] : memref<8192x256xf32, #tpu.memory_space<hbm>> -> memref<8192x256xf32, #tpu.memory_space<hbm>>
        tpu.enqueue_indirect_dma source(%dma_start3A_191 : memref<8192x256xf32, #tpu.memory_space<hbm>>) target(%arg15 : memref<32x256xf32, #tpu.memory_space<vmem>>) offsets(%dma_start3A_188 : memref<32xi32, #tpu.memory_space<vmem>>) semaphore(%arg32 : memref<!tpu.dma_semaphore, #tpu.memory_space<semaphore_mem>>)
        %dma_start3A_192 = tpu.memref_slice %arg14[%mul3A_187] : memref<2048xi32, #tpu.memory_space<vmem>> -> memref<32xi32, #tpu.memory_space<vmem>>
        %dma_start3A_193 = arith.constant 0 : i32
        %dma_start3A_194 = arith.constant 0 : i32
        %dma_start3A_195 = tpu.memref_slice %arg2[%dma_start3A_193, %dma_start3A_194] : memref<8192x256xf32, #tpu.memory_space<hbm>> -> memref<8192x256xf32, #tpu.memory_space<hbm>>
        tpu.enqueue_indirect_dma source(%dma_start3A_195 : memref<8192x256xf32, #tpu.memory_space<hbm>>) target(%arg16 : memref<32x256xf32, #tpu.memory_space<vmem>>) offsets(%dma_start3A_192 : memref<32xi32, #tpu.memory_space<vmem>>) semaphore(%arg33 : memref<!tpu.dma_semaphore, #tpu.memory_space<semaphore_mem>>)
      } else {
      }
      %mul3A_105 = arith.constant 32 : i32
      %mul3A_106 = arith.muli %add3A_95, %mul3A_105 : i32
      %dma_wait3A_107 = tpu.memref_slice %arg13[%mul3A_106] : memref<2048xi32, #tpu.memory_space<vmem>> -> memref<32xi32, #tpu.memory_space<vmem>>
      %dma_wait3A_108 = arith.constant 0 : i32
      %dma_wait3A_109 = arith.constant 0 : i32
      %dma_wait3A_110 = tpu.memref_slice %arg2[%dma_wait3A_108, %dma_wait3A_109] : memref<8192x256xf32, #tpu.memory_space<hbm>> -> memref<8192x256xf32, #tpu.memory_space<hbm>>
      tpu.wait_indirect_dma semaphore(%arg34 : memref<!tpu.dma_semaphore, #tpu.memory_space<semaphore_mem>>) src(%dma_wait3A_110 : memref<8192x256xf32, #tpu.memory_space<hbm>>) dst(%arg17 : memref<32x256xf32, #tpu.memory_space<vmem>>)
      %dma_wait3A_111 = tpu.memref_slice %arg14[%mul3A_106] : memref<2048xi32, #tpu.memory_space<vmem>> -> memref<32xi32, #tpu.memory_space<vmem>>
      %dma_wait3A_112 = arith.constant 0 : i32
      %dma_wait3A_113 = arith.constant 0 : i32
      %dma_wait3A_114 = tpu.memref_slice %arg2[%dma_wait3A_112, %dma_wait3A_113] : memref<8192x256xf32, #tpu.memory_space<hbm>> -> memref<8192x256xf32, #tpu.memory_space<hbm>>
      tpu.wait_indirect_dma semaphore(%arg35 : memref<!tpu.dma_semaphore, #tpu.memory_space<semaphore_mem>>) src(%dma_wait3A_114 : memref<8192x256xf32, #tpu.memory_space<hbm>>) dst(%arg18 : memref<32x256xf32, #tpu.memory_space<vmem>>)
      %mul3A_115 = arith.constant 32 : i32
      %mul3A_116 = arith.muli %add3A_95, %mul3A_115 : i32
      %parallel_loop3A_117 = arith.constant 0 : i32
      %parallel_loop3A_118 = arith.constant 32 : i32
      %parallel_loop3A_119 = arith.constant 1 : i32
      scf.for %parallel_loop3A_182 = %parallel_loop3A_117 to %parallel_loop3A_118 step %parallel_loop3A_119  : i32 {
        %parallel_loop3A_183 = arith.index_cast %parallel_loop3A_182 : i32 to index
        %parallel_loop3A_184 = arith.constant 0 : index
        %parallel_loop3A_185 = tpu.vector_load %arg17[%parallel_loop3A_183, %parallel_loop3A_184] {strides = array<i32>} : memref<32x256xf32, #tpu.memory_space<vmem>>, vector<16xf32>,
        %parallel_loop3A_186 = arith.index_cast %parallel_loop3A_182 : i32 to index
        %parallel_loop3A_187 = arith.constant 0 : index
        %parallel_loop3A_188 = tpu.vector_load %arg18[%parallel_loop3A_186, %parallel_loop3A_187] {strides = array<i32>} : memref<32x256xf32, #tpu.memory_space<vmem>>, vector<16xf32>,
        %parallel_loop3A_189 = arith.mulf %parallel_loop3A_185, %parallel_loop3A_188 : vector<16xf32>
        %parallel_loop3A_190 = arith.index_cast %parallel_loop3A_182 : i32 to index
        %parallel_loop3A_191 = arith.constant 16 : index
        %parallel_loop3A_192 = tpu.vector_load %arg17[%parallel_loop3A_190, %parallel_loop3A_191] {strides = array<i32>} : memref<32x256xf32, #tpu.memory_space<vmem>>, vector<16xf32>,
        %parallel_loop3A_193 = arith.index_cast %parallel_loop3A_182 : i32 to index
        %parallel_loop3A_194 = arith.constant 16 : index
        %parallel_loop3A_195 = tpu.vector_load %arg18[%parallel_loop3A_193, %parallel_loop3A_194] {strides = array<i32>} : memref<32x256xf32, #tpu.memory_space<vmem>>, vector<16xf32>,
        %parallel_loop3A_196 = arith.mulf %parallel_loop3A_192, %parallel_loop3A_195 : vector<16xf32>
        %parallel_loop3A_197 = arith.addf %parallel_loop3A_189, %parallel_loop3A_196 : vector<16xf32>
        %parallel_loop3A_198 = arith.index_cast %parallel_loop3A_182 : i32 to index
        %parallel_loop3A_199 = arith.constant 32 : index
        %parallel_loop3A_200 = tpu.vector_load %arg17[%parallel_loop3A_198, %parallel_loop3A_199] {strides = array<i32>} : memref<32x256xf32, #tpu.memory_space<vmem>>, vector<16xf32>,
        %parallel_loop3A_201 = arith.index_cast %parallel_loop3A_182 : i32 to index
        %parallel_loop3A_202 = arith.constant 32 : index
        %parallel_loop3A_203 = tpu.vector_load %arg18[%parallel_loop3A_201, %parallel_loop3A_202] {strides = array<i32>} : memref<32x256xf32, #tpu.memory_space<vmem>>, vector<16xf32>,
        %parallel_loop3A_204 = arith.mulf %parallel_loop3A_200, %parallel_loop3A_203 : vector<16xf32>
        %parallel_loop3A_205 = arith.addf %parallel_loop3A_197, %parallel_loop3A_204 : vector<16xf32>
        %parallel_loop3A_206 = arith.index_cast %parallel_loop3A_182 : i32 to index
        %parallel_loop3A_207 = arith.constant 48 : index
        %parallel_loop3A_208 = tpu.vector_load %arg17[%parallel_loop3A_206, %parallel_loop3A_207] {strides = array<i32>} : memref<32x256xf32, #tpu.memory_space<vmem>>, vector<16xf32>,
        %parallel_loop3A_209 = arith.index_cast %parallel_loop3A_182 : i32 to index
        %parallel_loop3A_210 = arith.constant 48 : index
        %parallel_loop3A_211 = tpu.vector_load %arg18[%parallel_loop3A_209, %parallel_loop3A_210] {strides = array<i32>} : memref<32x256xf32, #tpu.memory_space<vmem>>, vector<16xf32>,
        %parallel_loop3A_212 = arith.mulf %parallel_loop3A_208, %parallel_loop3A_211 : vector<16xf32>
        %parallel_loop3A_213 = arith.addf %parallel_loop3A_205, %parallel_loop3A_212 : vector<16xf32>
        %parallel_loop3A_214 = arith.index_cast %parallel_loop3A_182 : i32 to index
        %parallel_loop3A_215 = arith.constant 64 : index
        %parallel_loop3A_216 = tpu.vector_load %arg17[%parallel_loop3A_214, %parallel_loop3A_215] {strides = array<i32>} : memref<32x256xf32, #tpu.memory_space<vmem>>, vector<16xf32>,
        %parallel_loop3A_217 = arith.index_cast %parallel_loop3A_182 : i32 to index
        %parallel_loop3A_218 = arith.constant 64 : index
        %parallel_loop3A_219 = tpu.vector_load %arg18[%parallel_loop3A_217, %parallel_loop3A_218] {strides = array<i32>} : memref<32x256xf32, #tpu.memory_space<vmem>>, vector<16xf32>,
        %parallel_loop3A_220 = arith.mulf %parallel_loop3A_216, %parallel_loop3A_219 : vector<16xf32>
        %parallel_loop3A_221 = arith.addf %parallel_loop3A_213, %parallel_loop3A_220 : vector<16xf32>
        %parallel_loop3A_222 = arith.index_cast %parallel_loop3A_182 : i32 to index
        %parallel_loop3A_223 = arith.constant 80 : index
        %parallel_loop3A_224 = tpu.vector_load %arg17[%parallel_loop3A_222, %parallel_loop3A_223] {strides = array<i32>} : memref<32x256xf32, #tpu.memory_space<vmem>>, vector<16xf32>,
        %parallel_loop3A_225 = arith.index_cast %parallel_loop3A_182 : i32 to index
        %parallel_loop3A_226 = arith.constant 80 : index
        %parallel_loop3A_227 = tpu.vector_load %arg18[%parallel_loop3A_225, %parallel_loop3A_226] {strides = array<i32>} : memref<32x256xf32, #tpu.memory_space<vmem>>, vector<16xf32>,
        %parallel_loop3A_228 = arith.mulf %parallel_loop3A_224, %parallel_loop3A_227 : vector<16xf32>
        %parallel_loop3A_229 = arith.addf %parallel_loop3A_221, %parallel_loop3A_228 : vector<16xf32>
        %parallel_loop3A_230 = arith.index_cast %parallel_loop3A_182 : i32 to index
        %parallel_loop3A_231 = arith.constant 96 : index
        %parallel_loop3A_232 = tpu.vector_load %arg17[%parallel_loop3A_230, %parallel_loop3A_231] {strides = array<i32>} : memref<32x256xf32, #tpu.memory_space<vmem>>, vector<16xf32>,
        %parallel_loop3A_233 = arith.index_cast %parallel_loop3A_182 : i32 to index
        %parallel_loop3A_234 = arith.constant 96 : index
        %parallel_loop3A_235 = tpu.vector_load %arg18[%parallel_loop3A_233, %parallel_loop3A_234] {strides = array<i32>} : memref<32x256xf32, #tpu.memory_space<vmem>>, vector<16xf32>,
        %parallel_loop3A_236 = arith.mulf %parallel_loop3A_232, %parallel_loop3A_235 : vector<16xf32>
        %parallel_loop3A_237 = arith.addf %parallel_loop3A_229, %parallel_loop3A_236 : vector<16xf32>
        %parallel_loop3A_238 = arith.index_cast %parallel_loop3A_182 : i32 to index
        %parallel_loop3A_239 = arith.constant 112 : index
        %parallel_loop3A_240 = tpu.vector_load %arg17[%parallel_loop3A_238, %parallel_loop3A_239] {strides = array<i32>} : memref<32x256xf32, #tpu.memory_space<vmem>>, vector<16xf32>,
        %parallel_loop3A_241 = arith.index_cast %parallel_loop3A_182 : i32 to index
        %parallel_loop3A_242 = arith.constant 112 : index
        %parallel_loop3A_243 = tpu.vector_load %arg18[%parallel_loop3A_241, %parallel_loop3A_242] {strides = array<i32>} : memref<32x256xf32, #tpu.memory_space<vmem>>, vector<16xf32>,
        %parallel_loop3A_244 = arith.mulf %parallel_loop3A_240, %parallel_loop3A_243 : vector<16xf32>
        %parallel_loop3A_245 = arith.addf %parallel_loop3A_237, %parallel_loop3A_244 : vector<16xf32>
        %parallel_loop3A_246 = arith.index_cast %parallel_loop3A_182 : i32 to index
        %parallel_loop3A_247 = arith.constant 128 : index
        %parallel_loop3A_248 = tpu.vector_load %arg17[%parallel_loop3A_246, %parallel_loop3A_247] {strides = array<i32>} : memref<32x256xf32, #tpu.memory_space<vmem>>, vector<16xf32>,
        %parallel_loop3A_249 = arith.index_cast %parallel_loop3A_182 : i32 to index
        %parallel_loop3A_250 = arith.constant 128 : index
        %parallel_loop3A_251 = tpu.vector_load %arg18[%parallel_loop3A_249, %parallel_loop3A_250] {strides = array<i32>} : memref<32x256xf32, #tpu.memory_space<vmem>>, vector<16xf32>,
        %parallel_loop3A_252 = arith.mulf %parallel_loop3A_248, %parallel_loop3A_251 : vector<16xf32>
        %parallel_loop3A_253 = arith.addf %parallel_loop3A_245, %parallel_loop3A_252 : vector<16xf32>
        %parallel_loop3A_254 = arith.index_cast %parallel_loop3A_182 : i32 to index
        %parallel_loop3A_255 = arith.constant 144 : index
        %parallel_loop3A_256 = tpu.vector_load %arg17[%parallel_loop3A_254, %parallel_loop3A_255] {strides = array<i32>} : memref<32x256xf32, #tpu.memory_space<vmem>>, vector<16xf32>,
        %parallel_loop3A_257 = arith.index_cast %parallel_loop3A_182 : i32 to index
        %parallel_loop3A_258 = arith.constant 144 : index
        %parallel_loop3A_259 = tpu.vector_load %arg18[%parallel_loop3A_257, %parallel_loop3A_258] {strides = array<i32>} : memref<32x256xf32, #tpu.memory_space<vmem>>, vector<16xf32>,
        %parallel_loop3A_260 = arith.mulf %parallel_loop3A_256, %parallel_loop3A_259 : vector<16xf32>
        %parallel_loop3A_261 = arith.addf %parallel_loop3A_253, %parallel_loop3A_260 : vector<16xf32>
        %parallel_loop3A_262 = arith.index_cast %parallel_loop3A_182 : i32 to index
        %parallel_loop3A_263 = arith.constant 160 : index
        %parallel_loop3A_264 = tpu.vector_load %arg17[%parallel_loop3A_262, %parallel_loop3A_263] {strides = array<i32>} : memref<32x256xf32, #tpu.memory_space<vmem>>, vector<16xf32>,
        %parallel_loop3A_265 = arith.index_cast %parallel_loop3A_182 : i32 to index
        %parallel_loop3A_266 = arith.constant 160 : index
        %parallel_loop3A_267 = tpu.vector_load %arg18[%parallel_loop3A_265, %parallel_loop3A_266] {strides = array<i32>} : memref<32x256xf32, #tpu.memory_space<vmem>>, vector<16xf32>,
        %parallel_loop3A_268 = arith.mulf %parallel_loop3A_264, %parallel_loop3A_267 : vector<16xf32>
        %parallel_loop3A_269 = arith.addf %parallel_loop3A_261, %parallel_loop3A_268 : vector<16xf32>
        %parallel_loop3A_270 = arith.index_cast %parallel_loop3A_182 : i32 to index
        %parallel_loop3A_271 = arith.constant 176 : index
        %parallel_loop3A_272 = tpu.vector_load %arg17[%parallel_loop3A_270, %parallel_loop3A_271] {strides = array<i32>} : memref<32x256xf32, #tpu.memory_space<vmem>>, vector<16xf32>,
        %parallel_loop3A_273 = arith.index_cast %parallel_loop3A_182 : i32 to index
        %parallel_loop3A_274 = arith.constant 176 : index
        %parallel_loop3A_275 = tpu.vector_load %arg18[%parallel_loop3A_273, %parallel_loop3A_274] {strides = array<i32>} : memref<32x256xf32, #tpu.memory_space<vmem>>, vector<16xf32>,
        %parallel_loop3A_276 = arith.mulf %parallel_loop3A_272, %parallel_loop3A_275 : vector<16xf32>
        %parallel_loop3A_277 = arith.addf %parallel_loop3A_269, %parallel_loop3A_276 : vector<16xf32>
        %parallel_loop3A_278 = arith.index_cast %parallel_loop3A_182 : i32 to index
        %parallel_loop3A_279 = arith.constant 192 : index
        %parallel_loop3A_280 = tpu.vector_load %arg17[%parallel_loop3A_278, %parallel_loop3A_279] {strides = array<i32>} : memref<32x256xf32, #tpu.memory_space<vmem>>, vector<16xf32>,
        %parallel_loop3A_281 = arith.index_cast %parallel_loop3A_182 : i32 to index
        %parallel_loop3A_282 = arith.constant 192 : index
        %parallel_loop3A_283 = tpu.vector_load %arg18[%parallel_loop3A_281, %parallel_loop3A_282] {strides = array<i32>} : memref<32x256xf32, #tpu.memory_space<vmem>>, vector<16xf32>,
        %parallel_loop3A_284 = arith.mulf %parallel_loop3A_280, %parallel_loop3A_283 : vector<16xf32>
        %parallel_loop3A_285 = arith.addf %parallel_loop3A_277, %parallel_loop3A_284 : vector<16xf32>
        %parallel_loop3A_286 = arith.index_cast %parallel_loop3A_182 : i32 to index
        %parallel_loop3A_287 = arith.constant 208 : index
        %parallel_loop3A_288 = tpu.vector_load %arg17[%parallel_loop3A_286, %parallel_loop3A_287] {strides = array<i32>} : memref<32x256xf32, #tpu.memory_space<vmem>>, vector<16xf32>,
        %parallel_loop3A_289 = arith.index_cast %parallel_loop3A_182 : i32 to index
        %parallel_loop3A_290 = arith.constant 208 : index
        %parallel_loop3A_291 = tpu.vector_load %arg18[%parallel_loop3A_289, %parallel_loop3A_290] {strides = array<i32>} : memref<32x256xf32, #tpu.memory_space<vmem>>, vector<16xf32>,
        %parallel_loop3A_292 = arith.mulf %parallel_loop3A_288, %parallel_loop3A_291 : vector<16xf32>
        %parallel_loop3A_293 = arith.addf %parallel_loop3A_285, %parallel_loop3A_292 : vector<16xf32>
        %parallel_loop3A_294 = arith.index_cast %parallel_loop3A_182 : i32 to index
        %parallel_loop3A_295 = arith.constant 224 : index
        %parallel_loop3A_296 = tpu.vector_load %arg17[%parallel_loop3A_294, %parallel_loop3A_295] {strides = array<i32>} : memref<32x256xf32, #tpu.memory_space<vmem>>, vector<16xf32>,
        %parallel_loop3A_297 = arith.index_cast %parallel_loop3A_182 : i32 to index
        %parallel_loop3A_298 = arith.constant 224 : index
        %parallel_loop3A_299 = tpu.vector_load %arg18[%parallel_loop3A_297, %parallel_loop3A_298] {strides = array<i32>} : memref<32x256xf32, #tpu.memory_space<vmem>>, vector<16xf32>,
        %parallel_loop3A_300 = arith.mulf %parallel_loop3A_296, %parallel_loop3A_299 : vector<16xf32>
        %parallel_loop3A_301 = arith.addf %parallel_loop3A_293, %parallel_loop3A_300 : vector<16xf32>
        %parallel_loop3A_302 = arith.index_cast %parallel_loop3A_182 : i32 to index
        %parallel_loop3A_303 = arith.constant 240 : index
        %parallel_loop3A_304 = tpu.vector_load %arg17[%parallel_loop3A_302, %parallel_loop3A_303] {strides = array<i32>} : memref<32x256xf32, #tpu.memory_space<vmem>>, vector<16xf32>,
        %parallel_loop3A_305 = arith.index_cast %parallel_loop3A_182 : i32 to index
        %parallel_loop3A_306 = arith.constant 240 : index
        %parallel_loop3A_307 = tpu.vector_load %arg18[%parallel_loop3A_305, %parallel_loop3A_306] {strides = array<i32>} : memref<32x256xf32, #tpu.memory_space<vmem>>, vector<16xf32>,
        %parallel_loop3A_308 = arith.mulf %parallel_loop3A_304, %parallel_loop3A_307 : vector<16xf32>
        %parallel_loop3A_309 = arith.addf %parallel_loop3A_301, %parallel_loop3A_308 : vector<16xf32>
        %parallel_loop3A_310 = arith.constant true
        %parallel_loop3A_311 = vector.broadcast %parallel_loop3A_310 : i1 to vector<16xi1>
        %parallel_loop3A_312 = tpu.scan <sum>, %parallel_loop3A_309 masked %parallel_loop3A_311 : vector<16xf32>, vector<16xi1> -> vector<16xf32>
        %parallel_loop3A_313 = arith.index_cast %parallel_loop3A_182 : i32 to index
        %parallel_loop3A_314 = tpu.vector_load %arg23[%parallel_loop3A_313] masked %eq3A_10 {strides = array<i32>} : memref<48xf32, #tpu.memory_space<vmem>>, vector<16xf32>, vector<16xi1>
        tpu.vector_store %arg23[%parallel_loop3A_313], %parallel_loop3A_312 masked %eq3A_10 {strides = array<i32>} : memref<48xf32, #tpu.memory_space<vmem>>, vector<16xf32>, vector<16xi1>
      } {sc.loop_unroll_factor = 1 : i64, sc.parallel_access}
      %parallel_loop3A_120 = arith.constant 0 : i32
      %parallel_loop3A_121 = arith.constant 2 : i32
      %parallel_loop3A_122 = arith.constant 1 : i32
      scf.for %parallel_loop3A_182 = %parallel_loop3A_120 to %parallel_loop3A_121 step %parallel_loop3A_122  : i32 {
        %parallel_loop3A_183 = arith.constant 16 : i32
        %parallel_loop3A_184 = arith.muli %parallel_loop3A_182, %parallel_loop3A_183 : i32
        %parallel_loop3A_185 = arith.addi %mul3A_116, %parallel_loop3A_184 : i32
        %parallel_loop3A_186 = arith.constant 16 : i32
        %parallel_loop3A_187 = arith.muli %parallel_loop3A_182, %parallel_loop3A_186 : i32
        %parallel_loop3A_188 = arith.index_cast %parallel_loop3A_187 : i32 to index
        %parallel_loop3A_189 = tpu.vector_load %arg23[%parallel_loop3A_188] {strides = array<i32>} : memref<48xf32, #tpu.memory_space<vmem>>, vector<16xf32>,
        %parallel_loop3A_190 = arith.constant 3.906250e-03 : f32
        %parallel_loop3A_191 = vector.broadcast %parallel_loop3A_190 : f32 to vector<16xf32>
        %parallel_loop3A_192 = arith.mulf %parallel_loop3A_189, %parallel_loop3A_191 : vector<16xf32>
        %parallel_loop3A_193 = arith.constant 0.000000e+00 : f32
        %parallel_loop3A_194 = arith.constant 1.000000e+00 : f32
        %parallel_loop3A_195 = vector.broadcast %parallel_loop3A_193 : f32 to vector<16xf32>
        %parallel_loop3A_196 = arith.maximumf %parallel_loop3A_195, %parallel_loop3A_192 : vector<16xf32>
        %parallel_loop3A_197 = vector.broadcast %parallel_loop3A_194 : f32 to vector<16xf32>
        %parallel_loop3A_198 = arith.minimumf %parallel_loop3A_197, %parallel_loop3A_196 : vector<16xf32>
        %parallel_loop3A_199 = arith.index_cast %parallel_loop3A_185 : i32 to index
        %parallel_loop3A_200 = tpu.vector_load %arg25[%parallel_loop3A_199] {strides = array<i32>} : memref<2048xf32, #tpu.memory_space<vmem>>, vector<16xf32>,
        %parallel_loop3A_201 = arith.constant 0.949999988 : f32
        %parallel_loop3A_202 = vector.broadcast %parallel_loop3A_201 : f32 to vector<16xf32>
        %parallel_loop3A_203 = arith.mulf %parallel_loop3A_202, %parallel_loop3A_200 : vector<16xf32>
        %parallel_loop3A_204 = arith.constant 5.000000e-02 : f32
        %parallel_loop3A_205 = vector.broadcast %parallel_loop3A_204 : f32 to vector<16xf32>
        %parallel_loop3A_206 = arith.mulf %parallel_loop3A_205, %parallel_loop3A_198 : vector<16xf32>
        %parallel_loop3A_207 = arith.addf %parallel_loop3A_203, %parallel_loop3A_206 : vector<16xf32>
        %parallel_loop3A_208 = arith.index_cast %parallel_loop3A_185 : i32 to index
        %parallel_loop3A_209 = tpu.vector_load %arg24[%parallel_loop3A_208] {strides = array<i32>} : memref<2048xf32, #tpu.memory_space<vmem>>, vector<16xf32>,
        %parallel_loop3A_210 = arith.mulf %get3A_59, %parallel_loop3A_207 : vector<16xf32>
        %parallel_loop3A_211 = arith.addf %get3A_55, %parallel_loop3A_210 : vector<16xf32>
        %parallel_loop3A_212 = arith.addf %parallel_loop3A_209, %parallel_loop3A_211 : vector<16xf32>
        %parallel_loop3A_213 = arith.constant 0.000000e+00 : f32
        %parallel_loop3A_214 = arith.constant 1.000000e+00 : f32
        %parallel_loop3A_215 = vector.broadcast %parallel_loop3A_213 : f32 to vector<16xf32>
        %parallel_loop3A_216 = arith.maximumf %parallel_loop3A_215, %parallel_loop3A_212 : vector<16xf32>
        %parallel_loop3A_217 = vector.broadcast %parallel_loop3A_214 : f32 to vector<16xf32>
        %parallel_loop3A_218 = arith.minimumf %parallel_loop3A_217, %parallel_loop3A_216 : vector<16xf32>
        %parallel_loop3A_219 = arith.index_cast %parallel_loop3A_185 : i32 to index
        %parallel_loop3A_220 = tpu.vector_load %arg26[%parallel_loop3A_219] {strides = array<i32>} : memref<2048xf32, #tpu.memory_space<vmem>>, vector<16xf32>,
        %parallel_loop3A_221 = arith.constant 5.000000e-02 : f32
        %parallel_loop3A_222 = vector.broadcast %parallel_loop3A_221 : f32 to vector<16xf32>
        %parallel_loop3A_223 = arith.cmpf olt, %parallel_loop3A_218, %parallel_loop3A_222 : vector<16xf32>
        %parallel_loop3A_224 = arith.constant 1.000000e-01 : f32
        %parallel_loop3A_225 = vector.broadcast %parallel_loop3A_224 : f32 to vector<16xf32>
        %parallel_loop3A_226 = arith.cmpf ogt, %parallel_loop3A_218, %parallel_loop3A_225 : vector<16xf32>
        %parallel_loop3A_227 = arith.constant 0.000000e+00 : f32
        %parallel_loop3A_228 = vector.broadcast %parallel_loop3A_227 : f32 to vector<16xf32>
        %parallel_loop3A_229 = arith.cmpf oeq, %parallel_loop3A_220, %parallel_loop3A_228 : vector<16xf32>
        %parallel_loop3A_230 = arith.andi %parallel_loop3A_226, %parallel_loop3A_229 : vector<16xi1>
        %parallel_loop3A_231 = arith.constant 1.000000e+00 : f32
        %parallel_loop3A_232 = vector.broadcast %parallel_loop3A_231 : f32 to vector<16xf32>
        %parallel_loop3A_233 = arith.select %parallel_loop3A_230, %parallel_loop3A_232, %parallel_loop3A_220 : vector<16xi1>, vector<16xf32>
        %parallel_loop3A_234 = arith.constant 0.000000e+00 : f32
        %parallel_loop3A_235 = vector.broadcast %parallel_loop3A_234 : f32 to vector<16xf32>
        %parallel_loop3A_236 = arith.select %parallel_loop3A_223, %parallel_loop3A_235, %parallel_loop3A_233 : vector<16xi1>, vector<16xf32>
        %parallel_loop3A_237 = arith.index_cast %parallel_loop3A_185 : i32 to index
        %parallel_loop3A_238 = tpu.vector_load %arg27[%parallel_loop3A_237] {strides = array<i32>} : memref<2048xf32, #tpu.memory_space<vmem>>, vector<16xf32>,
        tpu.vector_store %arg27[%parallel_loop3A_237], %parallel_loop3A_218 {strides = array<i32>} : memref<2048xf32, #tpu.memory_space<vmem>>, vector<16xf32>,
        %parallel_loop3A_239 = arith.index_cast %parallel_loop3A_185 : i32 to index
        %parallel_loop3A_240 = tpu.vector_load %arg28[%parallel_loop3A_239] {strides = array<i32>} : memref<2048xf32, #tpu.memory_space<vmem>>, vector<16xf32>,
        tpu.vector_store %arg28[%parallel_loop3A_239], %parallel_loop3A_236 {strides = array<i32>} : memref<2048xf32, #tpu.memory_space<vmem>>, vector<16xf32>,
        %parallel_loop3A_241 = arith.index_cast %parallel_loop3A_185 : i32 to index
        %parallel_loop3A_242 = tpu.vector_load %arg29[%parallel_loop3A_241] {strides = array<i32>} : memref<2048xf32, #tpu.memory_space<vmem>>, vector<16xf32>,
        tpu.vector_store %arg29[%parallel_loop3A_241], %parallel_loop3A_207 {strides = array<i32>} : memref<2048xf32, #tpu.memory_space<vmem>>, vector<16xf32>,
        %parallel_loop3A_243 = arith.constant 1.600000e+00 : f32
        %parallel_loop3A_244 = vector.broadcast %parallel_loop3A_243 : f32 to vector<16xf32>
        %parallel_loop3A_245 = arith.mulf %parallel_loop3A_244, %parallel_loop3A_218 : vector<16xf32>
        %parallel_loop3A_246 = arith.constant 2.000000e-01 : f32
        %parallel_loop3A_247 = vector.broadcast %parallel_loop3A_246 : f32 to vector<16xf32>
        %parallel_loop3A_248 = arith.addf %parallel_loop3A_247, %parallel_loop3A_245 : vector<16xf32>
        %parallel_loop3A_249 = arith.mulf %parallel_loop3A_236, %parallel_loop3A_248 : vector<16xf32>
        %parallel_loop3A_250 = arith.index_cast %parallel_loop3A_185 : i32 to index
        %parallel_loop3A_251 = tpu.vector_load %arg30[%parallel_loop3A_250] {strides = array<i32>} : memref<2048xf32, #tpu.memory_space<vmem>>, vector<16xf32>,
        tpu.vector_store %arg30[%parallel_loop3A_250], %parallel_loop3A_249 {strides = array<i32>} : memref<2048xf32, #tpu.memory_space<vmem>>, vector<16xf32>,
      } {sc.loop_unroll_factor = 1 : i64, sc.parallel_access}
      %add3A_123 = arith.constant 2 : i32
      %add3A_124 = arith.addi %mul3A_69, %add3A_123 : i32
      %add3A_125 = arith.constant 4 : i32
      %add3A_126 = arith.addi %add3A_124, %add3A_125 : i32
      %sub3A_127 = arith.constant 1 : i32
      %sub3A_128 = arith.subi %add3A_126, %sub3A_127 : i32
      %lt3A_129 = arith.constant 64 : i32
      %lt3A_130 = arith.cmpi slt, %sub3A_128, %lt3A_129 : i32
      %convert_element_type3A_131 = arith.extui %lt3A_130 : i1 to i32
      %cond3A_132 = arith.constant 0 : i32
      %cond3A_133 = arith.cmpi ne, %convert_element_type3A_131, %cond3A_132 : i32
      scf.if %cond3A_133 {
        %add3A_182 = arith.constant 4 : i32
        %add3A_183 = arith.addi %add3A_124, %add3A_182 : i32
        %sub3A_184 = arith.constant 1 : i32
        %sub3A_185 = arith.subi %add3A_183, %sub3A_184 : i32
        %mul3A_186 = arith.constant 32 : i32
        %mul3A_187 = arith.muli %sub3A_185, %mul3A_186 : i32
        %dma_start3A_188 = tpu.memref_slice %arg13[%mul3A_187] : memref<2048xi32, #tpu.memory_space<vmem>> -> memref<32xi32, #tpu.memory_space<vmem>>
        %dma_start3A_189 = arith.constant 0 : i32
        %dma_start3A_190 = arith.constant 0 : i32
        %dma_start3A_191 = tpu.memref_slice %arg2[%dma_start3A_189, %dma_start3A_190] : memref<8192x256xf32, #tpu.memory_space<hbm>> -> memref<8192x256xf32, #tpu.memory_space<hbm>>
        tpu.enqueue_indirect_dma source(%dma_start3A_191 : memref<8192x256xf32, #tpu.memory_space<hbm>>) target(%arg17 : memref<32x256xf32, #tpu.memory_space<vmem>>) offsets(%dma_start3A_188 : memref<32xi32, #tpu.memory_space<vmem>>) semaphore(%arg34 : memref<!tpu.dma_semaphore, #tpu.memory_space<semaphore_mem>>)
        %dma_start3A_192 = tpu.memref_slice %arg14[%mul3A_187] : memref<2048xi32, #tpu.memory_space<vmem>> -> memref<32xi32, #tpu.memory_space<vmem>>
        %dma_start3A_193 = arith.constant 0 : i32
        %dma_start3A_194 = arith.constant 0 : i32
        %dma_start3A_195 = tpu.memref_slice %arg2[%dma_start3A_193, %dma_start3A_194] : memref<8192x256xf32, #tpu.memory_space<hbm>> -> memref<8192x256xf32, #tpu.memory_space<hbm>>
        tpu.enqueue_indirect_dma source(%dma_start3A_195 : memref<8192x256xf32, #tpu.memory_space<hbm>>) target(%arg18 : memref<32x256xf32, #tpu.memory_space<vmem>>) offsets(%dma_start3A_192 : memref<32xi32, #tpu.memory_space<vmem>>) semaphore(%arg35 : memref<!tpu.dma_semaphore, #tpu.memory_space<semaphore_mem>>)
      } else {
      }
      %mul3A_134 = arith.constant 32 : i32
      %mul3A_135 = arith.muli %add3A_124, %mul3A_134 : i32
      %dma_wait3A_136 = tpu.memref_slice %arg13[%mul3A_135] : memref<2048xi32, #tpu.memory_space<vmem>> -> memref<32xi32, #tpu.memory_space<vmem>>
      %dma_wait3A_137 = arith.constant 0 : i32
      %dma_wait3A_138 = arith.constant 0 : i32
      %dma_wait3A_139 = tpu.memref_slice %arg2[%dma_wait3A_137, %dma_wait3A_138] : memref<8192x256xf32, #tpu.memory_space<hbm>> -> memref<8192x256xf32, #tpu.memory_space<hbm>>
      tpu.wait_indirect_dma semaphore(%arg36 : memref<!tpu.dma_semaphore, #tpu.memory_space<semaphore_mem>>) src(%dma_wait3A_139 : memref<8192x256xf32, #tpu.memory_space<hbm>>) dst(%arg19 : memref<32x256xf32, #tpu.memory_space<vmem>>)
      %dma_wait3A_140 = tpu.memref_slice %arg14[%mul3A_135] : memref<2048xi32, #tpu.memory_space<vmem>> -> memref<32xi32, #tpu.memory_space<vmem>>
      %dma_wait3A_141 = arith.constant 0 : i32
      %dma_wait3A_142 = arith.constant 0 : i32
      %dma_wait3A_143 = tpu.memref_slice %arg2[%dma_wait3A_141, %dma_wait3A_142] : memref<8192x256xf32, #tpu.memory_space<hbm>> -> memref<8192x256xf32, #tpu.memory_space<hbm>>
      tpu.wait_indirect_dma semaphore(%arg37 : memref<!tpu.dma_semaphore, #tpu.memory_space<semaphore_mem>>) src(%dma_wait3A_143 : memref<8192x256xf32, #tpu.memory_space<hbm>>) dst(%arg20 : memref<32x256xf32, #tpu.memory_space<vmem>>)
      %mul3A_144 = arith.constant 32 : i32
      %mul3A_145 = arith.muli %add3A_124, %mul3A_144 : i32
      %parallel_loop3A_146 = arith.constant 0 : i32
      %parallel_loop3A_147 = arith.constant 32 : i32
      %parallel_loop3A_148 = arith.constant 1 : i32
      scf.for %parallel_loop3A_182 = %parallel_loop3A_146 to %parallel_loop3A_147 step %parallel_loop3A_148  : i32 {
        %parallel_loop3A_183 = arith.index_cast %parallel_loop3A_182 : i32 to index
        %parallel_loop3A_184 = arith.constant 0 : index
        %parallel_loop3A_185 = tpu.vector_load %arg19[%parallel_loop3A_183, %parallel_loop3A_184] {strides = array<i32>} : memref<32x256xf32, #tpu.memory_space<vmem>>, vector<16xf32>,
        %parallel_loop3A_186 = arith.index_cast %parallel_loop3A_182 : i32 to index
        %parallel_loop3A_187 = arith.constant 0 : index
        %parallel_loop3A_188 = tpu.vector_load %arg20[%parallel_loop3A_186, %parallel_loop3A_187] {strides = array<i32>} : memref<32x256xf32, #tpu.memory_space<vmem>>, vector<16xf32>,
        %parallel_loop3A_189 = arith.mulf %parallel_loop3A_185, %parallel_loop3A_188 : vector<16xf32>
        %parallel_loop3A_190 = arith.index_cast %parallel_loop3A_182 : i32 to index
        %parallel_loop3A_191 = arith.constant 16 : index
        %parallel_loop3A_192 = tpu.vector_load %arg19[%parallel_loop3A_190, %parallel_loop3A_191] {strides = array<i32>} : memref<32x256xf32, #tpu.memory_space<vmem>>, vector<16xf32>,
        %parallel_loop3A_193 = arith.index_cast %parallel_loop3A_182 : i32 to index
        %parallel_loop3A_194 = arith.constant 16 : index
        %parallel_loop3A_195 = tpu.vector_load %arg20[%parallel_loop3A_193, %parallel_loop3A_194] {strides = array<i32>} : memref<32x256xf32, #tpu.memory_space<vmem>>, vector<16xf32>,
        %parallel_loop3A_196 = arith.mulf %parallel_loop3A_192, %parallel_loop3A_195 : vector<16xf32>
        %parallel_loop3A_197 = arith.addf %parallel_loop3A_189, %parallel_loop3A_196 : vector<16xf32>
        %parallel_loop3A_198 = arith.index_cast %parallel_loop3A_182 : i32 to index
        %parallel_loop3A_199 = arith.constant 32 : index
        %parallel_loop3A_200 = tpu.vector_load %arg19[%parallel_loop3A_198, %parallel_loop3A_199] {strides = array<i32>} : memref<32x256xf32, #tpu.memory_space<vmem>>, vector<16xf32>,
        %parallel_loop3A_201 = arith.index_cast %parallel_loop3A_182 : i32 to index
        %parallel_loop3A_202 = arith.constant 32 : index
        %parallel_loop3A_203 = tpu.vector_load %arg20[%parallel_loop3A_201, %parallel_loop3A_202] {strides = array<i32>} : memref<32x256xf32, #tpu.memory_space<vmem>>, vector<16xf32>,
        %parallel_loop3A_204 = arith.mulf %parallel_loop3A_200, %parallel_loop3A_203 : vector<16xf32>
        %parallel_loop3A_205 = arith.addf %parallel_loop3A_197, %parallel_loop3A_204 : vector<16xf32>
        %parallel_loop3A_206 = arith.index_cast %parallel_loop3A_182 : i32 to index
        %parallel_loop3A_207 = arith.constant 48 : index
        %parallel_loop3A_208 = tpu.vector_load %arg19[%parallel_loop3A_206, %parallel_loop3A_207] {strides = array<i32>} : memref<32x256xf32, #tpu.memory_space<vmem>>, vector<16xf32>,
        %parallel_loop3A_209 = arith.index_cast %parallel_loop3A_182 : i32 to index
        %parallel_loop3A_210 = arith.constant 48 : index
        %parallel_loop3A_211 = tpu.vector_load %arg20[%parallel_loop3A_209, %parallel_loop3A_210] {strides = array<i32>} : memref<32x256xf32, #tpu.memory_space<vmem>>, vector<16xf32>,
        %parallel_loop3A_212 = arith.mulf %parallel_loop3A_208, %parallel_loop3A_211 : vector<16xf32>
        %parallel_loop3A_213 = arith.addf %parallel_loop3A_205, %parallel_loop3A_212 : vector<16xf32>
        %parallel_loop3A_214 = arith.index_cast %parallel_loop3A_182 : i32 to index
        %parallel_loop3A_215 = arith.constant 64 : index
        %parallel_loop3A_216 = tpu.vector_load %arg19[%parallel_loop3A_214, %parallel_loop3A_215] {strides = array<i32>} : memref<32x256xf32, #tpu.memory_space<vmem>>, vector<16xf32>,
        %parallel_loop3A_217 = arith.index_cast %parallel_loop3A_182 : i32 to index
        %parallel_loop3A_218 = arith.constant 64 : index
        %parallel_loop3A_219 = tpu.vector_load %arg20[%parallel_loop3A_217, %parallel_loop3A_218] {strides = array<i32>} : memref<32x256xf32, #tpu.memory_space<vmem>>, vector<16xf32>,
        %parallel_loop3A_220 = arith.mulf %parallel_loop3A_216, %parallel_loop3A_219 : vector<16xf32>
        %parallel_loop3A_221 = arith.addf %parallel_loop3A_213, %parallel_loop3A_220 : vector<16xf32>
        %parallel_loop3A_222 = arith.index_cast %parallel_loop3A_182 : i32 to index
        %parallel_loop3A_223 = arith.constant 80 : index
        %parallel_loop3A_224 = tpu.vector_load %arg19[%parallel_loop3A_222, %parallel_loop3A_223] {strides = array<i32>} : memref<32x256xf32, #tpu.memory_space<vmem>>, vector<16xf32>,
        %parallel_loop3A_225 = arith.index_cast %parallel_loop3A_182 : i32 to index
        %parallel_loop3A_226 = arith.constant 80 : index
        %parallel_loop3A_227 = tpu.vector_load %arg20[%parallel_loop3A_225, %parallel_loop3A_226] {strides = array<i32>} : memref<32x256xf32, #tpu.memory_space<vmem>>, vector<16xf32>,
        %parallel_loop3A_228 = arith.mulf %parallel_loop3A_224, %parallel_loop3A_227 : vector<16xf32>
        %parallel_loop3A_229 = arith.addf %parallel_loop3A_221, %parallel_loop3A_228 : vector<16xf32>
        %parallel_loop3A_230 = arith.index_cast %parallel_loop3A_182 : i32 to index
        %parallel_loop3A_231 = arith.constant 96 : index
        %parallel_loop3A_232 = tpu.vector_load %arg19[%parallel_loop3A_230, %parallel_loop3A_231] {strides = array<i32>} : memref<32x256xf32, #tpu.memory_space<vmem>>, vector<16xf32>,
        %parallel_loop3A_233 = arith.index_cast %parallel_loop3A_182 : i32 to index
        %parallel_loop3A_234 = arith.constant 96 : index
        %parallel_loop3A_235 = tpu.vector_load %arg20[%parallel_loop3A_233, %parallel_loop3A_234] {strides = array<i32>} : memref<32x256xf32, #tpu.memory_space<vmem>>, vector<16xf32>,
        %parallel_loop3A_236 = arith.mulf %parallel_loop3A_232, %parallel_loop3A_235 : vector<16xf32>
        %parallel_loop3A_237 = arith.addf %parallel_loop3A_229, %parallel_loop3A_236 : vector<16xf32>
        %parallel_loop3A_238 = arith.index_cast %parallel_loop3A_182 : i32 to index
        %parallel_loop3A_239 = arith.constant 112 : index
        %parallel_loop3A_240 = tpu.vector_load %arg19[%parallel_loop3A_238, %parallel_loop3A_239] {strides = array<i32>} : memref<32x256xf32, #tpu.memory_space<vmem>>, vector<16xf32>,
        %parallel_loop3A_241 = arith.index_cast %parallel_loop3A_182 : i32 to index
        %parallel_loop3A_242 = arith.constant 112 : index
        %parallel_loop3A_243 = tpu.vector_load %arg20[%parallel_loop3A_241, %parallel_loop3A_242] {strides = array<i32>} : memref<32x256xf32, #tpu.memory_space<vmem>>, vector<16xf32>,
        %parallel_loop3A_244 = arith.mulf %parallel_loop3A_240, %parallel_loop3A_243 : vector<16xf32>
        %parallel_loop3A_245 = arith.addf %parallel_loop3A_237, %parallel_loop3A_244 : vector<16xf32>
        %parallel_loop3A_246 = arith.index_cast %parallel_loop3A_182 : i32 to index
        %parallel_loop3A_247 = arith.constant 128 : index
        %parallel_loop3A_248 = tpu.vector_load %arg19[%parallel_loop3A_246, %parallel_loop3A_247] {strides = array<i32>} : memref<32x256xf32, #tpu.memory_space<vmem>>, vector<16xf32>,
        %parallel_loop3A_249 = arith.index_cast %parallel_loop3A_182 : i32 to index
        %parallel_loop3A_250 = arith.constant 128 : index
        %parallel_loop3A_251 = tpu.vector_load %arg20[%parallel_loop3A_249, %parallel_loop3A_250] {strides = array<i32>} : memref<32x256xf32, #tpu.memory_space<vmem>>, vector<16xf32>,
        %parallel_loop3A_252 = arith.mulf %parallel_loop3A_248, %parallel_loop3A_251 : vector<16xf32>
        %parallel_loop3A_253 = arith.addf %parallel_loop3A_245, %parallel_loop3A_252 : vector<16xf32>
        %parallel_loop3A_254 = arith.index_cast %parallel_loop3A_182 : i32 to index
        %parallel_loop3A_255 = arith.constant 144 : index
        %parallel_loop3A_256 = tpu.vector_load %arg19[%parallel_loop3A_254, %parallel_loop3A_255] {strides = array<i32>} : memref<32x256xf32, #tpu.memory_space<vmem>>, vector<16xf32>,
        %parallel_loop3A_257 = arith.index_cast %parallel_loop3A_182 : i32 to index
        %parallel_loop3A_258 = arith.constant 144 : index
        %parallel_loop3A_259 = tpu.vector_load %arg20[%parallel_loop3A_257, %parallel_loop3A_258] {strides = array<i32>} : memref<32x256xf32, #tpu.memory_space<vmem>>, vector<16xf32>,
        %parallel_loop3A_260 = arith.mulf %parallel_loop3A_256, %parallel_loop3A_259 : vector<16xf32>
        %parallel_loop3A_261 = arith.addf %parallel_loop3A_253, %parallel_loop3A_260 : vector<16xf32>
        %parallel_loop3A_262 = arith.index_cast %parallel_loop3A_182 : i32 to index
        %parallel_loop3A_263 = arith.constant 160 : index
        %parallel_loop3A_264 = tpu.vector_load %arg19[%parallel_loop3A_262, %parallel_loop3A_263] {strides = array<i32>} : memref<32x256xf32, #tpu.memory_space<vmem>>, vector<16xf32>,
        %parallel_loop3A_265 = arith.index_cast %parallel_loop3A_182 : i32 to index
        %parallel_loop3A_266 = arith.constant 160 : index
        %parallel_loop3A_267 = tpu.vector_load %arg20[%parallel_loop3A_265, %parallel_loop3A_266] {strides = array<i32>} : memref<32x256xf32, #tpu.memory_space<vmem>>, vector<16xf32>,
        %parallel_loop3A_268 = arith.mulf %parallel_loop3A_264, %parallel_loop3A_267 : vector<16xf32>
        %parallel_loop3A_269 = arith.addf %parallel_loop3A_261, %parallel_loop3A_268 : vector<16xf32>
        %parallel_loop3A_270 = arith.index_cast %parallel_loop3A_182 : i32 to index
        %parallel_loop3A_271 = arith.constant 176 : index
        %parallel_loop3A_272 = tpu.vector_load %arg19[%parallel_loop3A_270, %parallel_loop3A_271] {strides = array<i32>} : memref<32x256xf32, #tpu.memory_space<vmem>>, vector<16xf32>,
        %parallel_loop3A_273 = arith.index_cast %parallel_loop3A_182 : i32 to index
        %parallel_loop3A_274 = arith.constant 176 : index
        %parallel_loop3A_275 = tpu.vector_load %arg20[%parallel_loop3A_273, %parallel_loop3A_274] {strides = array<i32>} : memref<32x256xf32, #tpu.memory_space<vmem>>, vector<16xf32>,
        %parallel_loop3A_276 = arith.mulf %parallel_loop3A_272, %parallel_loop3A_275 : vector<16xf32>
        %parallel_loop3A_277 = arith.addf %parallel_loop3A_269, %parallel_loop3A_276 : vector<16xf32>
        %parallel_loop3A_278 = arith.index_cast %parallel_loop3A_182 : i32 to index
        %parallel_loop3A_279 = arith.constant 192 : index
        %parallel_loop3A_280 = tpu.vector_load %arg19[%parallel_loop3A_278, %parallel_loop3A_279] {strides = array<i32>} : memref<32x256xf32, #tpu.memory_space<vmem>>, vector<16xf32>,
        %parallel_loop3A_281 = arith.index_cast %parallel_loop3A_182 : i32 to index
        %parallel_loop3A_282 = arith.constant 192 : index
        %parallel_loop3A_283 = tpu.vector_load %arg20[%parallel_loop3A_281, %parallel_loop3A_282] {strides = array<i32>} : memref<32x256xf32, #tpu.memory_space<vmem>>, vector<16xf32>,
        %parallel_loop3A_284 = arith.mulf %parallel_loop3A_280, %parallel_loop3A_283 : vector<16xf32>
        %parallel_loop3A_285 = arith.addf %parallel_loop3A_277, %parallel_loop3A_284 : vector<16xf32>
        %parallel_loop3A_286 = arith.index_cast %parallel_loop3A_182 : i32 to index
        %parallel_loop3A_287 = arith.constant 208 : index
        %parallel_loop3A_288 = tpu.vector_load %arg19[%parallel_loop3A_286, %parallel_loop3A_287] {strides = array<i32>} : memref<32x256xf32, #tpu.memory_space<vmem>>, vector<16xf32>,
        %parallel_loop3A_289 = arith.index_cast %parallel_loop3A_182 : i32 to index
        %parallel_loop3A_290 = arith.constant 208 : index
        %parallel_loop3A_291 = tpu.vector_load %arg20[%parallel_loop3A_289, %parallel_loop3A_290] {strides = array<i32>} : memref<32x256xf32, #tpu.memory_space<vmem>>, vector<16xf32>,
        %parallel_loop3A_292 = arith.mulf %parallel_loop3A_288, %parallel_loop3A_291 : vector<16xf32>
        %parallel_loop3A_293 = arith.addf %parallel_loop3A_285, %parallel_loop3A_292 : vector<16xf32>
        %parallel_loop3A_294 = arith.index_cast %parallel_loop3A_182 : i32 to index
        %parallel_loop3A_295 = arith.constant 224 : index
        %parallel_loop3A_296 = tpu.vector_load %arg19[%parallel_loop3A_294, %parallel_loop3A_295] {strides = array<i32>} : memref<32x256xf32, #tpu.memory_space<vmem>>, vector<16xf32>,
        %parallel_loop3A_297 = arith.index_cast %parallel_loop3A_182 : i32 to index
        %parallel_loop3A_298 = arith.constant 224 : index
        %parallel_loop3A_299 = tpu.vector_load %arg20[%parallel_loop3A_297, %parallel_loop3A_298] {strides = array<i32>} : memref<32x256xf32, #tpu.memory_space<vmem>>, vector<16xf32>,
        %parallel_loop3A_300 = arith.mulf %parallel_loop3A_296, %parallel_loop3A_299 : vector<16xf32>
        %parallel_loop3A_301 = arith.addf %parallel_loop3A_293, %parallel_loop3A_300 : vector<16xf32>
        %parallel_loop3A_302 = arith.index_cast %parallel_loop3A_182 : i32 to index
        %parallel_loop3A_303 = arith.constant 240 : index
        %parallel_loop3A_304 = tpu.vector_load %arg19[%parallel_loop3A_302, %parallel_loop3A_303] {strides = array<i32>} : memref<32x256xf32, #tpu.memory_space<vmem>>, vector<16xf32>,
        %parallel_loop3A_305 = arith.index_cast %parallel_loop3A_182 : i32 to index
        %parallel_loop3A_306 = arith.constant 240 : index
        %parallel_loop3A_307 = tpu.vector_load %arg20[%parallel_loop3A_305, %parallel_loop3A_306] {strides = array<i32>} : memref<32x256xf32, #tpu.memory_space<vmem>>, vector<16xf32>,
        %parallel_loop3A_308 = arith.mulf %parallel_loop3A_304, %parallel_loop3A_307 : vector<16xf32>
        %parallel_loop3A_309 = arith.addf %parallel_loop3A_301, %parallel_loop3A_308 : vector<16xf32>
        %parallel_loop3A_310 = arith.constant true
        %parallel_loop3A_311 = vector.broadcast %parallel_loop3A_310 : i1 to vector<16xi1>
        %parallel_loop3A_312 = tpu.scan <sum>, %parallel_loop3A_309 masked %parallel_loop3A_311 : vector<16xf32>, vector<16xi1> -> vector<16xf32>
        %parallel_loop3A_313 = arith.index_cast %parallel_loop3A_182 : i32 to index
        %parallel_loop3A_314 = tpu.vector_load %arg23[%parallel_loop3A_313] masked %eq3A_10 {strides = array<i32>} : memref<48xf32, #tpu.memory_space<vmem>>, vector<16xf32>, vector<16xi1>
        tpu.vector_store %arg23[%parallel_loop3A_313], %parallel_loop3A_312 masked %eq3A_10 {strides = array<i32>} : memref<48xf32, #tpu.memory_space<vmem>>, vector<16xf32>, vector<16xi1>
      } {sc.loop_unroll_factor = 1 : i64, sc.parallel_access}
      %parallel_loop3A_149 = arith.constant 0 : i32
      %parallel_loop3A_150 = arith.constant 2 : i32
      %parallel_loop3A_151 = arith.constant 1 : i32
      scf.for %parallel_loop3A_182 = %parallel_loop3A_149 to %parallel_loop3A_150 step %parallel_loop3A_151  : i32 {
        %parallel_loop3A_183 = arith.constant 16 : i32
        %parallel_loop3A_184 = arith.muli %parallel_loop3A_182, %parallel_loop3A_183 : i32
        %parallel_loop3A_185 = arith.addi %mul3A_145, %parallel_loop3A_184 : i32
        %parallel_loop3A_186 = arith.constant 16 : i32
        %parallel_loop3A_187 = arith.muli %parallel_loop3A_182, %parallel_loop3A_186 : i32
        %parallel_loop3A_188 = arith.index_cast %parallel_loop3A_187 : i32 to index
        %parallel_loop3A_189 = tpu.vector_load %arg23[%parallel_loop3A_188] {strides = array<i32>} : memref<48xf32, #tpu.memory_space<vmem>>, vector<16xf32>,
        %parallel_loop3A_190 = arith.constant 3.906250e-03 : f32
        %parallel_loop3A_191 = vector.broadcast %parallel_loop3A_190 : f32 to vector<16xf32>
        %parallel_loop3A_192 = arith.mulf %parallel_loop3A_189, %parallel_loop3A_191 : vector<16xf32>
        %parallel_loop3A_193 = arith.constant 0.000000e+00 : f32
        %parallel_loop3A_194 = arith.constant 1.000000e+00 : f32
        %parallel_loop3A_195 = vector.broadcast %parallel_loop3A_193 : f32 to vector<16xf32>
        %parallel_loop3A_196 = arith.maximumf %parallel_loop3A_195, %parallel_loop3A_192 : vector<16xf32>
        %parallel_loop3A_197 = vector.broadcast %parallel_loop3A_194 : f32 to vector<16xf32>
        %parallel_loop3A_198 = arith.minimumf %parallel_loop3A_197, %parallel_loop3A_196 : vector<16xf32>
        %parallel_loop3A_199 = arith.index_cast %parallel_loop3A_185 : i32 to index
        %parallel_loop3A_200 = tpu.vector_load %arg25[%parallel_loop3A_199] {strides = array<i32>} : memref<2048xf32, #tpu.memory_space<vmem>>, vector<16xf32>,
        %parallel_loop3A_201 = arith.constant 0.949999988 : f32
        %parallel_loop3A_202 = vector.broadcast %parallel_loop3A_201 : f32 to vector<16xf32>
        %parallel_loop3A_203 = arith.mulf %parallel_loop3A_202, %parallel_loop3A_200 : vector<16xf32>
        %parallel_loop3A_204 = arith.constant 5.000000e-02 : f32
        %parallel_loop3A_205 = vector.broadcast %parallel_loop3A_204 : f32 to vector<16xf32>
        %parallel_loop3A_206 = arith.mulf %parallel_loop3A_205, %parallel_loop3A_198 : vector<16xf32>
        %parallel_loop3A_207 = arith.addf %parallel_loop3A_203, %parallel_loop3A_206 : vector<16xf32>
        %parallel_loop3A_208 = arith.index_cast %parallel_loop3A_185 : i32 to index
        %parallel_loop3A_209 = tpu.vector_load %arg24[%parallel_loop3A_208] {strides = array<i32>} : memref<2048xf32, #tpu.memory_space<vmem>>, vector<16xf32>,
        %parallel_loop3A_210 = arith.mulf %get3A_59, %parallel_loop3A_207 : vector<16xf32>
        %parallel_loop3A_211 = arith.addf %get3A_55, %parallel_loop3A_210 : vector<16xf32>
        %parallel_loop3A_212 = arith.addf %parallel_loop3A_209, %parallel_loop3A_211 : vector<16xf32>
        %parallel_loop3A_213 = arith.constant 0.000000e+00 : f32
        %parallel_loop3A_214 = arith.constant 1.000000e+00 : f32
        %parallel_loop3A_215 = vector.broadcast %parallel_loop3A_213 : f32 to vector<16xf32>
        %parallel_loop3A_216 = arith.maximumf %parallel_loop3A_215, %parallel_loop3A_212 : vector<16xf32>
        %parallel_loop3A_217 = vector.broadcast %parallel_loop3A_214 : f32 to vector<16xf32>
        %parallel_loop3A_218 = arith.minimumf %parallel_loop3A_217, %parallel_loop3A_216 : vector<16xf32>
        %parallel_loop3A_219 = arith.index_cast %parallel_loop3A_185 : i32 to index
        %parallel_loop3A_220 = tpu.vector_load %arg26[%parallel_loop3A_219] {strides = array<i32>} : memref<2048xf32, #tpu.memory_space<vmem>>, vector<16xf32>,
        %parallel_loop3A_221 = arith.constant 5.000000e-02 : f32
        %parallel_loop3A_222 = vector.broadcast %parallel_loop3A_221 : f32 to vector<16xf32>
        %parallel_loop3A_223 = arith.cmpf olt, %parallel_loop3A_218, %parallel_loop3A_222 : vector<16xf32>
        %parallel_loop3A_224 = arith.constant 1.000000e-01 : f32
        %parallel_loop3A_225 = vector.broadcast %parallel_loop3A_224 : f32 to vector<16xf32>
        %parallel_loop3A_226 = arith.cmpf ogt, %parallel_loop3A_218, %parallel_loop3A_225 : vector<16xf32>
        %parallel_loop3A_227 = arith.constant 0.000000e+00 : f32
        %parallel_loop3A_228 = vector.broadcast %parallel_loop3A_227 : f32 to vector<16xf32>
        %parallel_loop3A_229 = arith.cmpf oeq, %parallel_loop3A_220, %parallel_loop3A_228 : vector<16xf32>
        %parallel_loop3A_230 = arith.andi %parallel_loop3A_226, %parallel_loop3A_229 : vector<16xi1>
        %parallel_loop3A_231 = arith.constant 1.000000e+00 : f32
        %parallel_loop3A_232 = vector.broadcast %parallel_loop3A_231 : f32 to vector<16xf32>
        %parallel_loop3A_233 = arith.select %parallel_loop3A_230, %parallel_loop3A_232, %parallel_loop3A_220 : vector<16xi1>, vector<16xf32>
        %parallel_loop3A_234 = arith.constant 0.000000e+00 : f32
        %parallel_loop3A_235 = vector.broadcast %parallel_loop3A_234 : f32 to vector<16xf32>
        %parallel_loop3A_236 = arith.select %parallel_loop3A_223, %parallel_loop3A_235, %parallel_loop3A_233 : vector<16xi1>, vector<16xf32>
        %parallel_loop3A_237 = arith.index_cast %parallel_loop3A_185 : i32 to index
        %parallel_loop3A_238 = tpu.vector_load %arg27[%parallel_loop3A_237] {strides = array<i32>} : memref<2048xf32, #tpu.memory_space<vmem>>, vector<16xf32>,
        tpu.vector_store %arg27[%parallel_loop3A_237], %parallel_loop3A_218 {strides = array<i32>} : memref<2048xf32, #tpu.memory_space<vmem>>, vector<16xf32>,
        %parallel_loop3A_239 = arith.index_cast %parallel_loop3A_185 : i32 to index
        %parallel_loop3A_240 = tpu.vector_load %arg28[%parallel_loop3A_239] {strides = array<i32>} : memref<2048xf32, #tpu.memory_space<vmem>>, vector<16xf32>,
        tpu.vector_store %arg28[%parallel_loop3A_239], %parallel_loop3A_236 {strides = array<i32>} : memref<2048xf32, #tpu.memory_space<vmem>>, vector<16xf32>,
        %parallel_loop3A_241 = arith.index_cast %parallel_loop3A_185 : i32 to index
        %parallel_loop3A_242 = tpu.vector_load %arg29[%parallel_loop3A_241] {strides = array<i32>} : memref<2048xf32, #tpu.memory_space<vmem>>, vector<16xf32>,
        tpu.vector_store %arg29[%parallel_loop3A_241], %parallel_loop3A_207 {strides = array<i32>} : memref<2048xf32, #tpu.memory_space<vmem>>, vector<16xf32>,
        %parallel_loop3A_243 = arith.constant 1.600000e+00 : f32
        %parallel_loop3A_244 = vector.broadcast %parallel_loop3A_243 : f32 to vector<16xf32>
        %parallel_loop3A_245 = arith.mulf %parallel_loop3A_244, %parallel_loop3A_218 : vector<16xf32>
        %parallel_loop3A_246 = arith.constant 2.000000e-01 : f32
        %parallel_loop3A_247 = vector.broadcast %parallel_loop3A_246 : f32 to vector<16xf32>
        %parallel_loop3A_248 = arith.addf %parallel_loop3A_247, %parallel_loop3A_245 : vector<16xf32>
        %parallel_loop3A_249 = arith.mulf %parallel_loop3A_236, %parallel_loop3A_248 : vector<16xf32>
        %parallel_loop3A_250 = arith.index_cast %parallel_loop3A_185 : i32 to index
        %parallel_loop3A_251 = tpu.vector_load %arg30[%parallel_loop3A_250] {strides = array<i32>} : memref<2048xf32, #tpu.memory_space<vmem>>, vector<16xf32>,
        tpu.vector_store %arg30[%parallel_loop3A_250], %parallel_loop3A_249 {strides = array<i32>} : memref<2048xf32, #tpu.memory_space<vmem>>, vector<16xf32>,
      } {sc.loop_unroll_factor = 1 : i64, sc.parallel_access}
      %add3A_152 = arith.constant 3 : i32
      %add3A_153 = arith.addi %mul3A_69, %add3A_152 : i32
      %add3A_154 = arith.constant 4 : i32
      %add3A_155 = arith.addi %add3A_153, %add3A_154 : i32
      %sub3A_156 = arith.constant 1 : i32
      %sub3A_157 = arith.subi %add3A_155, %sub3A_156 : i32
      %lt3A_158 = arith.constant 64 : i32
      %lt3A_159 = arith.cmpi slt, %sub3A_157, %lt3A_158 : i32
      %convert_element_type3A_160 = arith.extui %lt3A_159 : i1 to i32
      %cond3A_161 = arith.constant 0 : i32
      %cond3A_162 = arith.cmpi ne, %convert_element_type3A_160, %cond3A_161 : i32
      scf.if %cond3A_162 {
        %add3A_182 = arith.constant 4 : i32
        %add3A_183 = arith.addi %add3A_153, %add3A_182 : i32
        %sub3A_184 = arith.constant 1 : i32
        %sub3A_185 = arith.subi %add3A_183, %sub3A_184 : i32
        %mul3A_186 = arith.constant 32 : i32
        %mul3A_187 = arith.muli %sub3A_185, %mul3A_186 : i32
        %dma_start3A_188 = tpu.memref_slice %arg13[%mul3A_187] : memref<2048xi32, #tpu.memory_space<vmem>> -> memref<32xi32, #tpu.memory_space<vmem>>
        %dma_start3A_189 = arith.constant 0 : i32
        %dma_start3A_190 = arith.constant 0 : i32
        %dma_start3A_191 = tpu.memref_slice %arg2[%dma_start3A_189, %dma_start3A_190] : memref<8192x256xf32, #tpu.memory_space<hbm>> -> memref<8192x256xf32, #tpu.memory_space<hbm>>
        tpu.enqueue_indirect_dma source(%dma_start3A_191 : memref<8192x256xf32, #tpu.memory_space<hbm>>) target(%arg19 : memref<32x256xf32, #tpu.memory_space<vmem>>) offsets(%dma_start3A_188 : memref<32xi32, #tpu.memory_space<vmem>>) semaphore(%arg36 : memref<!tpu.dma_semaphore, #tpu.memory_space<semaphore_mem>>)
        %dma_start3A_192 = tpu.memref_slice %arg14[%mul3A_187] : memref<2048xi32, #tpu.memory_space<vmem>> -> memref<32xi32, #tpu.memory_space<vmem>>
        %dma_start3A_193 = arith.constant 0 : i32
        %dma_start3A_194 = arith.constant 0 : i32
        %dma_start3A_195 = tpu.memref_slice %arg2[%dma_start3A_193, %dma_start3A_194] : memref<8192x256xf32, #tpu.memory_space<hbm>> -> memref<8192x256xf32, #tpu.memory_space<hbm>>
        tpu.enqueue_indirect_dma source(%dma_start3A_195 : memref<8192x256xf32, #tpu.memory_space<hbm>>) target(%arg20 : memref<32x256xf32, #tpu.memory_space<vmem>>) offsets(%dma_start3A_192 : memref<32xi32, #tpu.memory_space<vmem>>) semaphore(%arg37 : memref<!tpu.dma_semaphore, #tpu.memory_space<semaphore_mem>>)
      } else {
      }
      %mul3A_163 = arith.constant 32 : i32
      %mul3A_164 = arith.muli %add3A_153, %mul3A_163 : i32
      %dma_wait3A_165 = tpu.memref_slice %arg13[%mul3A_164] : memref<2048xi32, #tpu.memory_space<vmem>> -> memref<32xi32, #tpu.memory_space<vmem>>
      %dma_wait3A_166 = arith.constant 0 : i32
      %dma_wait3A_167 = arith.constant 0 : i32
      %dma_wait3A_168 = tpu.memref_slice %arg2[%dma_wait3A_166, %dma_wait3A_167] : memref<8192x256xf32, #tpu.memory_space<hbm>> -> memref<8192x256xf32, #tpu.memory_space<hbm>>
      tpu.wait_indirect_dma semaphore(%arg38 : memref<!tpu.dma_semaphore, #tpu.memory_space<semaphore_mem>>) src(%dma_wait3A_168 : memref<8192x256xf32, #tpu.memory_space<hbm>>) dst(%arg21 : memref<32x256xf32, #tpu.memory_space<vmem>>)
      %dma_wait3A_169 = tpu.memref_slice %arg14[%mul3A_164] : memref<2048xi32, #tpu.memory_space<vmem>> -> memref<32xi32, #tpu.memory_space<vmem>>
      %dma_wait3A_170 = arith.constant 0 : i32
      %dma_wait3A_171 = arith.constant 0 : i32
      %dma_wait3A_172 = tpu.memref_slice %arg2[%dma_wait3A_170, %dma_wait3A_171] : memref<8192x256xf32, #tpu.memory_space<hbm>> -> memref<8192x256xf32, #tpu.memory_space<hbm>>
      tpu.wait_indirect_dma semaphore(%arg39 : memref<!tpu.dma_semaphore, #tpu.memory_space<semaphore_mem>>) src(%dma_wait3A_172 : memref<8192x256xf32, #tpu.memory_space<hbm>>) dst(%arg22 : memref<32x256xf32, #tpu.memory_space<vmem>>)
      %mul3A_173 = arith.constant 32 : i32
      %mul3A_174 = arith.muli %add3A_153, %mul3A_173 : i32
      %parallel_loop3A_175 = arith.constant 0 : i32
      %parallel_loop3A_176 = arith.constant 32 : i32
      %parallel_loop3A_177 = arith.constant 1 : i32
      scf.for %parallel_loop3A_182 = %parallel_loop3A_175 to %parallel_loop3A_176 step %parallel_loop3A_177  : i32 {
        %parallel_loop3A_183 = arith.index_cast %parallel_loop3A_182 : i32 to index
        %parallel_loop3A_184 = arith.constant 0 : index
        %parallel_loop3A_185 = tpu.vector_load %arg21[%parallel_loop3A_183, %parallel_loop3A_184] {strides = array<i32>} : memref<32x256xf32, #tpu.memory_space<vmem>>, vector<16xf32>,
        %parallel_loop3A_186 = arith.index_cast %parallel_loop3A_182 : i32 to index
        %parallel_loop3A_187 = arith.constant 0 : index
        %parallel_loop3A_188 = tpu.vector_load %arg22[%parallel_loop3A_186, %parallel_loop3A_187] {strides = array<i32>} : memref<32x256xf32, #tpu.memory_space<vmem>>, vector<16xf32>,
        %parallel_loop3A_189 = arith.mulf %parallel_loop3A_185, %parallel_loop3A_188 : vector<16xf32>
        %parallel_loop3A_190 = arith.index_cast %parallel_loop3A_182 : i32 to index
        %parallel_loop3A_191 = arith.constant 16 : index
        %parallel_loop3A_192 = tpu.vector_load %arg21[%parallel_loop3A_190, %parallel_loop3A_191] {strides = array<i32>} : memref<32x256xf32, #tpu.memory_space<vmem>>, vector<16xf32>,
        %parallel_loop3A_193 = arith.index_cast %parallel_loop3A_182 : i32 to index
        %parallel_loop3A_194 = arith.constant 16 : index
        %parallel_loop3A_195 = tpu.vector_load %arg22[%parallel_loop3A_193, %parallel_loop3A_194] {strides = array<i32>} : memref<32x256xf32, #tpu.memory_space<vmem>>, vector<16xf32>,
        %parallel_loop3A_196 = arith.mulf %parallel_loop3A_192, %parallel_loop3A_195 : vector<16xf32>
        %parallel_loop3A_197 = arith.addf %parallel_loop3A_189, %parallel_loop3A_196 : vector<16xf32>
        %parallel_loop3A_198 = arith.index_cast %parallel_loop3A_182 : i32 to index
        %parallel_loop3A_199 = arith.constant 32 : index
        %parallel_loop3A_200 = tpu.vector_load %arg21[%parallel_loop3A_198, %parallel_loop3A_199] {strides = array<i32>} : memref<32x256xf32, #tpu.memory_space<vmem>>, vector<16xf32>,
        %parallel_loop3A_201 = arith.index_cast %parallel_loop3A_182 : i32 to index
        %parallel_loop3A_202 = arith.constant 32 : index
        %parallel_loop3A_203 = tpu.vector_load %arg22[%parallel_loop3A_201, %parallel_loop3A_202] {strides = array<i32>} : memref<32x256xf32, #tpu.memory_space<vmem>>, vector<16xf32>,
        %parallel_loop3A_204 = arith.mulf %parallel_loop3A_200, %parallel_loop3A_203 : vector<16xf32>
        %parallel_loop3A_205 = arith.addf %parallel_loop3A_197, %parallel_loop3A_204 : vector<16xf32>
        %parallel_loop3A_206 = arith.index_cast %parallel_loop3A_182 : i32 to index
        %parallel_loop3A_207 = arith.constant 48 : index
        %parallel_loop3A_208 = tpu.vector_load %arg21[%parallel_loop3A_206, %parallel_loop3A_207] {strides = array<i32>} : memref<32x256xf32, #tpu.memory_space<vmem>>, vector<16xf32>,
        %parallel_loop3A_209 = arith.index_cast %parallel_loop3A_182 : i32 to index
        %parallel_loop3A_210 = arith.constant 48 : index
        %parallel_loop3A_211 = tpu.vector_load %arg22[%parallel_loop3A_209, %parallel_loop3A_210] {strides = array<i32>} : memref<32x256xf32, #tpu.memory_space<vmem>>, vector<16xf32>,
        %parallel_loop3A_212 = arith.mulf %parallel_loop3A_208, %parallel_loop3A_211 : vector<16xf32>
        %parallel_loop3A_213 = arith.addf %parallel_loop3A_205, %parallel_loop3A_212 : vector<16xf32>
        %parallel_loop3A_214 = arith.index_cast %parallel_loop3A_182 : i32 to index
        %parallel_loop3A_215 = arith.constant 64 : index
        %parallel_loop3A_216 = tpu.vector_load %arg21[%parallel_loop3A_214, %parallel_loop3A_215] {strides = array<i32>} : memref<32x256xf32, #tpu.memory_space<vmem>>, vector<16xf32>,
        %parallel_loop3A_217 = arith.index_cast %parallel_loop3A_182 : i32 to index
        %parallel_loop3A_218 = arith.constant 64 : index
        %parallel_loop3A_219 = tpu.vector_load %arg22[%parallel_loop3A_217, %parallel_loop3A_218] {strides = array<i32>} : memref<32x256xf32, #tpu.memory_space<vmem>>, vector<16xf32>,
        %parallel_loop3A_220 = arith.mulf %parallel_loop3A_216, %parallel_loop3A_219 : vector<16xf32>
        %parallel_loop3A_221 = arith.addf %parallel_loop3A_213, %parallel_loop3A_220 : vector<16xf32>
        %parallel_loop3A_222 = arith.index_cast %parallel_loop3A_182 : i32 to index
        %parallel_loop3A_223 = arith.constant 80 : index
        %parallel_loop3A_224 = tpu.vector_load %arg21[%parallel_loop3A_222, %parallel_loop3A_223] {strides = array<i32>} : memref<32x256xf32, #tpu.memory_space<vmem>>, vector<16xf32>,
        %parallel_loop3A_225 = arith.index_cast %parallel_loop3A_182 : i32 to index
        %parallel_loop3A_226 = arith.constant 80 : index
        %parallel_loop3A_227 = tpu.vector_load %arg22[%parallel_loop3A_225, %parallel_loop3A_226] {strides = array<i32>} : memref<32x256xf32, #tpu.memory_space<vmem>>, vector<16xf32>,
        %parallel_loop3A_228 = arith.mulf %parallel_loop3A_224, %parallel_loop3A_227 : vector<16xf32>
        %parallel_loop3A_229 = arith.addf %parallel_loop3A_221, %parallel_loop3A_228 : vector<16xf32>
        %parallel_loop3A_230 = arith.index_cast %parallel_loop3A_182 : i32 to index
        %parallel_loop3A_231 = arith.constant 96 : index
        %parallel_loop3A_232 = tpu.vector_load %arg21[%parallel_loop3A_230, %parallel_loop3A_231] {strides = array<i32>} : memref<32x256xf32, #tpu.memory_space<vmem>>, vector<16xf32>,
        %parallel_loop3A_233 = arith.index_cast %parallel_loop3A_182 : i32 to index
        %parallel_loop3A_234 = arith.constant 96 : index
        %parallel_loop3A_235 = tpu.vector_load %arg22[%parallel_loop3A_233, %parallel_loop3A_234] {strides = array<i32>} : memref<32x256xf32, #tpu.memory_space<vmem>>, vector<16xf32>,
        %parallel_loop3A_236 = arith.mulf %parallel_loop3A_232, %parallel_loop3A_235 : vector<16xf32>
        %parallel_loop3A_237 = arith.addf %parallel_loop3A_229, %parallel_loop3A_236 : vector<16xf32>
        %parallel_loop3A_238 = arith.index_cast %parallel_loop3A_182 : i32 to index
        %parallel_loop3A_239 = arith.constant 112 : index
        %parallel_loop3A_240 = tpu.vector_load %arg21[%parallel_loop3A_238, %parallel_loop3A_239] {strides = array<i32>} : memref<32x256xf32, #tpu.memory_space<vmem>>, vector<16xf32>,
        %parallel_loop3A_241 = arith.index_cast %parallel_loop3A_182 : i32 to index
        %parallel_loop3A_242 = arith.constant 112 : index
        %parallel_loop3A_243 = tpu.vector_load %arg22[%parallel_loop3A_241, %parallel_loop3A_242] {strides = array<i32>} : memref<32x256xf32, #tpu.memory_space<vmem>>, vector<16xf32>,
        %parallel_loop3A_244 = arith.mulf %parallel_loop3A_240, %parallel_loop3A_243 : vector<16xf32>
        %parallel_loop3A_245 = arith.addf %parallel_loop3A_237, %parallel_loop3A_244 : vector<16xf32>
        %parallel_loop3A_246 = arith.index_cast %parallel_loop3A_182 : i32 to index
        %parallel_loop3A_247 = arith.constant 128 : index
        %parallel_loop3A_248 = tpu.vector_load %arg21[%parallel_loop3A_246, %parallel_loop3A_247] {strides = array<i32>} : memref<32x256xf32, #tpu.memory_space<vmem>>, vector<16xf32>,
        %parallel_loop3A_249 = arith.index_cast %parallel_loop3A_182 : i32 to index
        %parallel_loop3A_250 = arith.constant 128 : index
        %parallel_loop3A_251 = tpu.vector_load %arg22[%parallel_loop3A_249, %parallel_loop3A_250] {strides = array<i32>} : memref<32x256xf32, #tpu.memory_space<vmem>>, vector<16xf32>,
        %parallel_loop3A_252 = arith.mulf %parallel_loop3A_248, %parallel_loop3A_251 : vector<16xf32>
        %parallel_loop3A_253 = arith.addf %parallel_loop3A_245, %parallel_loop3A_252 : vector<16xf32>
        %parallel_loop3A_254 = arith.index_cast %parallel_loop3A_182 : i32 to index
        %parallel_loop3A_255 = arith.constant 144 : index
        %parallel_loop3A_256 = tpu.vector_load %arg21[%parallel_loop3A_254, %parallel_loop3A_255] {strides = array<i32>} : memref<32x256xf32, #tpu.memory_space<vmem>>, vector<16xf32>,
        %parallel_loop3A_257 = arith.index_cast %parallel_loop3A_182 : i32 to index
        %parallel_loop3A_258 = arith.constant 144 : index
        %parallel_loop3A_259 = tpu.vector_load %arg22[%parallel_loop3A_257, %parallel_loop3A_258] {strides = array<i32>} : memref<32x256xf32, #tpu.memory_space<vmem>>, vector<16xf32>,
        %parallel_loop3A_260 = arith.mulf %parallel_loop3A_256, %parallel_loop3A_259 : vector<16xf32>
        %parallel_loop3A_261 = arith.addf %parallel_loop3A_253, %parallel_loop3A_260 : vector<16xf32>
        %parallel_loop3A_262 = arith.index_cast %parallel_loop3A_182 : i32 to index
        %parallel_loop3A_263 = arith.constant 160 : index
        %parallel_loop3A_264 = tpu.vector_load %arg21[%parallel_loop3A_262, %parallel_loop3A_263] {strides = array<i32>} : memref<32x256xf32, #tpu.memory_space<vmem>>, vector<16xf32>,
        %parallel_loop3A_265 = arith.index_cast %parallel_loop3A_182 : i32 to index
        %parallel_loop3A_266 = arith.constant 160 : index
        %parallel_loop3A_267 = tpu.vector_load %arg22[%parallel_loop3A_265, %parallel_loop3A_266] {strides = array<i32>} : memref<32x256xf32, #tpu.memory_space<vmem>>, vector<16xf32>,
        %parallel_loop3A_268 = arith.mulf %parallel_loop3A_264, %parallel_loop3A_267 : vector<16xf32>
        %parallel_loop3A_269 = arith.addf %parallel_loop3A_261, %parallel_loop3A_268 : vector<16xf32>
        %parallel_loop3A_270 = arith.index_cast %parallel_loop3A_182 : i32 to index
        %parallel_loop3A_271 = arith.constant 176 : index
        %parallel_loop3A_272 = tpu.vector_load %arg21[%parallel_loop3A_270, %parallel_loop3A_271] {strides = array<i32>} : memref<32x256xf32, #tpu.memory_space<vmem>>, vector<16xf32>,
        %parallel_loop3A_273 = arith.index_cast %parallel_loop3A_182 : i32 to index
        %parallel_loop3A_274 = arith.constant 176 : index
        %parallel_loop3A_275 = tpu.vector_load %arg22[%parallel_loop3A_273, %parallel_loop3A_274] {strides = array<i32>} : memref<32x256xf32, #tpu.memory_space<vmem>>, vector<16xf32>,
        %parallel_loop3A_276 = arith.mulf %parallel_loop3A_272, %parallel_loop3A_275 : vector<16xf32>
        %parallel_loop3A_277 = arith.addf %parallel_loop3A_269, %parallel_loop3A_276 : vector<16xf32>
        %parallel_loop3A_278 = arith.index_cast %parallel_loop3A_182 : i32 to index
        %parallel_loop3A_279 = arith.constant 192 : index
        %parallel_loop3A_280 = tpu.vector_load %arg21[%parallel_loop3A_278, %parallel_loop3A_279] {strides = array<i32>} : memref<32x256xf32, #tpu.memory_space<vmem>>, vector<16xf32>,
        %parallel_loop3A_281 = arith.index_cast %parallel_loop3A_182 : i32 to index
        %parallel_loop3A_282 = arith.constant 192 : index
        %parallel_loop3A_283 = tpu.vector_load %arg22[%parallel_loop3A_281, %parallel_loop3A_282] {strides = array<i32>} : memref<32x256xf32, #tpu.memory_space<vmem>>, vector<16xf32>,
        %parallel_loop3A_284 = arith.mulf %parallel_loop3A_280, %parallel_loop3A_283 : vector<16xf32>
        %parallel_loop3A_285 = arith.addf %parallel_loop3A_277, %parallel_loop3A_284 : vector<16xf32>
        %parallel_loop3A_286 = arith.index_cast %parallel_loop3A_182 : i32 to index
        %parallel_loop3A_287 = arith.constant 208 : index
        %parallel_loop3A_288 = tpu.vector_load %arg21[%parallel_loop3A_286, %parallel_loop3A_287] {strides = array<i32>} : memref<32x256xf32, #tpu.memory_space<vmem>>, vector<16xf32>,
        %parallel_loop3A_289 = arith.index_cast %parallel_loop3A_182 : i32 to index
        %parallel_loop3A_290 = arith.constant 208 : index
        %parallel_loop3A_291 = tpu.vector_load %arg22[%parallel_loop3A_289, %parallel_loop3A_290] {strides = array<i32>} : memref<32x256xf32, #tpu.memory_space<vmem>>, vector<16xf32>,
        %parallel_loop3A_292 = arith.mulf %parallel_loop3A_288, %parallel_loop3A_291 : vector<16xf32>
        %parallel_loop3A_293 = arith.addf %parallel_loop3A_285, %parallel_loop3A_292 : vector<16xf32>
        %parallel_loop3A_294 = arith.index_cast %parallel_loop3A_182 : i32 to index
        %parallel_loop3A_295 = arith.constant 224 : index
        %parallel_loop3A_296 = tpu.vector_load %arg21[%parallel_loop3A_294, %parallel_loop3A_295] {strides = array<i32>} : memref<32x256xf32, #tpu.memory_space<vmem>>, vector<16xf32>,
        %parallel_loop3A_297 = arith.index_cast %parallel_loop3A_182 : i32 to index
        %parallel_loop3A_298 = arith.constant 224 : index
        %parallel_loop3A_299 = tpu.vector_load %arg22[%parallel_loop3A_297, %parallel_loop3A_298] {strides = array<i32>} : memref<32x256xf32, #tpu.memory_space<vmem>>, vector<16xf32>,
        %parallel_loop3A_300 = arith.mulf %parallel_loop3A_296, %parallel_loop3A_299 : vector<16xf32>
        %parallel_loop3A_301 = arith.addf %parallel_loop3A_293, %parallel_loop3A_300 : vector<16xf32>
        %parallel_loop3A_302 = arith.index_cast %parallel_loop3A_182 : i32 to index
        %parallel_loop3A_303 = arith.constant 240 : index
        %parallel_loop3A_304 = tpu.vector_load %arg21[%parallel_loop3A_302, %parallel_loop3A_303] {strides = array<i32>} : memref<32x256xf32, #tpu.memory_space<vmem>>, vector<16xf32>,
        %parallel_loop3A_305 = arith.index_cast %parallel_loop3A_182 : i32 to index
        %parallel_loop3A_306 = arith.constant 240 : index
        %parallel_loop3A_307 = tpu.vector_load %arg22[%parallel_loop3A_305, %parallel_loop3A_306] {strides = array<i32>} : memref<32x256xf32, #tpu.memory_space<vmem>>, vector<16xf32>,
        %parallel_loop3A_308 = arith.mulf %parallel_loop3A_304, %parallel_loop3A_307 : vector<16xf32>
        %parallel_loop3A_309 = arith.addf %parallel_loop3A_301, %parallel_loop3A_308 : vector<16xf32>
        %parallel_loop3A_310 = arith.constant true
        %parallel_loop3A_311 = vector.broadcast %parallel_loop3A_310 : i1 to vector<16xi1>
        %parallel_loop3A_312 = tpu.scan <sum>, %parallel_loop3A_309 masked %parallel_loop3A_311 : vector<16xf32>, vector<16xi1> -> vector<16xf32>
        %parallel_loop3A_313 = arith.index_cast %parallel_loop3A_182 : i32 to index
        %parallel_loop3A_314 = tpu.vector_load %arg23[%parallel_loop3A_313] masked %eq3A_10 {strides = array<i32>} : memref<48xf32, #tpu.memory_space<vmem>>, vector<16xf32>, vector<16xi1>
        tpu.vector_store %arg23[%parallel_loop3A_313], %parallel_loop3A_312 masked %eq3A_10 {strides = array<i32>} : memref<48xf32, #tpu.memory_space<vmem>>, vector<16xf32>, vector<16xi1>
      } {sc.loop_unroll_factor = 1 : i64, sc.parallel_access}
      %parallel_loop3A_178 = arith.constant 0 : i32
      %parallel_loop3A_179 = arith.constant 2 : i32
      %parallel_loop3A_180 = arith.constant 1 : i32
      scf.for %parallel_loop3A_182 = %parallel_loop3A_178 to %parallel_loop3A_179 step %parallel_loop3A_180  : i32 {
        %parallel_loop3A_183 = arith.constant 16 : i32
        %parallel_loop3A_184 = arith.muli %parallel_loop3A_182, %parallel_loop3A_183 : i32
        %parallel_loop3A_185 = arith.addi %mul3A_174, %parallel_loop3A_184 : i32
        %parallel_loop3A_186 = arith.constant 16 : i32
        %parallel_loop3A_187 = arith.muli %parallel_loop3A_182, %parallel_loop3A_186 : i32
        %parallel_loop3A_188 = arith.index_cast %parallel_loop3A_187 : i32 to index
        %parallel_loop3A_189 = tpu.vector_load %arg23[%parallel_loop3A_188] {strides = array<i32>} : memref<48xf32, #tpu.memory_space<vmem>>, vector<16xf32>,
        %parallel_loop3A_190 = arith.constant 3.906250e-03 : f32
        %parallel_loop3A_191 = vector.broadcast %parallel_loop3A_190 : f32 to vector<16xf32>
        %parallel_loop3A_192 = arith.mulf %parallel_loop3A_189, %parallel_loop3A_191 : vector<16xf32>
        %parallel_loop3A_193 = arith.constant 0.000000e+00 : f32
        %parallel_loop3A_194 = arith.constant 1.000000e+00 : f32
        %parallel_loop3A_195 = vector.broadcast %parallel_loop3A_193 : f32 to vector<16xf32>
        %parallel_loop3A_196 = arith.maximumf %parallel_loop3A_195, %parallel_loop3A_192 : vector<16xf32>
        %parallel_loop3A_197 = vector.broadcast %parallel_loop3A_194 : f32 to vector<16xf32>
        %parallel_loop3A_198 = arith.minimumf %parallel_loop3A_197, %parallel_loop3A_196 : vector<16xf32>
        %parallel_loop3A_199 = arith.index_cast %parallel_loop3A_185 : i32 to index
        %parallel_loop3A_200 = tpu.vector_load %arg25[%parallel_loop3A_199] {strides = array<i32>} : memref<2048xf32, #tpu.memory_space<vmem>>, vector<16xf32>,
        %parallel_loop3A_201 = arith.constant 0.949999988 : f32
        %parallel_loop3A_202 = vector.broadcast %parallel_loop3A_201 : f32 to vector<16xf32>
        %parallel_loop3A_203 = arith.mulf %parallel_loop3A_202, %parallel_loop3A_200 : vector<16xf32>
        %parallel_loop3A_204 = arith.constant 5.000000e-02 : f32
        %parallel_loop3A_205 = vector.broadcast %parallel_loop3A_204 : f32 to vector<16xf32>
        %parallel_loop3A_206 = arith.mulf %parallel_loop3A_205, %parallel_loop3A_198 : vector<16xf32>
        %parallel_loop3A_207 = arith.addf %parallel_loop3A_203, %parallel_loop3A_206 : vector<16xf32>
        %parallel_loop3A_208 = arith.index_cast %parallel_loop3A_185 : i32 to index
        %parallel_loop3A_209 = tpu.vector_load %arg24[%parallel_loop3A_208] {strides = array<i32>} : memref<2048xf32, #tpu.memory_space<vmem>>, vector<16xf32>,
        %parallel_loop3A_210 = arith.mulf %get3A_59, %parallel_loop3A_207 : vector<16xf32>
        %parallel_loop3A_211 = arith.addf %get3A_55, %parallel_loop3A_210 : vector<16xf32>
        %parallel_loop3A_212 = arith.addf %parallel_loop3A_209, %parallel_loop3A_211 : vector<16xf32>
        %parallel_loop3A_213 = arith.constant 0.000000e+00 : f32
        %parallel_loop3A_214 = arith.constant 1.000000e+00 : f32
        %parallel_loop3A_215 = vector.broadcast %parallel_loop3A_213 : f32 to vector<16xf32>
        %parallel_loop3A_216 = arith.maximumf %parallel_loop3A_215, %parallel_loop3A_212 : vector<16xf32>
        %parallel_loop3A_217 = vector.broadcast %parallel_loop3A_214 : f32 to vector<16xf32>
        %parallel_loop3A_218 = arith.minimumf %parallel_loop3A_217, %parallel_loop3A_216 : vector<16xf32>
        %parallel_loop3A_219 = arith.index_cast %parallel_loop3A_185 : i32 to index
        %parallel_loop3A_220 = tpu.vector_load %arg26[%parallel_loop3A_219] {strides = array<i32>} : memref<2048xf32, #tpu.memory_space<vmem>>, vector<16xf32>,
        %parallel_loop3A_221 = arith.constant 5.000000e-02 : f32
        %parallel_loop3A_222 = vector.broadcast %parallel_loop3A_221 : f32 to vector<16xf32>
        %parallel_loop3A_223 = arith.cmpf olt, %parallel_loop3A_218, %parallel_loop3A_222 : vector<16xf32>
        %parallel_loop3A_224 = arith.constant 1.000000e-01 : f32
        %parallel_loop3A_225 = vector.broadcast %parallel_loop3A_224 : f32 to vector<16xf32>
        %parallel_loop3A_226 = arith.cmpf ogt, %parallel_loop3A_218, %parallel_loop3A_225 : vector<16xf32>
        %parallel_loop3A_227 = arith.constant 0.000000e+00 : f32
        %parallel_loop3A_228 = vector.broadcast %parallel_loop3A_227 : f32 to vector<16xf32>
        %parallel_loop3A_229 = arith.cmpf oeq, %parallel_loop3A_220, %parallel_loop3A_228 : vector<16xf32>
        %parallel_loop3A_230 = arith.andi %parallel_loop3A_226, %parallel_loop3A_229 : vector<16xi1>
        %parallel_loop3A_231 = arith.constant 1.000000e+00 : f32
        %parallel_loop3A_232 = vector.broadcast %parallel_loop3A_231 : f32 to vector<16xf32>
        %parallel_loop3A_233 = arith.select %parallel_loop3A_230, %parallel_loop3A_232, %parallel_loop3A_220 : vector<16xi1>, vector<16xf32>
        %parallel_loop3A_234 = arith.constant 0.000000e+00 : f32
        %parallel_loop3A_235 = vector.broadcast %parallel_loop3A_234 : f32 to vector<16xf32>
        %parallel_loop3A_236 = arith.select %parallel_loop3A_223, %parallel_loop3A_235, %parallel_loop3A_233 : vector<16xi1>, vector<16xf32>
        %parallel_loop3A_237 = arith.index_cast %parallel_loop3A_185 : i32 to index
        %parallel_loop3A_238 = tpu.vector_load %arg27[%parallel_loop3A_237] {strides = array<i32>} : memref<2048xf32, #tpu.memory_space<vmem>>, vector<16xf32>,
        tpu.vector_store %arg27[%parallel_loop3A_237], %parallel_loop3A_218 {strides = array<i32>} : memref<2048xf32, #tpu.memory_space<vmem>>, vector<16xf32>,
        %parallel_loop3A_239 = arith.index_cast %parallel_loop3A_185 : i32 to index
        %parallel_loop3A_240 = tpu.vector_load %arg28[%parallel_loop3A_239] {strides = array<i32>} : memref<2048xf32, #tpu.memory_space<vmem>>, vector<16xf32>,
        tpu.vector_store %arg28[%parallel_loop3A_239], %parallel_loop3A_236 {strides = array<i32>} : memref<2048xf32, #tpu.memory_space<vmem>>, vector<16xf32>,
        %parallel_loop3A_241 = arith.index_cast %parallel_loop3A_185 : i32 to index
        %parallel_loop3A_242 = tpu.vector_load %arg29[%parallel_loop3A_241] {strides = array<i32>} : memref<2048xf32, #tpu.memory_space<vmem>>, vector<16xf32>,
        tpu.vector_store %arg29[%parallel_loop3A_241], %parallel_loop3A_207 {strides = array<i32>} : memref<2048xf32, #tpu.memory_space<vmem>>, vector<16xf32>,
        %parallel_loop3A_243 = arith.constant 1.600000e+00 : f32
        %parallel_loop3A_244 = vector.broadcast %parallel_loop3A_243 : f32 to vector<16xf32>
        %parallel_loop3A_245 = arith.mulf %parallel_loop3A_244, %parallel_loop3A_218 : vector<16xf32>
        %parallel_loop3A_246 = arith.constant 2.000000e-01 : f32
        %parallel_loop3A_247 = vector.broadcast %parallel_loop3A_246 : f32 to vector<16xf32>
        %parallel_loop3A_248 = arith.addf %parallel_loop3A_247, %parallel_loop3A_245 : vector<16xf32>
        %parallel_loop3A_249 = arith.mulf %parallel_loop3A_236, %parallel_loop3A_248 : vector<16xf32>
        %parallel_loop3A_250 = arith.index_cast %parallel_loop3A_185 : i32 to index
        %parallel_loop3A_251 = tpu.vector_load %arg30[%parallel_loop3A_250] {strides = array<i32>} : memref<2048xf32, #tpu.memory_space<vmem>>, vector<16xf32>,
        tpu.vector_store %arg30[%parallel_loop3A_250], %parallel_loop3A_249 {strides = array<i32>} : memref<2048xf32, #tpu.memory_space<vmem>>, vector<16xf32>,
      } {sc.loop_unroll_factor = 1 : i64, sc.parallel_access}
      %scan3A_181 = arith.constant 0 : i32
      scf.yield %scan3A_181 : i32
    }
    %scan3A_65 = arith.constant 16 : i32
    "tpu.region"() ({
      %run_scoped3A = tpu.sem_alloc : memref<!tpu.dma_semaphore, #tpu.memory_space<semaphore_mem>>
      %dma_start3A_66 = tpu.memref_slice %arg9[%mul3A_2] : memref<65536xf32, #tpu.memory_space<hbm>> -> memref<2048xf32, #tpu.memory_space<hbm>>
      %dma_start3A_67 = tpu.memref_slice %arg9[%mul3A_2] : memref<65536xf32, #tpu.memory_space<hbm>> -> memref<2048xf32, #tpu.memory_space<hbm>>
      tpu.enqueue_dma source(%arg27 : memref<2048xf32, #tpu.memory_space<vmem>>) target(%dma_start3A_67 : memref<2048xf32, #tpu.memory_space<hbm>>) target_semaphore(%run_scoped3A : memref<!tpu.dma_semaphore, #tpu.memory_space<semaphore_mem>>)
      %dma_wait3A_68 = tpu.memref_slice %arg9[%mul3A_2] : memref<65536xf32, #tpu.memory_space<hbm>> -> memref<2048xf32, #tpu.memory_space<hbm>>
      %dma_wait3A_69 = tpu.memref_slice %arg9[%mul3A_2] : memref<65536xf32, #tpu.memory_space<hbm>> -> memref<2048xf32, #tpu.memory_space<hbm>>
      tpu.wait_dma2 semaphore(%run_scoped3A : memref<!tpu.dma_semaphore, #tpu.memory_space<semaphore_mem>>) src(%arg27 : memref<2048xf32, #tpu.memory_space<vmem>>) dst(%dma_wait3A_69 : memref<2048xf32, #tpu.memory_space<hbm>>)
      tpu.yield
    }) : () -> ()
    "tpu.region"() ({
      %run_scoped3A = tpu.sem_alloc : memref<!tpu.dma_semaphore, #tpu.memory_space<semaphore_mem>>
      %dma_start3A_66 = tpu.memref_slice %arg10[%mul3A_2] : memref<65536xf32, #tpu.memory_space<hbm>> -> memref<2048xf32, #tpu.memory_space<hbm>>
      %dma_start3A_67 = tpu.memref_slice %arg10[%mul3A_2] : memref<65536xf32, #tpu.memory_space<hbm>> -> memref<2048xf32, #tpu.memory_space<hbm>>
      tpu.enqueue_dma source(%arg28 : memref<2048xf32, #tpu.memory_space<vmem>>) target(%dma_start3A_67 : memref<2048xf32, #tpu.memory_space<hbm>>) target_semaphore(%run_scoped3A : memref<!tpu.dma_semaphore, #tpu.memory_space<semaphore_mem>>)
      %dma_wait3A_68 = tpu.memref_slice %arg10[%mul3A_2] : memref<65536xf32, #tpu.memory_space<hbm>> -> memref<2048xf32, #tpu.memory_space<hbm>>
      %dma_wait3A_69 = tpu.memref_slice %arg10[%mul3A_2] : memref<65536xf32, #tpu.memory_space<hbm>> -> memref<2048xf32, #tpu.memory_space<hbm>>
      tpu.wait_dma2 semaphore(%run_scoped3A : memref<!tpu.dma_semaphore, #tpu.memory_space<semaphore_mem>>) src(%arg28 : memref<2048xf32, #tpu.memory_space<vmem>>) dst(%dma_wait3A_69 : memref<2048xf32, #tpu.memory_space<hbm>>)
      tpu.yield
    }) : () -> ()
    "tpu.region"() ({
      %run_scoped3A = tpu.sem_alloc : memref<!tpu.dma_semaphore, #tpu.memory_space<semaphore_mem>>
      %dma_start3A_66 = tpu.memref_slice %arg11[%mul3A_2] : memref<65536xf32, #tpu.memory_space<hbm>> -> memref<2048xf32, #tpu.memory_space<hbm>>
      %dma_start3A_67 = tpu.memref_slice %arg11[%mul3A_2] : memref<65536xf32, #tpu.memory_space<hbm>> -> memref<2048xf32, #tpu.memory_space<hbm>>
      tpu.enqueue_dma source(%arg29 : memref<2048xf32, #tpu.memory_space<vmem>>) target(%dma_start3A_67 : memref<2048xf32, #tpu.memory_space<hbm>>) target_semaphore(%run_scoped3A : memref<!tpu.dma_semaphore, #tpu.memory_space<semaphore_mem>>)
      %dma_wait3A_68 = tpu.memref_slice %arg11[%mul3A_2] : memref<65536xf32, #tpu.memory_space<hbm>> -> memref<2048xf32, #tpu.memory_space<hbm>>
      %dma_wait3A_69 = tpu.memref_slice %arg11[%mul3A_2] : memref<65536xf32, #tpu.memory_space<hbm>> -> memref<2048xf32, #tpu.memory_space<hbm>>
      tpu.wait_dma2 semaphore(%run_scoped3A : memref<!tpu.dma_semaphore, #tpu.memory_space<semaphore_mem>>) src(%arg29 : memref<2048xf32, #tpu.memory_space<vmem>>) dst(%dma_wait3A_69 : memref<2048xf32, #tpu.memory_space<hbm>>)
      tpu.yield
    }) : () -> ()
    "tpu.region"() ({
      %run_scoped3A = tpu.sem_alloc : memref<!tpu.dma_semaphore, #tpu.memory_space<semaphore_mem>>
      %dma_start3A_66 = tpu.memref_slice %arg12[%mul3A_2] : memref<65536xf32, #tpu.memory_space<hbm>> -> memref<2048xf32, #tpu.memory_space<hbm>>
      %dma_start3A_67 = tpu.memref_slice %arg12[%mul3A_2] : memref<65536xf32, #tpu.memory_space<hbm>> -> memref<2048xf32, #tpu.memory_space<hbm>>
      tpu.enqueue_dma source(%arg30 : memref<2048xf32, #tpu.memory_space<vmem>>) target(%dma_start3A_67 : memref<2048xf32, #tpu.memory_space<hbm>>) target_semaphore(%run_scoped3A : memref<!tpu.dma_semaphore, #tpu.memory_space<semaphore_mem>>)
      %dma_wait3A_68 = tpu.memref_slice %arg12[%mul3A_2] : memref<65536xf32, #tpu.memory_space<hbm>> -> memref<2048xf32, #tpu.memory_space<hbm>>
      %dma_wait3A_69 = tpu.memref_slice %arg12[%mul3A_2] : memref<65536xf32, #tpu.memory_space<hbm>> -> memref<2048xf32, #tpu.memory_space<hbm>>
      tpu.wait_dma2 semaphore(%run_scoped3A : memref<!tpu.dma_semaphore, #tpu.memory_space<semaphore_mem>>) src(%arg30 : memref<2048xf32, #tpu.memory_space<vmem>>) dst(%dma_wait3A_69 : memref<2048xf32, #tpu.memory_space<hbm>>)
      tpu.yield
    }) : () -> ()
    return
  }
}

</mosaic_0001>

<sc_bundles>
// kernel: _run.3.cloned.1.call-start
scs
__scs_entry_jumppad:
0x0: {  	(pc) =	sbr.rel $0x88, $3  }
0x1: {  	(tag) =	ssettag $0x0;
	lr =	simm.s32 $0x1  }
0x2: {  	[smem:$0x3F9A] =	sst lr;
	_ =	strace $0xD0000000  }
0x3: {  	_ = 	snop  }
0x4: {  	_ = 	snop  }
0x5: {  	_ = 	snop  }
0x6: {  	_ = 	snop  }
0x7: {  	_ = 	snop  }
__scs_overlays_trampoline_lowered:
0x8: {  	[smem:$0x3FA9] =	sst s0  }
0x9: {  	[smem:$0x3FAA] =	sst s1  }
0xa: {  	[smem:$0x3FAB] =	sst s2  }
0xb: {  	[smem:$0x3FAC] =	sst s3  }
0xc: {  	[smem:$0x3FAD] =	sst s4  }
0xd: {  	[smem:$0x3FAE] =	sst s5  }
0xe: {  	[smem:$0x3FAF] =	sst s6  }
0xf: {  	[smem:$0x3FB0] =	sst s7  }
0x10: {  	[smem:$0x3FB1] =	sst s8  }
0x11: {  	[smem:$0x3FB2] =	sst s9;
	s0 =	simm.s32 @!p0 $0x0  }
0x12: {  	s1 =	sld [smem:$0x3F98];
	s0 =	simm.s32 @p0 $0x1  }
0x13: {  	[smem:$0x3FB3] =	sst s0;
	s0 =	simm.s32 @!p1 $0x0  }
0x14: {  	s2 =	sld [smem:$0x3F97];
	s0 =	simm.s32 @p1 $0x1  }
0x15: {  	[smem:$0x3FB4] =	sst s0;
	s0 =	simm.s32 @!p2 $0x0  }
0x16: {  	s3 =	sld [smem:$0x3FDB];
	s0 =	simm.s32 @p2 $0x1  }
0x17: {  	s4 =	simm.s32 $0x1BF5;
	[smem:$0x3FB6] =	sst s0  }
0x18: {  	s0 =	sld [smem:$0x3F99];
	_ =	swait.ge [sflag:s4], $0x0  }
0x19: {  	s7 =	sld [smem:$0x3F9A]  }
0x1a: {  	s8 =	sadd.s32 $0xFFFFE003, lr  }
0x1b: {  	s9 =	sadd.s32 $0xFFFFFEF7, lr;
	s5 =	simm.s32 $0xFFFFFFFF;
	p2 =	slt.u32 s8, $0xFFFFF086  }
0x1c: {  	p1 =	slt.u32 s9, $0xF7A;
	s5 =	simm.s32 @!p2 $0x0  }
0x1d: {  	s5 =	simm.s32 @p1 $0x1;
	p0 =	seq.s32 s7, s2  }
0x1e: {  	s7 =	smul.u32 @!p0 $0xF7A, s2;
	p2 =	seq.s32 @!p0 s5, $0x0  }
0x1f: {  	s9 =	smul.u32 $0xF7A, s1;
	s8 =	simm.s32 @!p0 $0x1BF5;
	p2 =	por !p2, p0  }
0x20: {  	[sflag:s8] =	ssyncset.s32 @!p0 $0xFFFFF086;
	s6 =	sadd.s32 @!p0 s3, s7;
	s7 =	simm.s32 @!p0 $0x108  }
0x21: {  	s3 =	sadd.s32 s3, s9;
	s6 =	sadd.s32 @!p0 $0x88, s6;
	s7 =	simm.s32 @p2 $0x1082  }
0x22: {  	[simem:s7], [sflag:s8] =	dma.local @!p0 [hbm:s6], $0xF7A  }
0x23: {  	s9 =	sor.u32 $0xD0000000, s2;
	s6 =	simm.s32 $0x108;
	_ =	swait.ge @!p0 [sflag:s8], $0x0  }
0x24: {  	s3 =	sadd.s32 $0x88, s3;
	s6 =	simm.s32 @!p1 $0x1082;
	[sflag:s4] =	ssyncset.s32 $0xFFFFF086  }
0x25: {  	[simem:s6], [sflag:s4] =	dma.local [hbm:s3], $0xF7A  }
0x26: {  	[smem:$0x3F9A] =	sst s1;
	(tag) =	ssettag s2;
	_ =	strace s9  }
0x27: {  	s1 =	sld [smem:$0x3FAA]  }
0x28: {  	s2 =	sld [smem:$0x3FAB]  }
0x29: {  	s4 =	sld [smem:$0x3FAD]  }
0x2a: {  	p0 =	seq.s32 s5, $0x0;
	s5 =	sld [smem:$0x3FAE]  }
0x2b: {  	s6 =	sld [smem:$0x3FAF]  }
0x2c: {  	s7 =	sld [smem:$0x3FB0]  }
0x2d: {  	s3 =	simm.s32 $0x108;
	s8 =	sld [smem:$0x3FB1]  }
0x2e: {  	s3 =	simm.s32 @!p0 $0x1082;
	s9 =	sld [smem:$0x3FB2]  }
0x2f: {  	lr =	sadd.s32 s0, s3;
	s0 =	sld [smem:$0x3FA9]  }
0x30: {  	s3 =	sld [smem:$0x3FAC]  }
0x31: {  	[smem:$0x3FB5] =	sst s10  }
0x32: {  	s10 =	sld [smem:$0x3FB3];
	_ =	sdelay $0x3  }
0x33: {  	p0 =	seq.s32 s10, $0x1;
	s10 =	sld [smem:$0x3FB5];
	_ =	sdelay $0x3  }
0x34: {  	[smem:$0x3FB5] =	sst s10  }
0x35: {  	s10 =	sld [smem:$0x3FB4];
	_ =	sdelay $0x3  }
0x36: {  	p1 =	seq.s32 s10, $0x1;
	s10 =	sld [smem:$0x3FB5];
	_ =	sdelay $0x3  }
0x37: {  	[smem:$0x3FB5] =	sst s10  }
0x38: {  	s10 =	sld [smem:$0x3FB6]  }
0x39: {  	_ = 	snop;
	(pc) =	sbr.ind lr, $3  }
0x3a: {  	_ = 	snop  }
0x3b: {  	_ = 	snop  }
0x3c: {  	p2 =	seq.s32 s10, $0x1;
	s10 =	sld [smem:$0x3FB5]  }
0x3d: {  	_ =	shalt  }
0x3e: {  	_ =	shalt  }
0x3f: {  	_ =	shalt  }
0x40: {  	_ =	shalt  }
0x41: {  	_ =	shalt  }
0x42: {  	_ =	shalt  }
0x43: {  	_ =	shalt  }
0x44: {  	_ =	shalt  }
0x45: {  	_ =	shalt  }
0x46: {  	_ =	shalt  }
0x47: {  	_ =	shalt  }
0x48: {  	_ =	shalt  }
0x49: {  	_ =	shalt  }
0x4a: {  	_ =	shalt  }
0x4b: {  	_ =	shalt  }
0x4c: {  	_ =	shalt  }
0x4d: {  	_ =	shalt  }
0x4e: {  	_ =	shalt  }
0x4f: {  	_ =	shalt  }
0x50: {  	_ =	shalt  }
0x51: {  	_ =	shalt  }
0x52: {  	_ =	shalt  }
0x53: {  	_ =	shalt  }
0x54: {  	_ =	shalt  }
0x55: {  	_ =	shalt  }
0x56: {  	_ =	shalt  }
0x57: {  	_ =	shalt  }
0x58: {  	_ =	shalt  }
0x59: {  	_ =	shalt  }
0x5a: {  	_ =	shalt  }
0x5b: {  	_ =	shalt  }
0x5c: {  	_ =	shalt  }
0x5d: {  	_ =	shalt  }
0x5e: {  	_ =	shalt  }
0x5f: {  	_ =	shalt  }
0x60: {  	_ =	shalt  }
0x61: {  	_ =	shalt  }
0x62: {  	_ =	shalt  }
0x63: {  	_ =	shalt  }
0x64: {  	_ =	shalt  }
0x65: {  	_ =	shalt  }
0x66: {  	_ =	shalt  }
0x67: {  	_ =	shalt  }
0x68: {  	_ =	shalt  }
0x69: {  	_ =	shalt  }
0x6a: {  	_ =	shalt  }
0x6b: {  	_ =	shalt  }
0x6c: {  	_ =	shalt  }
0x6d: {  	_ =	shalt  }
0x6e: {  	_ =	shalt  }
0x6f: {  	_ =	shalt  }
0x70: {  	_ =	shalt  }
0x71: {  	_ =	shalt  }
0x72: {  	_ =	shalt  }
0x73: {  	_ =	shalt  }
0x74: {  	_ =	shalt  }
0x75: {  	_ =	shalt  }
0x76: {  	_ =	shalt  }
0x77: {  	_ =	shalt  }
0x78: {  	_ =	shalt  }
0x79: {  	_ =	shalt  }
0x7a: {  	_ =	shalt  }
0x7b: {  	_ =	shalt  }
0x7c: {  	_ =	shalt  }
0x7d: {  	_ =	shalt  }
0x7e: {  	_ =	shalt  }
0x7f: {  	_ =	shalt  }
0x80: {  	_ =	shalt  }
0x81: {  	_ =	shalt  }
0x82: {  	_ =	shalt  }
0x83: {  	_ =	shalt  }
0x84: {  	_ =	shalt  }
0x85: {  	_ =	shalt  }
0x86: {  	_ =	shalt  }
0x87: {  	_ =	shalt  }
.Lfunc_end0:
.L_simem_size_0:
called_computation_lowered:
.L_overlay_start_0:
0x88: {  	s2 =	sld [smem:$0x3FD9]  }
0x89: {  	s3 =	sld [smem:$0x3FFE];
	_ =	sdelay $0x1  }
0x8a: {  	s1 =	srdreg.scid  }
0x8b: {  	s0 =	sand.u32 $0x1, s1  }
0x8c: {  	s30 =	sshll.u32 s0, $0xA;
	s2 =	sadd.s32 s3, s2  }
0x8d: {  	s2 =	sadd.s32 s2, s30  }
0x8e: {  	[smem:$0x3FC1] =	sst s2  }
0x8f: {  	_ = 	snop  }
0x90: {  	s2 =	sld [smem:$0x3FC9]  }
0x91: {  	s31 =	sld [smem:$0x3FC8]  }
0x92: {  	s4 =	sld [smem:$0x3FC7]  }
0x93: {  	s5 =	sld [smem:$0x3FC6]  }
0x94: {  	s6 =	sld [smem:$0x3FD0]  }
0x95: {  	s7 =	sld [smem:$0x3FC5]  }
0x96: {  	s8 =	sld [smem:$0x3FC4]  }
0x97: {  	s10 =	simm.s32 $0xA;
	s11 =	simm.s32 $0x10;
	s9 =	sld [smem:$0x3FC3]  }
0x98: {  	[smem:s11], [sflag:s10] =	dma.local [hbm:s6], $0x1  }
0x99: {  	_ =	swait.eq [sflag:s10], $0x1  }
0x9a: {  	s11 =	sld [smem:$0x10]  }
0x9b: {  	s18 =	sld [smem:$0x11];
	[sflag:s10] =	ssyncset.done $0x0  }
0x9c: {  	s12 =	sld [smem:$0x12];
	[sflag:s10] =	ssyncadd.s32 $0xFFFFFFFF  }
0x9d: {  	s19 =	sld [smem:$0x13];
	(tm) =	ssettm $0x1  }
0x9e: {  	s13 =	sld [smem:$0x3FFB];
	_ =	sdelay $0x3  }
0x9f: {  	_ =	strace s13  }
0xa0: {  	s13 =	sld [smem:$0x3FFC];
	_ =	sdelay $0x3  }
0xa1: {  	_ =	strace s13  }
0xa2: {  	s13 =	sld [smem:$0x3FFD];
	_ =	sdelay $0x3  }
0xa3: {  	_ =	strace s13  }
0xa4: {  	_ =	strace $0x8FFFFFFF  }
0xa5: {  	s20 =	sld [smem:$0x3FDB];
	_ =	sdelay $0x1  }
0xa6: {  	s14 =	simm.s32 $_scs_section_size  }
0xa7: {  	s15 =	simm.s32 $_size__tile_overlayer_lowered;
	s16 =	simm.s32 $_tile_overlayer_lowered  }
0xa8: {  	s23 =	simm.s32 $0x1BFF;
	s22 =	sshll.u32 s16, $0x1;
	s13 =	sadd.s32 s14, s20  }
0xa9: {  	s17 =	simm.s32 $0x0;
	s21 =	sshll.u32 s15, $0x1;
	s15 =	sadd.s32 s22, s13  }
0xaa: {  	[timem:s17], [sflag:s23] =	dma.local [hbm:s15], s21  }
0xab: {  	_ =	swait.ge [sflag:s23], s21  }
0xac: {  	s14 =	ssub.s32 $0x0, s21;
	[sflag:s23] =	ssyncset.done $0x0  }
0xad: {  	[sflag:s23] =	ssyncadd.s32 s14;
	_ =	sdelay $0x1  }
0xae: {  	s24 =	simm.s32 $0x1B8B  }
0xaf: {  	_ =	swait.ge [sflag:s24], $0x1  }
0xb0: {  	[sflag:s24] =	ssyncset.done $0x0  }
0xb1: {  	s25 =	simm.s32 $0x1B8E;
	[sflag:s24] =	ssyncadd.s32 $0xFFFFFFFF  }
0xb2: {  	s26 =	simm.s32 $execute0_lowered;
	[smem:$0x3FD2] =	sst s25  }
0xb3: {  	s14 =	sshll.u32 s26, $0x1;
	_ =	strace $0x80000046;
	[dreg:$0x1] =	wrdreg $0xFFFFFFFF  }
0xb4: {  	s28 =	simm.s32 $_size_execute0_lowered;
	s13 =	sadd.s32 s13, s14;
	[dreg:$0x0] =	wrdreg $0x0  }
0xb5: {  	s14 =	sshll.u32 s28, $0x1;
	[dreg:$0x2] =	wrdreg s13  }
0xb6: {  	[dreg:$0x3] =	wrdreg s14  }
0xb7: {  	[dreg:$0x4] =	wrdreg $0xC0  }
0xb8: {  	_ =	task [dreg:s17], $0x5FFFF  }
0xb9: {  	[dreg:$0x1] =	wrdreg $0xFFFFFFFF  }
0xba: {  	[dreg:$0x0] =	wrdreg $0x60  }
0xbb: {  	[dreg:$0x2] =	wrdreg s2  }
0xbc: {  	[dreg:$0x3] =	wrdreg s31  }
0xbd: {  	[dreg:$0x4] =	wrdreg s4  }
0xbe: {  	[dreg:$0x5] =	wrdreg s5  }
0xbf: {  	[dreg:$0x6] =	wrdreg s7  }
0xc0: {  	[dreg:$0x7] =	wrdreg s8  }
0xc1: {  	[dreg:$0x8] =	wrdreg s9  }
0xc2: {  	[dreg:$0x9] =	wrdreg s11  }
0xc3: {  	[dreg:$0xa] =	wrdreg s18  }
0xc4: {  	[dreg:$0xb] =	wrdreg s12  }
0xc5: {  	[dreg:$0xc] =	wrdreg s19  }
0xc6: {  	[dreg:$0xd] =	wrdreg $0x9  }
0xc7: {  	_ =	task.clear_ibuf [dreg:s17], $0xEFFFF;
	_ =	strace $0x90000046  }
0xc8: {  	s29 =	simm.s32 $0x9;
	_ =	strace $0x80000048  }
0xc9: {  	_ =	swait.ge [sflag:s29], $0x1  }
0xca: {  	[sflag:s29] =	ssyncadd.s32 $0xFFFFFFFF  }
0xcb: {  	_ =	strace $0x90000048  }
0xcc: {  	_ =	sfence  }
0xcd: {  	s30 =	sld [smem:$0x0];
	_ =	sdelay $0x2  }
0xce: {  	s31 =	sshll.u32 s1, $0xD;
	s1 =	sshrl.u32 s1, $0x2  }
0xcf: {  	s3 =	sand.u32 $0x4000, s31;
	s1 =	sadd.s32 s1, s30  }
0xd0: {  	s0 =	sor.u32 s3, s0;
	s1 =	sshll.u32 s1, $0x11  }
0xd1: {  	s0 =	sor.u32 s1, s0  }
0xd2: {  	s0 =	sadd.s32 $0x8F2B, s0  }
0xd3: {  	[sflag:s0] =	ssyncadd.remote.s32 $0x1  }
0xd4: {  	_ =	sfence.sel $0xFFFF  }
0xd5: {  	[dreg:$0x0] =	wrdreg $0xFFFFFFFF;
	(pc) =	sbr.abs _section_cstart, $3  }
0xd6: {  	[dreg:$0x1] =	wrdreg $0xFFFFFFFF  }
0xd7: {  	_ =	task.clear_ibuf [dreg:s17], $0x2FFFF;
	_ =	strace $0x9FFFFFFF  }
0xd8: {  	(tm) =	ssettm $0x7FFFFFFF  }
0xd9: {  	_ =	shalt  }
tec
execute0_lowered:
.L_overlay_start_1:
0x0: {  	(tag) =	ssettag $0x1  }
0x1: {  	s0 =	rddreg [dreg:$0x0]  }
0x2: {  	s1 =	rddreg [dreg:$0x1]  }
0x3: {  	s2 =	rddreg [dreg:$0x2]  }
0x4: {  	s3 =	rddreg [dreg:$0x3]  }
0x5: {  	s5 =	rddreg [dreg:$0x4]  }
0x6: {  	s6 =	rddreg [dreg:$0x5]  }
0x7: {  	s7 =	rddreg [dreg:$0x7]  }
0x8: {  	s8 =	rddreg [dreg:$0x8]  }
0x9: {  	s9 =	rddreg [dreg:$0x9];
	s11 =	srdreg.scid  }
0xa: {  	s10 =	rddreg [dreg:$0xa];
	s13 =	stileid.u32;
	s11 =	sand.u32 $0x1, s11  }
0xb: {  	s13 =	sshll.u32 s13, $0x9;
	s12 =	ssub.s32 $0x2, s11;
	s11 =	sshll.u32 s11, $0x8  }
0xc: {  	s4 =	simm.s32 $0x0;
	s16 =	simm.s32 $0x9;
	s11 =	sor.u32 s11, s13  }
0xd: {  	s28 =	simm.s32 $0xD000;
	[smem:$0x7FF] =	sst s4;
	s1 =	sadd.s32 s1, s11  }
0xe: {  	_ =	strace $0x80000047;
	s18 =	sadd.s32 s2, s11;
	[dreg:$0xc] =	wrdreg s1  }
0xf: {  	s29 =	simm.s32 $0xD800;
	s19 =	sadd.s32 s3, s11;
	[dreg:$0xd] =	wrdreg s18  }
0x10: {  	s30 =	simm.s32 $0xE000;
	s20 =	sadd.s32 s5, s11;
	[dreg:$0xe] =	wrdreg s19  }
0x11: {  	s31 =	simm.s32 $0xE800;
	s21 =	sadd.s32 s6, s11;
	[dreg:$0xf] =	wrdreg s20  }
0x12: {  	s15 =	simm.s32 $0x10800;
	s22 =	sadd.s32 s7, s11;
	[dreg:$0x10] =	wrdreg s21  }
0x13: {  	s17 =	simm.s32 $0x1;
	s23 =	sadd.s32 s8, s11;
	[dreg:$0x11] =	wrdreg s22  }
0x14: {  	s14 =	sshrl.u32 s12, $0x1;
	s24 =	sadd.s32 s9, s11;
	[dreg:$0x12] =	wrdreg s23  }
0x15: {  	s12 =	ssub.s32 s12, s14;
	s25 =	sadd.s32 s10, s11;
	[dreg:$0x13] =	wrdreg s24  }
0x16: {  	s3 =	simm.s32 $0xF800;
	s2 =	simm.s32 $0x10000;
	[dreg:$0x14] =	wrdreg s25  }
0x17: {  	s26 =	smax.u32 s12, $0x1;
	s1 =	simm.s32 $0xF000;
	s18 =	simm.s32 $0x2  }
0x18: {  	v2 =	vlaneseq.u32;
	s19 =	simm.s32 $0x3;
	s20 =	simm.s32 $0x4;
	s21 =	simm.s32 $0x5  }
0x19: {  	vm0 =	vmmov $0xffff;
	vm1 =	vcmask $0x3F3C;
	v1 =	vshrl.u32 v2, $0x3;
	s22 =	simm.s32 $0x6;
	s23 =	simm.s32 $0x7;
	s24 =	simm.s32 $0x8  }
0x1a: {  	v0 =	vand.u32 $0x7, v2;
	v2 =	vor.u32 $0x8, v2;
	v1 =	vmul.u32 $0x8, v1;
	s25 =	simm.s32 $0x0;
	[dreg:$0x15] =	wrdreg s26;
	s26 =	simm.s32 $0xA  }
.LBB2_1:
0x1b: {  	s5 =	rddreg [dreg:$0xc]  }
0x1c: {  	[tilespmem:s4], [sflag:$0x9] =	stream.linear.gather [hbm4b:s5+s4], $0x800, $0x38;
	[tilespmem:$0x14980] =	vst v63  }
0x1d: {  	s9 =	rddreg [dreg:$0xd];
	s6 =	simm.s32 $0x800  }
0x1e: {  	[tilespmem:s6], [sflag:$0x9] =	stream.linear.gather [hbm4b:s9+s4], $0x800, $0x38;
	[tilespmem:$0x14980] =	vst v63  }
0x1f: {  	_ =	swait.ge [sflag:s16], $0x800  }
0x20: {  	[sflag:s16] =	ssyncset.done $0x0  }
0x21: {  	[sflag:s16] =	ssyncadd.s32 $0xFFFFF800  }
0x22: {  	_ =	swait.ge [sflag:s16], $0x800  }
0x23: {  	[sflag:s16] =	ssyncset.done $0x0  }
0x24: {  	[sflag:s16] =	ssyncadd.s32 $0xFFFFF800  }
0x25: {  	v3 =	vld [tilespmem:$0x0];
	_ =	sdelay $0x4  }
0x26: {  	v4 =	vshll.u32 v3, $0x1  }
0x27: {  	v3 =	vand.u32 $0x7, v3;
	v4 =	vand.u32 $0xFFFFFFF0, v4  }
0x28: {  	v3 =	vor.u32 v3, v4  }
0x29: {  	v4 =	vperm.xlane v3, v0;
	_ =	sdelay $0x1  }
0x2a: {  	v3 =	vperm.xlane v3, v2;
	v4 =	vadd.s32 v1, v4;
	_ =	sdelay $0x1  }
0x2b: {  	v3 =	vadd.s32 v1, v3;
	_ =	sdelay $0x1  }
0x2c: {  	s10 =	simm.s32 $0x1000  }
0x2d: {  	[tilespmem:s10], [sflag:$0x1] =	stream.indirect_vreg.gather [hbm4b:s0+s4], $0x80, v4, vm0, $0xb8;
	[tilespmem:$0x14980] =	vst v63  }
0x2e: {  	s11 =	simm.s32 $0x1800  }
0x2f: {  	[tilespmem:s11], [sflag:$0x1] =	stream.indirect_vreg.gather [hbm4b:s0+s4], $0x80, v3, vm0, $0xb8;
	[tilespmem:$0x14980] =	vst v63  }
0x30: {  	v3 =	vld [tilespmem:$0x10];
	_ =	sdelay $0x4  }
0x31: {  	v4 =	vshll.u32 v3, $0x1  }
0x32: {  	v3 =	vand.u32 $0x7, v3;
	v4 =	vand.u32 $0xFFFFFFF0, v4  }
0x33: {  	v3 =	vor.u32 v3, v4  }
0x34: {  	v4 =	vperm.xlane v3, v0;
	_ =	sdelay $0x1  }
0x35: {  	v3 =	vperm.xlane v3, v2;
	v4 =	vadd.s32 v1, v4;
	_ =	sdelay $0x1  }
0x36: {  	v3 =	vadd.s32 v1, v3;
	_ =	sdelay $0x1  }
0x37: {  	s12 =	simm.s32 $0x2000  }
0x38: {  	[tilespmem:s12], [sflag:$0x1] =	stream.indirect_vreg.gather [hbm4b:s0+s4], $0x80, v4, vm0, $0xb8;
	[tilespmem:$0x14980] =	vst v63  }
0x39: {  	s13 =	simm.s32 $0x2800  }
0x3a: {  	[tilespmem:s13], [sflag:$0x1] =	stream.indirect_vreg.gather [hbm4b:s0+s4], $0x80, v3, vm0, $0xb8;
	[tilespmem:$0x14980] =	vst v63  }
0x3b: {  	v3 =	vld [tilespmem:$0x800];
	_ =	sdelay $0x4  }
0x3c: {  	v4 =	vshll.u32 v3, $0x1  }
0x3d: {  	v3 =	vand.u32 $0x7, v3;
	v4 =	vand.u32 $0xFFFFFFF0, v4  }
0x3e: {  	v3 =	vor.u32 v3, v4  }
0x3f: {  	v4 =	vperm.xlane v3, v0;
	_ =	sdelay $0x1  }
0x40: {  	v3 =	vperm.xlane v3, v2;
	v4 =	vadd.s32 v1, v4;
	_ =	sdelay $0x1  }
0x41: {  	v3 =	vadd.s32 v1, v3;
	_ =	sdelay $0x1  }
0x42: {  	s14 =	simm.s32 $0x3000  }
0x43: {  	[tilespmem:s14], [sflag:$0x2] =	stream.indirect_vreg.gather [hbm4b:s0+s4], $0x80, v4, vm0, $0xb8;
	[tilespmem:$0x14980] =	vst v63  }
0x44: {  	s6 =	simm.s32 $0x3800  }
0x45: {  	[tilespmem:s6], [sflag:$0x2] =	stream.indirect_vreg.gather [hbm4b:s0+s4], $0x80, v3, vm0, $0xb8;
	[tilespmem:$0x14980] =	vst v63  }
0x46: {  	v3 =	vld [tilespmem:$0x810];
	_ =	sdelay $0x4  }
0x47: {  	v4 =	vshll.u32 v3, $0x1  }
0x48: {  	v3 =	vand.u32 $0x7, v3;
	v4 =	vand.u32 $0xFFFFFFF0, v4  }
0x49: {  	v3 =	vor.u32 v3, v4  }
0x4a: {  	v4 =	vperm.xlane v3, v0;
	_ =	sdelay $0x1  }
0x4b: {  	v3 =	vperm.xlane v3, v2;
	v4 =	vadd.s32 v1, v4;
	_ =	sdelay $0x1  }
0x4c: {  	v3 =	vadd.s32 v1, v3;
	_ =	sdelay $0x1  }
0x4d: {  	s7 =	simm.s32 $0x4000  }
0x4e: {  	[tilespmem:s7], [sflag:$0x2] =	stream.indirect_vreg.gather [hbm4b:s0+s4], $0x80, v4, vm0, $0xb8;
	[tilespmem:$0x14980] =	vst v63  }
0x4f: {  	s8 =	simm.s32 $0x4800  }
0x50: {  	[tilespmem:s8], [sflag:$0x2] =	stream.indirect_vreg.gather [hbm4b:s0+s4], $0x80, v3, vm0, $0xb8;
	[tilespmem:$0x14980] =	vst v63  }
0x51: {  	v3 =	vld [tilespmem:$0x20];
	_ =	sdelay $0x4  }
0x52: {  	v4 =	vshll.u32 v3, $0x1  }
0x53: {  	v3 =	vand.u32 $0x7, v3;
	v4 =	vand.u32 $0xFFFFFFF0, v4  }
0x54: {  	v3 =	vor.u32 v3, v4  }
0x55: {  	v4 =	vperm.xlane v3, v0;
	_ =	sdelay $0x1  }
0x56: {  	v3 =	vperm.xlane v3, v2;
	v4 =	vadd.s32 v1, v4;
	_ =	sdelay $0x1  }
0x57: {  	v3 =	vadd.s32 v1, v3;
	_ =	sdelay $0x1  }
0x58: {  	s9 =	simm.s32 $0x5000  }
0x59: {  	[tilespmem:s9], [sflag:$0x3] =	stream.indirect_vreg.gather [hbm4b:s0+s4], $0x80, v4, vm0, $0xb8;
	[tilespmem:$0x14980] =	vst v63  }
0x5a: {  	s10 =	simm.s32 $0x5800  }
0x5b: {  	[tilespmem:s10], [sflag:$0x3] =	stream.indirect_vreg.gather [hbm4b:s0+s4], $0x80, v3, vm0, $0xb8;
	[tilespmem:$0x14980] =	vst v63  }
0x5c: {  	v3 =	vld [tilespmem:$0x30];
	_ =	sdelay $0x4  }
0x5d: {  	v4 =	vshll.u32 v3, $0x1  }
0x5e: {  	v3 =	vand.u32 $0x7, v3;
	v4 =	vand.u32 $0xFFFFFFF0, v4  }
0x5f: {  	v3 =	vor.u32 v3, v4  }
0x60: {  	v4 =	vperm.xlane v3, v0;
	_ =	sdelay $0x1  }
0x61: {  	v3 =	vperm.xlane v3, v2;
	v4 =	vadd.s32 v1, v4;
	_ =	sdelay $0x1  }
0x62: {  	v3 =	vadd.s32 v1, v3;
	_ =	sdelay $0x1  }
0x63: {  	s11 =	simm.s32 $0x6000  }
0x64: {  	[tilespmem:s11], [sflag:$0x3] =	stream.indirect_vreg.gather [hbm4b:s0+s4], $0x80, v4, vm0, $0xb8;
	[tilespmem:$0x14980] =	vst v63  }
0x65: {  	s12 =	simm.s32 $0x6800  }
0x66: {  	[tilespmem:s12], [sflag:$0x3] =	stream.indirect_vreg.gather [hbm4b:s0+s4], $0x80, v3, vm0, $0xb8;
	[tilespmem:$0x14980] =	vst v63  }
0x67: {  	v3 =	vld [tilespmem:$0x820];
	_ =	sdelay $0x4  }
0x68: {  	v4 =	vshll.u32 v3, $0x1  }
0x69: {  	v3 =	vand.u32 $0x7, v3;
	v4 =	vand.u32 $0xFFFFFFF0, v4  }
0x6a: {  	v3 =	vor.u32 v3, v4  }
0x6b: {  	v4 =	vperm.xlane v3, v0;
	_ =	sdelay $0x1  }
0x6c: {  	v3 =	vperm.xlane v3, v2;
	v4 =	vadd.s32 v1, v4;
	_ =	sdelay $0x1  }
0x6d: {  	v3 =	vadd.s32 v1, v3;
	_ =	sdelay $0x1  }
0x6e: {  	s13 =	simm.s32 $0x7000  }
0x6f: {  	[tilespmem:s13], [sflag:$0x4] =	stream.indirect_vreg.gather [hbm4b:s0+s4], $0x80, v4, vm0, $0xb8;
	[tilespmem:$0x14980] =	vst v63  }
0x70: {  	s14 =	simm.s32 $0x7800  }
0x71: {  	[tilespmem:s14], [sflag:$0x4] =	stream.indirect_vreg.gather [hbm4b:s0+s4], $0x80, v3, vm0, $0xb8;
	[tilespmem:$0x14980] =	vst v63  }
0x72: {  	v3 =	vld [tilespmem:$0x830];
	_ =	sdelay $0x4  }
0x73: {  	v4 =	vshll.u32 v3, $0x1  }
0x74: {  	v3 =	vand.u32 $0x7, v3;
	v4 =	vand.u32 $0xFFFFFFF0, v4  }
0x75: {  	v3 =	vor.u32 v3, v4  }
0x76: {  	v4 =	vperm.xlane v3, v0;
	_ =	sdelay $0x1  }
0x77: {  	v3 =	vperm.xlane v3, v2;
	v4 =	vadd.s32 v1, v4;
	_ =	sdelay $0x1  }
0x78: {  	v3 =	vadd.s32 v1, v3;
	_ =	sdelay $0x1  }
0x79: {  	s6 =	simm.s32 $0x8000  }
0x7a: {  	[tilespmem:s6], [sflag:$0x4] =	stream.indirect_vreg.gather [hbm4b:s0+s4], $0x80, v4, vm0, $0xb8;
	[tilespmem:$0x14980] =	vst v63  }
0x7b: {  	s7 =	simm.s32 $0x8800  }
0x7c: {  	[tilespmem:s7], [sflag:$0x4] =	stream.indirect_vreg.gather [hbm4b:s0+s4], $0x80, v3, vm0, $0xb8;
	[tilespmem:$0x14980] =	vst v63  }
0x7d: {  	v3 =	vld [tilespmem:$0x40];
	_ =	sdelay $0x4  }
0x7e: {  	v4 =	vshll.u32 v3, $0x1  }
0x7f: {  	v3 =	vand.u32 $0x7, v3;
	v4 =	vand.u32 $0xFFFFFFF0, v4  }
0x80: {  	v3 =	vor.u32 v3, v4  }
0x81: {  	v4 =	vperm.xlane v3, v0;
	_ =	sdelay $0x1  }
0x82: {  	v3 =	vperm.xlane v3, v2;
	v4 =	vadd.s32 v1, v4;
	_ =	sdelay $0x1  }
0x83: {  	v3 =	vadd.s32 v1, v3;
	_ =	sdelay $0x1  }
0x84: {  	s8 =	simm.s32 $0x9000  }
0x85: {  	[tilespmem:s8], [sflag:$0x5] =	stream.indirect_vreg.gather [hbm4b:s0+s4], $0x80, v4, vm0, $0xb8;
	[tilespmem:$0x14980] =	vst v63  }
0x86: {  	s9 =	simm.s32 $0x9800  }
0x87: {  	[tilespmem:s9], [sflag:$0x5] =	stream.indirect_vreg.gather [hbm4b:s0+s4], $0x80, v3, vm0, $0xb8;
	[tilespmem:$0x14980] =	vst v63  }
0x88: {  	v3 =	vld [tilespmem:$0x50];
	_ =	sdelay $0x4  }
0x89: {  	v4 =	vshll.u32 v3, $0x1  }
0x8a: {  	v3 =	vand.u32 $0x7, v3;
	v4 =	vand.u32 $0xFFFFFFF0, v4  }
0x8b: {  	v3 =	vor.u32 v3, v4  }
0x8c: {  	v4 =	vperm.xlane v3, v0;
	_ =	sdelay $0x1  }
0x8d: {  	v3 =	vperm.xlane v3, v2;
	v4 =	vadd.s32 v1, v4;
	_ =	sdelay $0x1  }
0x8e: {  	v3 =	vadd.s32 v1, v3;
	_ =	sdelay $0x1  }
0x8f: {  	s10 =	simm.s32 $0xA000  }
0x90: {  	[tilespmem:s10], [sflag:$0x5] =	stream.indirect_vreg.gather [hbm4b:s0+s4], $0x80, v4, vm0, $0xb8;
	[tilespmem:$0x14980] =	vst v63  }
0x91: {  	s11 =	simm.s32 $0xA800  }
0x92: {  	[tilespmem:s11], [sflag:$0x5] =	stream.indirect_vreg.gather [hbm4b:s0+s4], $0x80, v3, vm0, $0xb8;
	[tilespmem:$0x14980] =	vst v63  }
0x93: {  	v3 =	vld [tilespmem:$0x840];
	_ =	sdelay $0x4  }
0x94: {  	v4 =	vshll.u32 v3, $0x1  }
0x95: {  	v3 =	vand.u32 $0x7, v3;
	v4 =	vand.u32 $0xFFFFFFF0, v4  }
0x96: {  	v3 =	vor.u32 v3, v4  }
0x97: {  	v4 =	vperm.xlane v3, v0;
	_ =	sdelay $0x1  }
0x98: {  	v3 =	vperm.xlane v3, v2;
	v4 =	vadd.s32 v1, v4;
	_ =	sdelay $0x1  }
0x99: {  	v3 =	vadd.s32 v1, v3;
	_ =	sdelay $0x1  }
0x9a: {  	s12 =	simm.s32 $0xB000  }
0x9b: {  	[tilespmem:s12], [sflag:$0x6] =	stream.indirect_vreg.gather [hbm4b:s0+s4], $0x80, v4, vm0, $0xb8;
	[tilespmem:$0x14980] =	vst v63  }
0x9c: {  	s13 =	simm.s32 $0xB800  }
0x9d: {  	[tilespmem:s13], [sflag:$0x6] =	stream.indirect_vreg.gather [hbm4b:s0+s4], $0x80, v3, vm0, $0xb8;
	[tilespmem:$0x14980] =	vst v63  }
0x9e: {  	v3 =	vld [tilespmem:$0x850];
	_ =	sdelay $0x4  }
0x9f: {  	v4 =	vshll.u32 v3, $0x1  }
0xa0: {  	v3 =	vand.u32 $0x7, v3;
	v4 =	vand.u32 $0xFFFFFFF0, v4  }
0xa1: {  	v3 =	vor.u32 v3, v4  }
0xa2: {  	v4 =	vperm.xlane v3, v0;
	_ =	sdelay $0x1  }
0xa3: {  	v3 =	vperm.xlane v3, v2;
	v4 =	vadd.s32 v1, v4;
	_ =	sdelay $0x1  }
0xa4: {  	v3 =	vadd.s32 v1, v3;
	_ =	sdelay $0x1  }
0xa5: {  	s14 =	simm.s32 $0xC000  }
0xa6: {  	[tilespmem:s14], [sflag:$0x6] =	stream.indirect_vreg.gather [hbm4b:s0+s4], $0x80, v4, vm0, $0xb8;
	[tilespmem:$0x14980] =	vst v63  }
0xa7: {  	s6 =	simm.s32 $0xC800  }
0xa8: {  	[tilespmem:s6], [sflag:$0x6] =	stream.indirect_vreg.gather [hbm4b:s0+s4], $0x80, v3, vm0, $0xb8;
	[tilespmem:$0x14980] =	vst v63  }
0xa9: {  	s7 =	rddreg [dreg:$0xe];
	s8 =	simm.s32 $0x11080  }
0xaa: {  	[tilespmem:s8], [sflag:$0x9] =	stream.linear.gather [hbm4b:s7+s4], $0x800, $0x38;
	[tilespmem:$0x14980] =	vst v63  }
0xab: {  	s9 =	rddreg [dreg:$0xf];
	s10 =	simm.s32 $0x11880  }
0xac: {  	[tilespmem:s10], [sflag:$0x9] =	stream.linear.gather [hbm4b:s9+s4], $0x800, $0x38;
	[tilespmem:$0x14980] =	vst v63  }
0xad: {  	s11 =	rddreg [dreg:$0x10];
	s12 =	simm.s32 $0x12080  }
0xae: {  	[tilespmem:s12], [sflag:$0x9] =	stream.linear.gather [hbm4b:s11+s4], $0x800, $0x38;
	[tilespmem:$0x14980] =	vst v63  }
0xaf: {  	s13 =	rddreg [dreg:$0x6];
	s14 =	simm.s32 $0x14880  }
0xb0: {  	[tilespmem:s14], [sflag:$0x9] =	stream.linear.gather [hbm4b:s13+s4], $0x100, $0x38;
	[tilespmem:$0x14980] =	vst v63  }
0xb1: {  	_ =	swait.ge [sflag:s16], $0x800  }
0xb2: {  	[sflag:s16] =	ssyncset.done $0x0  }
0xb3: {  	[sflag:s16] =	ssyncadd.s32 $0xFFFFF800  }
0xb4: {  	_ =	swait.ge [sflag:s16], $0x800  }
0xb5: {  	[sflag:s16] =	ssyncset.done $0x0  }
0xb6: {  	[sflag:s16] =	ssyncadd.s32 $0xFFFFF800  }
0xb7: {  	_ =	swait.ge [sflag:s16], $0x800  }
0xb8: {  	[sflag:s16] =	ssyncset.done $0x0  }
0xb9: {  	[sflag:s16] =	ssyncadd.s32 $0xFFFFF800  }
0xba: {  	_ =	swait.ge [sflag:s16], $0x100  }
0xbb: {  	[sflag:s16] =	ssyncset.done $0x0  }
0xbc: {  	[sflag:s16] =	ssyncadd.s32 $0xFFFFFF00  }
0xbd: {  	v3 =	vld [tilespmem:$0x14880]  }
0xbe: {  	s5 =	simm.s32 $0x0;
	v4 =	vld [tilespmem:$0x14900]  }
.LBB2_2:
0xbf: {  	s7 =	sshll.u32 s5, $0x7  }
0xc0: {  	v5 =	vld [tilespmem:s7+$0x60];
	_ =	sdelay $0x4  }
0xc1: {  	v6 =	vshll.u32 v5, $0x1  }
0xc2: {  	v5 =	vand.u32 $0x7, v5;
	v6 =	vand.u32 $0xFFFFFFF0, v6  }
0xc3: {  	v5 =	vor.u32 v5, v6  }
0xc4: {  	v6 =	vperm.xlane v5, v0;
	_ =	sdelay $0x1  }
0xc5: {  	v5 =	vperm.xlane v5, v2;
	v6 =	vadd.s32 v1, v6;
	_ =	sdelay $0x1  }
0xc6: {  	v5 =	vadd.s32 v1, v5;
	_ =	sdelay $0x1  }
0xc7: {  	s8 =	simm.s32 $0x0  }
0xc8: {  	[tilespmem:s28], [sflag:$0x7] =	stream.indirect_vreg.gather [hbm4b:s0+s8], $0x80, v6, vm0, $0xb8;
	[tilespmem:$0x14980] =	vst v63  }
0xc9: {  	_ = 	snop  }
0xca: {  	[tilespmem:s29], [sflag:$0x7] =	stream.indirect_vreg.gather [hbm4b:s0+s8], $0x80, v5, vm0, $0xb8;
	[tilespmem:$0x14980] =	vst v63  }
0xcb: {  	v5 =	vld [tilespmem:s7+$0x70];
	_ =	sdelay $0x4  }
0xcc: {  	v6 =	vshll.u32 v5, $0x1  }
0xcd: {  	v5 =	vand.u32 $0x7, v5;
	v6 =	vand.u32 $0xFFFFFFF0, v6  }
0xce: {  	v5 =	vor.u32 v5, v6  }
0xcf: {  	v6 =	vperm.xlane v5, v0;
	_ =	sdelay $0x1  }
0xd0: {  	v5 =	vperm.xlane v5, v2;
	v6 =	vadd.s32 v1, v6;
	_ =	sdelay $0x1  }
0xd1: {  	v5 =	vadd.s32 v1, v5;
	_ =	sdelay $0x2  }
0xd2: {  	[tilespmem:s30], [sflag:$0x7] =	stream.indirect_vreg.gather [hbm4b:s0+s8], $0x80, v6, vm0, $0xb8;
	[tilespmem:$0x14980] =	vst v63  }
0xd3: {  	_ = 	snop  }
0xd4: {  	[tilespmem:s31], [sflag:$0x7] =	stream.indirect_vreg.gather [hbm4b:s0+s8], $0x80, v5, vm0, $0xb8;
	[tilespmem:$0x14980] =	vst v63  }
0xd5: {  	v5 =	vld [tilespmem:s7+$0x860];
	_ =	sdelay $0x4  }
0xd6: {  	v6 =	vshll.u32 v5, $0x1  }
0xd7: {  	v5 =	vand.u32 $0x7, v5;
	v6 =	vand.u32 $0xFFFFFFF0, v6  }
0xd8: {  	v5 =	vor.u32 v5, v6  }
0xd9: {  	v6 =	vperm.xlane v5, v0;
	_ =	sdelay $0x1  }
0xda: {  	v5 =	vperm.xlane v5, v2;
	v6 =	vadd.s32 v1, v6;
	_ =	sdelay $0x1  }
0xdb: {  	v5 =	vadd.s32 v1, v5;
	_ =	sdelay $0x2  }
0xdc: {  	[tilespmem:s1], [sflag:$0x8] =	stream.indirect_vreg.gather [hbm4b:s0+s8], $0x80, v6, vm0, $0xb8;
	[tilespmem:$0x14980] =	vst v63  }
0xdd: {  	_ = 	snop  }
0xde: {  	[tilespmem:s3], [sflag:$0x8] =	stream.indirect_vreg.gather [hbm4b:s0+s8], $0x80, v5, vm0, $0xb8;
	[tilespmem:$0x14980] =	vst v63  }
0xdf: {  	v5 =	vld [tilespmem:s7+$0x870];
	_ =	sdelay $0x4  }
0xe0: {  	v6 =	vshll.u32 v5, $0x1  }
0xe1: {  	v5 =	vand.u32 $0x7, v5;
	v6 =	vand.u32 $0xFFFFFFF0, v6  }
0xe2: {  	v5 =	vor.u32 v5, v6  }
0xe3: {  	v6 =	vperm.xlane v5, v0;
	_ =	sdelay $0x1  }
0xe4: {  	v5 =	vperm.xlane v5, v2;
	v6 =	vadd.s32 v1, v6;
	_ =	sdelay $0x1  }
0xe5: {  	v5 =	vadd.s32 v1, v5;
	_ =	sdelay $0x2  }
0xe6: {  	[tilespmem:s2], [sflag:$0x8] =	stream.indirect_vreg.gather [hbm4b:s0+s8], $0x80, v6, vm0, $0xb8;
	[tilespmem:$0x14980] =	vst v63  }
0xe7: {  	_ = 	snop  }
0xe8: {  	[tilespmem:s15], [sflag:$0x8] =	stream.indirect_vreg.gather [hbm4b:s0+s8], $0x80, v5, vm0, $0xb8;
	[tilespmem:$0x14980] =	vst v63  }
0xe9: {  	_ =	swait.ge [sflag:s17], $0x2000  }
0xea: {  	[sflag:s17] =	ssyncset.done $0x0  }
0xeb: {  	[sflag:s17] =	ssyncadd.s32 $0xFFFFE000  }
0xec: {  	_ =	swait.ge [sflag:s18], $0x2000  }
0xed: {  	s6 =	sand.u32 $0x1800, s8;
	s9 =	sand.u32 $0x380, s8;
	[sflag:s18] =	ssyncset.done $0x0  }
0xee: {  	s9 =	sor.u32 s9, s6;
	[sflag:s18] =	ssyncadd.s32 $0xFFFFE000  }
0xef: {  	v5 =	vld [tilespmem:s9+$0x1000]  }
0xf0: {  	v6 =	vld [tilespmem:s9+$0x3000]  }
0xf1: {  	v7 =	vld [tilespmem:s9+$0x1010]  }
0xf2: {  	v8 =	vld [tilespmem:s9+$0x3010]  }
0xf3: {  	v9 =	vld [tilespmem:s9+$0x1020]  }
0xf4: {  	v10 =	vld [tilespmem:s9+$0x3020]  }
0xf5: {  	v11 =	vld [tilespmem:s9+$0x1030]  }
0xf6: {  	v12 =	vld [tilespmem:s9+$0x3030]  }
0xf7: {  	v13 =	vld [tilespmem:s9+$0x1040]  }
0xf8: {  	v14 =	vld [tilespmem:s9+$0x3040]  }
0xf9: {  	v15 =	vld [tilespmem:s9+$0x1050]  }
0xfa: {  	v16 =	vld [tilespmem:s9+$0x3050]  }
0xfb: {  	v17 =	vld [tilespmem:s9+$0x1060]  }
0xfc: {  	v18 =	vld [tilespmem:s9+$0x3060]  }
0xfd: {  	v19 =	vld [tilespmem:s9+$0x1070]  }
0xfe: {  	v20 =	vld [tilespmem:s9+$0x3070]  }
0xff: {  	v21 =	vld [tilespmem:s9+$0x1400]  }
0x100: {  	v22 =	vld [tilespmem:s9+$0x3400]  }
0x101: {  	v23 =	vld [tilespmem:s9+$0x1410]  }
0x102: {  	v24 =	vld [tilespmem:s9+$0x3410]  }
0x103: {  	s12 =	simm.s32 $0x100;
	s10 =	simm.s32 $0x80;
	v25 =	vld [tilespmem:s9+$0x1420]  }
0x104: {  	s10 =	sand.u32 $0x380, s10;
	s6 =	sand.u32 $0x1800, s12;
	v26 =	vld [tilespmem:s9+$0x3420];
	v5 =	vmul.f32 v6, v5;
	v6 =	vmul.f32 v8, v7  }
0x105: {  	s6 =	sor.u32 s10, s6;
	v49 =	vld [tilespmem:s9+$0x3470]  }
0x106: {  	v50 =	vld [tilespmem:s6+$0x1000];
	v5 =	vadd.f32 v6, v5;
	v6 =	vmul.f32 v10, v9  }
0x107: {  	v51 =	vld [tilespmem:s6+$0x3000]  }
0x108: {  	v52 =	vld [tilespmem:s6+$0x1010];
	v5 =	vadd.f32 v6, v5;
	v6 =	vmul.f32 v12, v11  }
0x109: {  	v53 =	vld [tilespmem:s6+$0x3010]  }
0x10a: {  	v54 =	vld [tilespmem:s6+$0x1020];
	v5 =	vadd.f32 v6, v5;
	v6 =	vmul.f32 v14, v13  }
0x10b: {  	v55 =	vld [tilespmem:s6+$0x3020]  }
0x10c: {  	v56 =	vld [tilespmem:s6+$0x1030];
	v5 =	vadd.f32 v6, v5;
	v6 =	vmul.f32 v16, v15  }
0x10d: {  	v57 =	vld [tilespmem:s6+$0x3030]  }
0x10e: {  	v58 =	vld [tilespmem:s6+$0x1040];
	v5 =	vadd.f32 v6, v5;
	v6 =	vmul.f32 v18, v17  }
0x10f: {  	v60 =	vld [tilespmem:s6+$0x3040]  }
0x110: {  	v62 =	vld [tilespmem:s6+$0x3050];
	v5 =	vadd.f32 v6, v5;
	v6 =	vmul.f32 v20, v19  }
0x111: {  	v63 =	vld [tilespmem:s6+$0x3060]  }
0x112: {  	v7 =	vld [tilespmem:s9+$0x1430];
	v5 =	vadd.f32 v6, v5;
	v6 =	vmul.f32 v22, v21  }
0x113: {  	v8 =	vld [tilespmem:s9+$0x3430]  }
0x114: {  	v9 =	vld [tilespmem:s9+$0x1440];
	v5 =	vadd.f32 v6, v5;
	v6 =	vmul.f32 v24, v23  }
0x115: {  	v10 =	vld [tilespmem:s9+$0x3440]  }
0x116: {  	v11 =	vld [tilespmem:s9+$0x1450];
	v5 =	vadd.f32 v6, v5;
	v6 =	vmul.f32 v26, v25  }
0x117: {  	v59 =	vmul.f32 v53, v52;
	v12 =	vld [tilespmem:s9+$0x3450];
	v17 =	vmul.f32 v51, v50  }
0x118: {  	v13 =	vld [tilespmem:s9+$0x1460];
	v5 =	vadd.f32 v6, v5;
	v6 =	vmul.f32 v8, v7  }
0x119: {  	v61 =	vmul.f32 v55, v54;
	v14 =	vld [tilespmem:s9+$0x3460];
	v8 =	vadd.f32 v59, v17  }
0x11a: {  	v7 =	vld [tilespmem:s6+$0x1050];
	v5 =	vadd.f32 v6, v5;
	v6 =	vmul.f32 v10, v9  }
0x11b: {  	v15 =	vld [tilespmem:s9+$0x1470];
	v8 =	vadd.f32 v61, v8;
	v10 =	vmul.f32 v57, v56  }
0x11c: {  	v9 =	vld [tilespmem:s6+$0x1060];
	v5 =	vadd.f32 v6, v5;
	v6 =	vmul.f32 v12, v11  }
0x11d: {  	v11 =	vld [tilespmem:s6+$0x1070];
	v8 =	vadd.f32 v10, v8;
	v10 =	vmul.f32 v60, v58  }
0x11e: {  	v12 =	vld [tilespmem:s6+$0x3070];
	v5 =	vadd.f32 v6, v5;
	v6 =	vmul.f32 v14, v13  }
0x11f: {  	v7 =	vmul.f32 v62, v7;
	v13 =	vld [tilespmem:s6+$0x1400];
	v8 =	vadd.f32 v10, v8  }
0x120: {  	v10 =	vld [tilespmem:s6+$0x3400];
	v5 =	vadd.f32 v6, v5;
	v6 =	vmul.f32 v49, v15  }
0x121: {  	v14 =	vld [tilespmem:s6+$0x1410];
	v7 =	vadd.f32 v7, v8;
	v8 =	vmul.f32 v63, v9  }
0x122: {  	v9 =	vld [tilespmem:s6+$0x3410];
	v5 =	vadd.f32 v6, v5  }
0x123: {  	v6 =	vld [tilespmem:s6+$0x1420];
	v7 =	vadd.f32 v8, v7;
	v8 =	vmul.f32 v12, v11  }
0x124: {  	v11 =	vld [tilespmem:s6+$0x3420];
	(xrf2) =	vadd.scan.msk.f32 $0xffff, v5  }
0x125: {  	v12 =	vld [tilespmem:s6+$0x1430];
	v5 =	vadd.f32 v8, v7;
	v7 =	vmul.f32 v10, v13  }
0x126: {  	v8 =	vld [tilespmem:s6+$0x3430]  }
0x127: {  	v10 =	vld [tilespmem:s6+$0x1440];
	v5 =	vadd.f32 v7, v5;
	v7 =	vmul.f32 v9, v14  }
0x128: {  	v9 =	vld [tilespmem:s6+$0x3440]  }
0x129: {  	v13 =	vld [tilespmem:s6+$0x1450];
	v6 =	vmul.f32 v11, v6;
	v7 =	vadd.f32 v7, v5  }
0x12a: {  	v14 =	vld [tilespmem:s6+$0x3450]  }
0x12b: {  	v5 =	vld [tilespmem:s6+$0x1460];
	v8 =	vmul.f32 v8, v12;
	v11 =	vadd.f32 v6, v7  }
0x12c: {  	s13 =	simm.s32 $0x200;
	s11 =	simm.s32 $0x100;
	v6 =	vld [tilespmem:s6+$0x3460]  }
0x12d: {  	s14 =	sand.u32 $0x380, s11;
	s9 =	sand.u32 $0x1800, s13;
	v7 =	vld [tilespmem:s6+$0x1470];
	v9 =	vmul.f32 v9, v10;
	v12 =	vadd.f32 v8, v11  }
0x12e: {  	s10 =	sor.u32 s14, s9;
	s9 =	simm.s32 $0x11000;
	v8 =	vld [tilespmem:s6+$0x3470];
	v10, _, _ =	vpop (xrf2)  }
0x12f: {  	v11 =	vld [tilespmem:s10+$0x1000];
	v9 =	vadd.f32 v9, v12;
	[tilespmem:s9+$0x0] =	vst.msk vm1, v10;
	v10 =	vmul.f32 v14, v13  }
0x130: {  	s12 =	simm.s32 $0x300;
	s6 =	sor.u32 $0x60, s7;
	v12 =	vld [tilespmem:s10+$0x3000]  }
.LBB2_3:
0x131: {  	p0 =	sne.s32 s12, $0x1F00;
	v13 =	vld [tilespmem:s10+$0x1010];
	v9 =	vadd.f32 v10, v9;
	v5 =	vmul.f32 v6, v5  }
0x132: {  	v6 =	vld [tilespmem:s10+$0x3010]  }
0x133: {  	v10 =	vld [tilespmem:s10+$0x1020];
	v5 =	vadd.f32 v5, v9;
	v7 =	vmul.f32 v8, v7  }
0x134: {  	v8 =	vld [tilespmem:s10+$0x3020]  }
0x135: {  	v9 =	vld [tilespmem:s10+$0x1030];
	v5 =	vadd.f32 v7, v5  }
0x136: {  	v7 =	vld [tilespmem:s10+$0x3030]  }
0x137: {  	v11 =	vmul.f32 v12, v11;
	v6 =	vmul.f32 v6, v13;
	v12 =	vld [tilespmem:s10+$0x1040];
	(xrf2) =	vadd.scan.msk.f32 $0xffff, v5  }
0x138: {  	v5 =	vld [tilespmem:s10+$0x3040]  }
0x139: {  	v6 =	vadd.f32 v6, v11;
	v8 =	vmul.f32 v8, v10;
	v10 =	vld [tilespmem:s10+$0x1050]  }
0x13a: {  	v11 =	vld [tilespmem:s10+$0x3050]  }
0x13b: {  	v6 =	vadd.f32 v8, v6;
	v7 =	vmul.f32 v7, v9;
	v8 =	vld [tilespmem:s10+$0x1060]  }
0x13c: {  	v9 =	vld [tilespmem:s10+$0x3060]  }
0x13d: {  	v6 =	vadd.f32 v7, v6;
	v5 =	vmul.f32 v5, v12;
	v7 =	vld [tilespmem:s10+$0x1070]  }
0x13e: {  	v12 =	vld [tilespmem:s10+$0x3070]  }
0x13f: {  	v5 =	vadd.f32 v5, v6;
	v6 =	vmul.f32 v11, v10;
	v10 =	vld [tilespmem:s10+$0x1400]  }
0x140: {  	v11 =	vld [tilespmem:s10+$0x3400]  }
0x141: {  	s9 =	sadd.s32 $0x1, s9;
	v5 =	vadd.f32 v6, v5;
	v6 =	vmul.f32 v9, v8;
	v8 =	vld [tilespmem:s10+$0x1410];
	v9, _, _ =	vpop (xrf2)  }
0x142: {  	v13 =	vld [tilespmem:s10+$0x3410];
	[tilespmem:s9+$0x0] =	vst.msk vm1, v9  }
0x143: {  	v5 =	vadd.f32 v6, v5;
	v6 =	vmul.f32 v12, v7;
	v7 =	vld [tilespmem:s10+$0x1420]  }
0x144: {  	v9 =	vld [tilespmem:s10+$0x3420]  }
0x145: {  	v5 =	vadd.f32 v6, v5;
	v6 =	vmul.f32 v11, v10;
	v10 =	vld [tilespmem:s10+$0x1430]  }
0x146: {  	v11 =	vld [tilespmem:s10+$0x3430]  }
0x147: {  	v5 =	vadd.f32 v6, v5;
	v6 =	vmul.f32 v13, v8;
	v8 =	vld [tilespmem:s10+$0x1440]  }
0x148: {  	v12 =	vld [tilespmem:s10+$0x3440]  }
0x149: {  	v5 =	vadd.f32 v6, v5;
	v6 =	vmul.f32 v9, v7;
	v13 =	vld [tilespmem:s10+$0x1450]  }
0x14a: {  	v14 =	vld [tilespmem:s10+$0x3450]  }
0x14b: {  	v7 =	vadd.f32 v6, v5;
	v9 =	vmul.f32 v11, v10;
	v5 =	vld [tilespmem:s10+$0x1460]  }
.Ltmp0:
0x14c: {  	s11 =	sadd.s32 $0x80, s11;
	v6 =	vld [tilespmem:s10+$0x3460];
	(pc) =	sbr.rel @p0 .LBB2_3-.Ltmp0, $4  }
0x14d: {  	s13 =	sand.u32 $0x1800, s12;
	s14 =	sand.u32 $0x380, s11;
	v9 =	vadd.f32 v9, v7;
	v10 =	vmul.f32 v12, v8;
	v7 =	vld [tilespmem:s10+$0x1470]  }
0x14e: {  	v8 =	vld [tilespmem:s10+$0x3470];
	s10 =	sor.u32 s14, s13  }
0x14f: {  	v11 =	vld [tilespmem:s10+$0x1000];
	v9 =	vadd.f32 v10, v9;
	v10 =	vmul.f32 v14, v13  }
0x150: {  	s12 =	sadd.s32 $0x100, s12;
	v12 =	vld [tilespmem:s10+$0x3000]  }
0x151: {  	v13 =	vld [tilespmem:s10+$0x1010]  }
0x152: {  	v14 =	vld [tilespmem:s10+$0x3010]  }
0x153: {  	v15 =	vld [tilespmem:s10+$0x1020]  }
0x154: {  	v16 =	vld [tilespmem:s10+$0x3020]  }
0x155: {  	v17 =	vld [tilespmem:s10+$0x1030]  }
0x156: {  	v18 =	vld [tilespmem:s10+$0x3030]  }
0x157: {  	v26 =	vld [tilespmem:s10+$0x1040];
	v11 =	vmul.f32 v12, v11;
	v25 =	vmul.f32 v14, v13  }
0x158: {  	v27 =	vld [tilespmem:s10+$0x3040]  }
0x159: {  	v29 =	vld [tilespmem:s10+$0x1050];
	v28 =	vmul.f32 v16, v15;
	v11 =	vadd.f32 v25, v11  }
0x15a: {  	v30 =	vld [tilespmem:s10+$0x3050]  }
0x15b: {  	v32 =	vld [tilespmem:s10+$0x1060];
	v31 =	vmul.f32 v18, v17;
	v11 =	vadd.f32 v28, v11  }
0x15c: {  	v33 =	vld [tilespmem:s10+$0x3060]  }
0x15d: {  	v35 =	vld [tilespmem:s10+$0x1070];
	v34 =	vmul.f32 v27, v26;
	v11 =	vadd.f32 v31, v11  }
0x15e: {  	v36 =	vld [tilespmem:s10+$0x3070]  }
0x15f: {  	v38 =	vld [tilespmem:s10+$0x1400];
	v37 =	vmul.f32 v30, v29;
	v11 =	vadd.f32 v34, v11  }
0x160: {  	v39 =	vld [tilespmem:s10+$0x3400]  }
0x161: {  	v41 =	vld [tilespmem:s10+$0x1410];
	v40 =	vmul.f32 v33, v32;
	v11 =	vadd.f32 v37, v11  }
0x162: {  	v42 =	vld [tilespmem:s10+$0x3410]  }
0x163: {  	v44 =	vld [tilespmem:s10+$0x1420];
	v43 =	vmul.f32 v36, v35;
	v11 =	vadd.f32 v40, v11  }
0x164: {  	v45 =	vld [tilespmem:s10+$0x3420]  }
0x165: {  	v47 =	vld [tilespmem:s10+$0x1430];
	v46 =	vmul.f32 v39, v38;
	v11 =	vadd.f32 v43, v11  }
0x166: {  	v48 =	vld [tilespmem:s10+$0x3430]  }
0x167: {  	v50 =	vld [tilespmem:s10+$0x1440];
	v49 =	vmul.f32 v42, v41;
	v11 =	vadd.f32 v46, v11  }
0x168: {  	v51 =	vld [tilespmem:s10+$0x3440]  }
0x169: {  	v53 =	vld [tilespmem:s10+$0x1450];
	v52 =	vmul.f32 v45, v44;
	v11 =	vadd.f32 v49, v11  }
0x16a: {  	v54 =	vld [tilespmem:s10+$0x3450]  }
0x16b: {  	v56 =	vld [tilespmem:s10+$0x1460];
	v55 =	vmul.f32 v48, v47;
	v11 =	vadd.f32 v52, v11  }
0x16c: {  	v57 =	vld [tilespmem:s10+$0x3460]  }
0x16d: {  	v59 =	vld [tilespmem:s10+$0x1470];
	v58 =	vmul.f32 v51, v50;
	v11 =	vadd.f32 v55, v11  }
0x16e: {  	v60 =	vld [tilespmem:s10+$0x3470]  }
0x16f: {  	v61 =	vmul.f32 v54, v53;
	v11 =	vadd.f32 v58, v11  }
0x170: {  	v9 =	vadd.f32 v10, v9;
	v5 =	vmul.f32 v6, v5  }
0x171: {  	v62 =	vmul.f32 v57, v56;
	v6 =	vadd.f32 v61, v11  }
0x172: {  	v5 =	vadd.f32 v5, v9;
	v7 =	vmul.f32 v8, v7  }
0x173: {  	v63 =	vmul.f32 v60, v59;
	v6 =	vadd.f32 v62, v6  }
0x174: {  	v5 =	vadd.f32 v7, v5  }
0x175: {  	v6 =	vadd.f32 v63, v6  }
0x176: {  	(xrf2) =	vadd.scan.msk.f32 $0xffff, v5  }
0x177: {  	(xrf2) =	vadd.scan.msk.f32 $0xffff, v6;
	_ =	sdelay $0x8  }
0x178: {  	s9 =	sadd.s32 $0x1, s9;
	v5, _, _ =	vpop (xrf2)  }
0x179: {  	[tilespmem:s9+$0x0] =	vst.msk vm1, v5;
	s9 =	sadd.s32 $0x1, s9;
	v5, _, _ =	vpop (xrf2)  }
0x17a: {  	p0 =	por $0x1, $0x1;
	[tilespmem:s9+$0x0] =	vst.msk vm1, v5  }
.LBB2_5:
0x17b: {  	v5 =	vld [tilespmem:s8+$0x11000];
	_ =	sdelay $0x2  }
0x17c: {  	s14 =	sor.u32 s7, s8  }
0x17d: {  	v6 =	vld [tilespmem:s14+$0x11880]  }
0x17e: {  	v5 =	vmul.f32 $3.906250000e-03, v5;
	_ =	sdelay $0x1  }
0x17f: {  	v5 =	vmax.f32 v5, $0.0e+00  }
0x180: {  	v5 =	vmin.f32 v5, $1.000000000e+00  }
0x181: {  	v6 =	vmul.f32 $9.499999880e-01, v6;
	v5 =	vmul.f32 $5.000000070e-02, v5;
	_ =	sdelay $0x1  }
0x182: {  	v5 =	vadd.f32 v5, v6  }
0x183: {  	v6 =	vld [tilespmem:s14+$0x11080]  }
0x184: {  	v7 =	vmul.f32 v5, v4;
	_ =	sdelay $0x1  }
0x185: {  	v7 =	vadd.f32 v7, v3  }
0x186: {  	v8 =	vld [tilespmem:s14+$0x12080]  }
0x187: {  	v6 =	vadd.f32 v7, v6;
	_ =	sdelay $0x1  }
0x188: {  	v6 =	vmax.f32 v6, $0.0e+00  }
0x189: {  	v6 =	vmin.f32 v6, $1.000000000e+00  }
0x18a: {  	vm3 =	veq.f32 v8, $0.0e+00;
	vm2 =	vgt.f32 v6, $1.000000010e-01;
	v7 =	vmul.f32 $1.600000020e+00, v6  }
0x18b: {  	p1 =	por p0, p0;
	vm2 =	vmand vm3, vm2  }
.Ltmp1:
0x18c: {  	vm3 =	vlt.f32 v6, $5.000000070e-02;
	v8 =	vsel vm2, $0x3F800000, v8;
	v7 =	vadd.f32 $2.000000030e-01, v7;
	(pc) =	sbr.rel @p1 .LBB2_5-.Ltmp1, $4  }
0x18d: {  	[tilespmem:s14+$0x12880] =	vst v6;
	v6 =	vsel vm3, $0x0, v8  }
0x18e: {  	[tilespmem:s14+$0x13080] =	vst v6;
	v6 =	vmul.f32 v6, v7  }
0x18f: {  	[tilespmem:s14+$0x13880] =	vst v5  }
0x190: {  	s8 =	simm.s32 $0x10;
	p0 =	por $0x0, $0x0;
	[tilespmem:s14+$0x14080] =	vst v6  }
0x191: {  	p0 =	seq.s32 s5, $0xF  }
0x192: {  	v5 =	vld @!p0 [tilespmem:s7+$0x80];
	_ =	sdelay $0x4  }
0x193: {  	v6 =	vshll.u32 @!p0 v5, $0x1  }
0x194: {  	v7 =	vlaneseq.u32 @!p0;
	v5 =	vand.u32 @!p0 $0x7, v5;
	v6 =	vand.u32 @!p0 $0xFFFFFFF0, v6  }
0x195: {  	v8 =	vshrl.u32 @!p0 v7, $0x3;
	v5 =	vor.u32 @!p0 v5, v6;
	v6 =	vand.u32 @!p0 $0x7, v7  }
0x196: {  	v8 =	vmul.u32 @!p0 $0x8, v8;
	v9 =	vperm.xlane @!p0 v5, v6  }
0x197: {  	v7 =	vor.u32 @!p0 $0x8, v7  }
0x198: {  	v5 =	vperm.xlane @!p0 v5, v7;
	v9 =	vadd.s32 @!p0 v8, v9;
	_ =	sdelay $0x1  }
0x199: {  	v5 =	vadd.s32 @!p0 v8, v5;
	_ =	sdelay $0x1  }
0x19a: {  	vm2 =	vmmov @!p0 $0xffff;
	s8 =	simm.s32 @!p0 $0x0;
	s9 =	simm.s32 @!p0 $0x1000  }
0x19b: {  	[tilespmem:s9], [sflag:$0x1] =	stream.indirect_vreg.gather @!p0 [hbm4b:s0+s8], $0x80, v9, vm2, $0xb8;
	[tilespmem:$0x14980] =	vst v63  }
0x19c: {  	s9 =	simm.s32 @!p0 $0x1800  }
0x19d: {  	[tilespmem:s9], [sflag:$0x1] =	stream.indirect_vreg.gather @!p0 [hbm4b:s0+s8], $0x80, v5, vm2, $0xb8;
	[tilespmem:$0x14980] =	vst v63  }
0x19e: {  	v5 =	vld @!p0 [tilespmem:s7+$0x90];
	_ =	sdelay $0x4  }
0x19f: {  	v9 =	vshll.u32 @!p0 v5, $0x1  }
0x1a0: {  	v5 =	vand.u32 @!p0 $0x7, v5;
	v9 =	vand.u32 @!p0 $0xFFFFFFF0, v9  }
0x1a1: {  	v5 =	vor.u32 @!p0 v5, v9  }
0x1a2: {  	v9 =	vperm.xlane @!p0 v5, v6;
	_ =	sdelay $0x1  }
0x1a3: {  	v5 =	vperm.xlane @!p0 v5, v7;
	v9 =	vadd.s32 @!p0 v8, v9;
	_ =	sdelay $0x1  }
0x1a4: {  	v5 =	vadd.s32 @!p0 v8, v5;
	_ =	sdelay $0x1  }
0x1a5: {  	s9 =	simm.s32 @!p0 $0x2000  }
0x1a6: {  	[tilespmem:s9], [sflag:$0x1] =	stream.indirect_vreg.gather @!p0 [hbm4b:s0+s8], $0x80, v9, vm2, $0xb8;
	[tilespmem:$0x14980] =	vst v63  }
0x1a7: {  	s9 =	simm.s32 @!p0 $0x2800  }
0x1a8: {  	[tilespmem:s9], [sflag:$0x1] =	stream.indirect_vreg.gather @!p0 [hbm4b:s0+s8], $0x80, v5, vm2, $0xb8;
	[tilespmem:$0x14980] =	vst v63  }
0x1a9: {  	v5 =	vld @!p0 [tilespmem:s7+$0x880];
	_ =	sdelay $0x4  }
0x1aa: {  	v9 =	vshll.u32 @!p0 v5, $0x1  }
0x1ab: {  	v5 =	vand.u32 @!p0 $0x7, v5;
	v9 =	vand.u32 @!p0 $0xFFFFFFF0, v9  }
0x1ac: {  	v5 =	vor.u32 @!p0 v5, v9  }
0x1ad: {  	v9 =	vperm.xlane @!p0 v5, v6;
	_ =	sdelay $0x1  }
0x1ae: {  	v5 =	vperm.xlane @!p0 v5, v7;
	v9 =	vadd.s32 @!p0 v8, v9;
	_ =	sdelay $0x1  }
0x1af: {  	v5 =	vadd.s32 @!p0 v8, v5;
	_ =	sdelay $0x1  }
0x1b0: {  	s9 =	simm.s32 @!p0 $0x3000  }
0x1b1: {  	[tilespmem:s9], [sflag:$0x2] =	stream.indirect_vreg.gather @!p0 [hbm4b:s0+s8], $0x80, v9, vm2, $0xb8;
	[tilespmem:$0x14980] =	vst v63  }
0x1b2: {  	s9 =	simm.s32 @!p0 $0x3800  }
0x1b3: {  	[tilespmem:s9], [sflag:$0x2] =	stream.indirect_vreg.gather @!p0 [hbm4b:s0+s8], $0x80, v5, vm2, $0xb8;
	[tilespmem:$0x14980] =	vst v63  }
0x1b4: {  	v5 =	vld @!p0 [tilespmem:s7+$0x890];
	_ =	sdelay $0x4  }
0x1b5: {  	v9 =	vshll.u32 @!p0 v5, $0x1  }
0x1b6: {  	v5 =	vand.u32 @!p0 $0x7, v5;
	v9 =	vand.u32 @!p0 $0xFFFFFFF0, v9  }
0x1b7: {  	v5 =	vor.u32 @!p0 v5, v9  }
0x1b8: {  	v6 =	vperm.xlane @!p0 v5, v6;
	_ =	sdelay $0x1  }
0x1b9: {  	v5 =	vperm.xlane @!p0 v5, v7;
	v6 =	vadd.s32 @!p0 v8, v6;
	_ =	sdelay $0x1  }
0x1ba: {  	v5 =	vadd.s32 @!p0 v8, v5;
	_ =	sdelay $0x1  }
0x1bb: {  	s9 =	simm.s32 @!p0 $0x4000  }
0x1bc: {  	[tilespmem:s9], [sflag:$0x2] =	stream.indirect_vreg.gather @!p0 [hbm4b:s0+s8], $0x80, v6, vm2, $0xb8;
	[tilespmem:$0x14980] =	vst v63  }
0x1bd: {  	s9 =	simm.s32 @!p0 $0x4800  }
0x1be: {  	[tilespmem:s9], [sflag:$0x2] =	stream.indirect_vreg.gather @!p0 [hbm4b:s0+s8], $0x80, v5, vm2, $0xb8;
	[tilespmem:$0x14980] =	vst v63  }
0x1bf: {  	_ =	swait.ge [sflag:s19], $0x2000  }
0x1c0: {  	[sflag:s19] =	ssyncset.done $0x0  }
0x1c1: {  	[sflag:s19] =	ssyncadd.s32 $0xFFFFE000  }
0x1c2: {  	s12 =	simm.s32 $0x0;
	_ =	swait.ge [sflag:s20], $0x2000  }
0x1c3: {  	s10 =	sand.u32 $0x1800, s12;
	s9 =	sand.u32 $0x380, s12;
	[sflag:s20] =	ssyncset.done $0x0  }
0x1c4: {  	s9 =	sor.u32 s9, s10;
	[sflag:s20] =	ssyncadd.s32 $0xFFFFE000  }
0x1c5: {  	v5 =	vld [tilespmem:s9+$0x5000]  }
0x1c6: {  	v6 =	vld [tilespmem:s9+$0x7000]  }
0x1c7: {  	v7 =	vld [tilespmem:s9+$0x5010]  }
0x1c8: {  	v8 =	vld [tilespmem:s9+$0x7010]  }
0x1c9: {  	v9 =	vld [tilespmem:s9+$0x5020]  }
0x1ca: {  	v10 =	vld [tilespmem:s9+$0x7020]  }
0x1cb: {  	v11 =	vld [tilespmem:s9+$0x5030]  }
0x1cc: {  	v12 =	vld [tilespmem:s9+$0x7030]  }
0x1cd: {  	v13 =	vld [tilespmem:s9+$0x5040]  }
0x1ce: {  	v14 =	vld [tilespmem:s9+$0x7040]  }
0x1cf: {  	v15 =	vld [tilespmem:s9+$0x5050]  }
0x1d0: {  	v16 =	vld [tilespmem:s9+$0x7050]  }
0x1d1: {  	v17 =	vld [tilespmem:s9+$0x5060]  }
0x1d2: {  	v18 =	vld [tilespmem:s9+$0x7060]  }
0x1d3: {  	v19 =	vld [tilespmem:s9+$0x5070]  }
0x1d4: {  	v20 =	vld [tilespmem:s9+$0x7070]  }
0x1d5: {  	v21 =	vld [tilespmem:s9+$0x5400]  }
0x1d6: {  	v22 =	vld [tilespmem:s9+$0x7400]  }
0x1d7: {  	v23 =	vld [tilespmem:s9+$0x5410]  }
0x1d8: {  	v24 =	vld [tilespmem:s9+$0x7410]  }
0x1d9: {  	s13 =	simm.s32 $0x100;
	s11 =	simm.s32 $0x80;
	v25 =	vld [tilespmem:s9+$0x5420]  }
0x1da: {  	s11 =	sand.u32 $0x380, s11;
	s10 =	sand.u32 $0x1800, s13;
	v26 =	vld [tilespmem:s9+$0x7420];
	v5 =	vmul.f32 v6, v5;
	v6 =	vmul.f32 v8, v7  }
0x1db: {  	s11 =	sor.u32 s11, s10;
	v49 =	vld [tilespmem:s9+$0x7470]  }
0x1dc: {  	v50 =	vld [tilespmem:s11+$0x5000];
	v5 =	vadd.f32 v6, v5;
	v6 =	vmul.f32 v10, v9  }
0x1dd: {  	v51 =	vld [tilespmem:s11+$0x7000]  }
0x1de: {  	v52 =	vld [tilespmem:s11+$0x5010];
	v5 =	vadd.f32 v6, v5;
	v6 =	vmul.f32 v12, v11  }
0x1df: {  	v53 =	vld [tilespmem:s11+$0x7010]  }
0x1e0: {  	v54 =	vld [tilespmem:s11+$0x5020];
	v5 =	vadd.f32 v6, v5;
	v6 =	vmul.f32 v14, v13  }
0x1e1: {  	v55 =	vld [tilespmem:s11+$0x7020]  }
0x1e2: {  	v56 =	vld [tilespmem:s11+$0x5030];
	v5 =	vadd.f32 v6, v5;
	v6 =	vmul.f32 v16, v15  }
0x1e3: {  	v57 =	vld [tilespmem:s11+$0x7030]  }
0x1e4: {  	v58 =	vld [tilespmem:s11+$0x5040];
	v5 =	vadd.f32 v6, v5;
	v6 =	vmul.f32 v18, v17  }
0x1e5: {  	v60 =	vld [tilespmem:s11+$0x7040]  }
0x1e6: {  	v62 =	vld [tilespmem:s11+$0x7050];
	v5 =	vadd.f32 v6, v5;
	v6 =	vmul.f32 v20, v19  }
0x1e7: {  	v63 =	vld [tilespmem:s11+$0x7060]  }
0x1e8: {  	v7 =	vld [tilespmem:s9+$0x5430];
	v5 =	vadd.f32 v6, v5;
	v6 =	vmul.f32 v22, v21  }
0x1e9: {  	v8 =	vld [tilespmem:s9+$0x7430]  }
0x1ea: {  	v9 =	vld [tilespmem:s9+$0x5440];
	v5 =	vadd.f32 v6, v5;
	v6 =	vmul.f32 v24, v23  }
0x1eb: {  	v10 =	vld [tilespmem:s9+$0x7440]  }
0x1ec: {  	v11 =	vld [tilespmem:s9+$0x5450];
	v5 =	vadd.f32 v6, v5;
	v6 =	vmul.f32 v26, v25  }
0x1ed: {  	v59 =	vmul.f32 v53, v52;
	v12 =	vld [tilespmem:s9+$0x7450];
	v17 =	vmul.f32 v51, v50  }
0x1ee: {  	v13 =	vld [tilespmem:s9+$0x5460];
	v5 =	vadd.f32 v6, v5;
	v6 =	vmul.f32 v8, v7  }
0x1ef: {  	v61 =	vmul.f32 v55, v54;
	v14 =	vld [tilespmem:s9+$0x7460];
	v8 =	vadd.f32 v59, v17  }
0x1f0: {  	v7 =	vld [tilespmem:s11+$0x5050];
	v5 =	vadd.f32 v6, v5;
	v6 =	vmul.f32 v10, v9  }
0x1f1: {  	v15 =	vld [tilespmem:s9+$0x5470];
	v8 =	vadd.f32 v61, v8;
	v10 =	vmul.f32 v57, v56  }
0x1f2: {  	v9 =	vld [tilespmem:s11+$0x5060];
	v5 =	vadd.f32 v6, v5;
	v6 =	vmul.f32 v12, v11  }
0x1f3: {  	v11 =	vld [tilespmem:s11+$0x5070];
	v8 =	vadd.f32 v10, v8;
	v10 =	vmul.f32 v60, v58  }
0x1f4: {  	v12 =	vld [tilespmem:s11+$0x7070];
	v5 =	vadd.f32 v6, v5;
	v6 =	vmul.f32 v14, v13  }
0x1f5: {  	v7 =	vmul.f32 v62, v7;
	v13 =	vld [tilespmem:s11+$0x5400];
	v8 =	vadd.f32 v10, v8  }
0x1f6: {  	v10 =	vld [tilespmem:s11+$0x7400];
	v5 =	vadd.f32 v6, v5;
	v6 =	vmul.f32 v49, v15  }
0x1f7: {  	v14 =	vld [tilespmem:s11+$0x5410];
	v7 =	vadd.f32 v7, v8;
	v8 =	vmul.f32 v63, v9  }
0x1f8: {  	v9 =	vld [tilespmem:s11+$0x7410];
	v5 =	vadd.f32 v6, v5  }
0x1f9: {  	v6 =	vld [tilespmem:s11+$0x5420];
	v7 =	vadd.f32 v8, v7;
	v8 =	vmul.f32 v12, v11  }
0x1fa: {  	v11 =	vld [tilespmem:s11+$0x7420];
	(xrf2) =	vadd.scan.msk.f32 $0xffff, v5  }
0x1fb: {  	v12 =	vld [tilespmem:s11+$0x5430];
	v5 =	vadd.f32 v8, v7;
	v7 =	vmul.f32 v10, v13  }
0x1fc: {  	v8 =	vld [tilespmem:s11+$0x7430]  }
0x1fd: {  	v10 =	vld [tilespmem:s11+$0x5440];
	v5 =	vadd.f32 v7, v5;
	v7 =	vmul.f32 v9, v14  }
0x1fe: {  	v9 =	vld [tilespmem:s11+$0x7440]  }
0x1ff: {  	v13 =	vld [tilespmem:s11+$0x5450];
	v6 =	vmul.f32 v11, v6;
	v7 =	vadd.f32 v7, v5  }
0x200: {  	v14 =	vld [tilespmem:s11+$0x7450]  }
0x201: {  	v5 =	vld [tilespmem:s11+$0x5460];
	v8 =	vmul.f32 v8, v12;
	v11 =	vadd.f32 v6, v7  }
0x202: {  	s14 =	simm.s32 $0x200;
	s10 =	simm.s32 $0x100;
	v6 =	vld [tilespmem:s11+$0x7460]  }
0x203: {  	s12 =	sand.u32 $0x380, s10;
	s9 =	sand.u32 $0x1800, s14;
	v7 =	vld [tilespmem:s11+$0x5470];
	v9 =	vmul.f32 v9, v10;
	v12 =	vadd.f32 v8, v11  }
0x204: {  	s8 =	simm.s32 $0x11000;
	s9 =	sor.u32 s12, s9;
	v8 =	vld [tilespmem:s11+$0x7470];
	v10, _, _ =	vpop (xrf2)  }
0x205: {  	v11 =	vld [tilespmem:s9+$0x5000];
	v9 =	vadd.f32 v9, v12;
	[tilespmem:s8+$0x0] =	vst.msk vm1, v10;
	v10 =	vmul.f32 v14, v13  }
0x206: {  	s11 =	simm.s32 $0x300;
	v12 =	vld [tilespmem:s9+$0x7000]  }
.LBB2_7:
0x207: {  	p1 =	seq.s32 s11, $0x1F00;
	v13 =	vld [tilespmem:s9+$0x5010];
	v9 =	vadd.f32 v10, v9;
	v5 =	vmul.f32 v6, v5  }
0x208: {  	v6 =	vld [tilespmem:s9+$0x7010]  }
0x209: {  	v10 =	vld [tilespmem:s9+$0x5020];
	v5 =	vadd.f32 v5, v9;
	v7 =	vmul.f32 v8, v7  }
0x20a: {  	v8 =	vld [tilespmem:s9+$0x7020]  }
0x20b: {  	v9 =	vld [tilespmem:s9+$0x5030];
	v5 =	vadd.f32 v7, v5  }
0x20c: {  	v7 =	vld [tilespmem:s9+$0x7030]  }
0x20d: {  	v11 =	vmul.f32 v12, v11;
	v6 =	vmul.f32 v6, v13;
	v12 =	vld [tilespmem:s9+$0x5040];
	(xrf2) =	vadd.scan.msk.f32 $0xffff, v5  }
0x20e: {  	v5 =	vld [tilespmem:s9+$0x7040]  }
0x20f: {  	v6 =	vadd.f32 v6, v11;
	v8 =	vmul.f32 v8, v10;
	v10 =	vld [tilespmem:s9+$0x5050]  }
0x210: {  	v11 =	vld [tilespmem:s9+$0x7050]  }
0x211: {  	v6 =	vadd.f32 v8, v6;
	v7 =	vmul.f32 v7, v9;
	v8 =	vld [tilespmem:s9+$0x5060]  }
0x212: {  	v9 =	vld [tilespmem:s9+$0x7060]  }
0x213: {  	v6 =	vadd.f32 v7, v6;
	v5 =	vmul.f32 v5, v12;
	v7 =	vld [tilespmem:s9+$0x5070]  }
0x214: {  	v12 =	vld [tilespmem:s9+$0x7070]  }
0x215: {  	v5 =	vadd.f32 v5, v6;
	v6 =	vmul.f32 v11, v10;
	v10 =	vld [tilespmem:s9+$0x5400]  }
0x216: {  	v11 =	vld [tilespmem:s9+$0x7400]  }
0x217: {  	s8 =	sadd.s32 $0x1, s8;
	v5 =	vadd.f32 v6, v5;
	v6 =	vmul.f32 v9, v8;
	v8 =	vld [tilespmem:s9+$0x5410];
	v9, _, _ =	vpop (xrf2)  }
0x218: {  	v13 =	vld [tilespmem:s9+$0x7410];
	[tilespmem:s8+$0x0] =	vst.msk vm1, v9  }
0x219: {  	v5 =	vadd.f32 v6, v5;
	v6 =	vmul.f32 v12, v7;
	v7 =	vld [tilespmem:s9+$0x5420]  }
0x21a: {  	v9 =	vld [tilespmem:s9+$0x7420]  }
0x21b: {  	v5 =	vadd.f32 v6, v5;
	v6 =	vmul.f32 v11, v10;
	v10 =	vld [tilespmem:s9+$0x5430]  }
0x21c: {  	v11 =	vld [tilespmem:s9+$0x7430]  }
0x21d: {  	v5 =	vadd.f32 v6, v5;
	v6 =	vmul.f32 v13, v8;
	v8 =	vld [tilespmem:s9+$0x5440]  }
0x21e: {  	v12 =	vld [tilespmem:s9+$0x7440]  }
0x21f: {  	v5 =	vadd.f32 v6, v5;
	v6 =	vmul.f32 v9, v7;
	v13 =	vld [tilespmem:s9+$0x5450]  }
0x220: {  	v14 =	vld [tilespmem:s9+$0x7450]  }
0x221: {  	v7 =	vadd.f32 v6, v5;
	v9 =	vmul.f32 v11, v10;
	v5 =	vld [tilespmem:s9+$0x5460]  }
.Ltmp2:
0x222: {  	s10 =	sadd.s32 $0x80, s10;
	v6 =	vld [tilespmem:s9+$0x7460];
	(pc) =	sbr.rel @!p1 .LBB2_7-.Ltmp2, $4  }
0x223: {  	s12 =	sand.u32 $0x1800, s11;
	s13 =	sand.u32 $0x380, s10;
	v9 =	vadd.f32 v9, v7;
	v10 =	vmul.f32 v12, v8;
	v7 =	vld [tilespmem:s9+$0x5470]  }
0x224: {  	v8 =	vld [tilespmem:s9+$0x7470];
	s9 =	sor.u32 s13, s12  }
0x225: {  	v11 =	vld [tilespmem:s9+$0x5000];
	v9 =	vadd.f32 v10, v9;
	v10 =	vmul.f32 v14, v13  }
0x226: {  	s11 =	sadd.s32 $0x100, s11;
	v12 =	vld [tilespmem:s9+$0x7000]  }
0x227: {  	v13 =	vld [tilespmem:s9+$0x5010]  }
0x228: {  	v14 =	vld [tilespmem:s9+$0x7010]  }
0x229: {  	v15 =	vld [tilespmem:s9+$0x5020]  }
0x22a: {  	v16 =	vld [tilespmem:s9+$0x7020]  }
0x22b: {  	v17 =	vld [tilespmem:s9+$0x5030]  }
0x22c: {  	v18 =	vld [tilespmem:s9+$0x7030]  }
0x22d: {  	v26 =	vld [tilespmem:s9+$0x5040];
	v11 =	vmul.f32 v12, v11;
	v25 =	vmul.f32 v14, v13  }
0x22e: {  	v27 =	vld [tilespmem:s9+$0x7040]  }
0x22f: {  	v29 =	vld [tilespmem:s9+$0x5050];
	v28 =	vmul.f32 v16, v15;
	v11 =	vadd.f32 v25, v11  }
0x230: {  	v30 =	vld [tilespmem:s9+$0x7050]  }
0x231: {  	v32 =	vld [tilespmem:s9+$0x5060];
	v31 =	vmul.f32 v18, v17;
	v11 =	vadd.f32 v28, v11  }
0x232: {  	v33 =	vld [tilespmem:s9+$0x7060]  }
0x233: {  	v35 =	vld [tilespmem:s9+$0x5070];
	v34 =	vmul.f32 v27, v26;
	v11 =	vadd.f32 v31, v11  }
0x234: {  	v36 =	vld [tilespmem:s9+$0x7070]  }
0x235: {  	v38 =	vld [tilespmem:s9+$0x5400];
	v37 =	vmul.f32 v30, v29;
	v11 =	vadd.f32 v34, v11  }
0x236: {  	v39 =	vld [tilespmem:s9+$0x7400]  }
0x237: {  	v41 =	vld [tilespmem:s9+$0x5410];
	v40 =	vmul.f32 v33, v32;
	v11 =	vadd.f32 v37, v11  }
0x238: {  	v42 =	vld [tilespmem:s9+$0x7410]  }
0x239: {  	v44 =	vld [tilespmem:s9+$0x5420];
	v43 =	vmul.f32 v36, v35;
	v11 =	vadd.f32 v40, v11  }
0x23a: {  	v45 =	vld [tilespmem:s9+$0x7420]  }
0x23b: {  	v47 =	vld [tilespmem:s9+$0x5430];
	v46 =	vmul.f32 v39, v38;
	v11 =	vadd.f32 v43, v11  }
0x23c: {  	v48 =	vld [tilespmem:s9+$0x7430]  }
0x23d: {  	v50 =	vld [tilespmem:s9+$0x5440];
	v49 =	vmul.f32 v42, v41;
	v11 =	vadd.f32 v46, v11  }
0x23e: {  	v51 =	vld [tilespmem:s9+$0x7440]  }
0x23f: {  	v53 =	vld [tilespmem:s9+$0x5450];
	v52 =	vmul.f32 v45, v44;
	v11 =	vadd.f32 v49, v11  }
0x240: {  	v54 =	vld [tilespmem:s9+$0x7450]  }
0x241: {  	v56 =	vld [tilespmem:s9+$0x5460];
	v55 =	vmul.f32 v48, v47;
	v11 =	vadd.f32 v52, v11  }
0x242: {  	v57 =	vld [tilespmem:s9+$0x7460]  }
0x243: {  	v59 =	vld [tilespmem:s9+$0x5470];
	v58 =	vmul.f32 v51, v50;
	v11 =	vadd.f32 v55, v11  }
0x244: {  	v60 =	vld [tilespmem:s9+$0x7470]  }
0x245: {  	v61 =	vmul.f32 v54, v53;
	v11 =	vadd.f32 v58, v11  }
0x246: {  	v9 =	vadd.f32 v10, v9;
	v5 =	vmul.f32 v6, v5  }
0x247: {  	v62 =	vmul.f32 v57, v56;
	v6 =	vadd.f32 v61, v11  }
0x248: {  	v5 =	vadd.f32 v5, v9;
	v7 =	vmul.f32 v8, v7  }
0x249: {  	v63 =	vmul.f32 v60, v59;
	v6 =	vadd.f32 v62, v6  }
0x24a: {  	v5 =	vadd.f32 v7, v5  }
0x24b: {  	v6 =	vadd.f32 v63, v6  }
0x24c: {  	(xrf2) =	vadd.scan.msk.f32 $0xffff, v5  }
0x24d: {  	(xrf2) =	vadd.scan.msk.f32 $0xffff, v6;
	_ =	sdelay $0x8  }
0x24e: {  	s8 =	sadd.s32 $0x1, s8;
	v5, _, _ =	vpop (xrf2)  }
0x24f: {  	[tilespmem:s8+$0x0] =	vst.msk vm1, v5;
	s8 =	sadd.s32 $0x1, s8;
	v5, _, _ =	vpop (xrf2)  }
0x250: {  	s9 =	simm.s32 $0x0;
	p1 =	por $0x1, $0x1;
	[tilespmem:s8+$0x0] =	vst.msk vm1, v5;
	s8 =	sor.u32 $0x20, s7  }
.LBB2_9:
0x251: {  	v5 =	vld [tilespmem:s9+$0x11000];
	_ =	sdelay $0x2  }
0x252: {  	s14 =	sor.u32 s8, s9  }
0x253: {  	v6 =	vld [tilespmem:s14+$0x11880]  }
0x254: {  	v5 =	vmul.f32 $3.906250000e-03, v5;
	_ =	sdelay $0x1  }
0x255: {  	v5 =	vmax.f32 v5, $0.0e+00  }
0x256: {  	v5 =	vmin.f32 v5, $1.000000000e+00  }
0x257: {  	v6 =	vmul.f32 $9.499999880e-01, v6;
	v5 =	vmul.f32 $5.000000070e-02, v5;
	_ =	sdelay $0x1  }
0x258: {  	v5 =	vadd.f32 v5, v6  }
0x259: {  	v6 =	vld [tilespmem:s14+$0x11080]  }
0x25a: {  	v7 =	vmul.f32 v5, v4;
	_ =	sdelay $0x1  }
0x25b: {  	v7 =	vadd.f32 v7, v3  }
0x25c: {  	v8 =	vld [tilespmem:s14+$0x12080]  }
0x25d: {  	v6 =	vadd.f32 v7, v6;
	_ =	sdelay $0x1  }
0x25e: {  	v6 =	vmax.f32 v6, $0.0e+00  }
0x25f: {  	v6 =	vmin.f32 v6, $1.000000000e+00  }
0x260: {  	vm4 =	veq.f32 v8, $0.0e+00;
	vm3 =	vgt.f32 v6, $1.000000010e-01;
	v7 =	vmul.f32 $1.600000020e+00, v6  }
0x261: {  	p2 =	por p1, p1;
	vm3 =	vmand vm4, vm3  }
.Ltmp3:
0x262: {  	vm15 =	vlt.f32 v6, $5.000000070e-02;
	v8 =	vsel vm3, $0x3F800000, v8;
	v7 =	vadd.f32 $2.000000030e-01, v7;
	(pc) =	sbr.rel @p2 .LBB2_9-.Ltmp3, $4  }
0x263: {  	[tilespmem:s14+$0x12880] =	vst v6;
	v6 =	vsel vm15, $0x0, v8  }
0x264: {  	[tilespmem:s14+$0x13080] =	vst v6;
	v6 =	vmul.f32 v6, v7  }
0x265: {  	[tilespmem:s14+$0x13880] =	vst v5  }
0x266: {  	s9 =	simm.s32 $0x10;
	p1 =	por $0x0, $0x0;
	[tilespmem:s14+$0x14080] =	vst v6  }
0x267: {  	v5 =	vld @!p0 [tilespmem:s7+$0xA0];
	_ =	sdelay $0x4  }
0x268: {  	v6 =	vshll.u32 @!p0 v5, $0x1  }
0x269: {  	v7 =	vlaneseq.u32 @!p0;
	v5 =	vand.u32 @!p0 $0x7, v5;
	v6 =	vand.u32 @!p0 $0xFFFFFFF0, v6  }
0x26a: {  	v8 =	vshrl.u32 @!p0 v7, $0x3;
	v5 =	vor.u32 @!p0 v5, v6;
	v6 =	vand.u32 @!p0 $0x7, v7  }
0x26b: {  	v8 =	vmul.u32 @!p0 $0x8, v8;
	v9 =	vperm.xlane @!p0 v5, v6  }
0x26c: {  	v7 =	vor.u32 @!p0 $0x8, v7  }
0x26d: {  	v5 =	vperm.xlane @!p0 v5, v7;
	v9 =	vadd.s32 @!p0 v8, v9;
	_ =	sdelay $0x1  }
0x26e: {  	v5 =	vadd.s32 @!p0 v8, v5;
	_ =	sdelay $0x1  }
0x26f: {  	s8 =	simm.s32 @!p0 $0x0;
	s9 =	simm.s32 @!p0 $0x5000  }
0x270: {  	[tilespmem:s9], [sflag:$0x3] =	stream.indirect_vreg.gather @!p0 [hbm4b:s0+s8], $0x80, v9, vm2, $0xb8;
	[tilespmem:$0x14980] =	vst v63  }
0x271: {  	s9 =	simm.s32 @!p0 $0x5800  }
0x272: {  	[tilespmem:s9], [sflag:$0x3] =	stream.indirect_vreg.gather @!p0 [hbm4b:s0+s8], $0x80, v5, vm2, $0xb8;
	[tilespmem:$0x14980] =	vst v63  }
0x273: {  	v5 =	vld @!p0 [tilespmem:s7+$0xB0];
	_ =	sdelay $0x4  }
0x274: {  	v9 =	vshll.u32 @!p0 v5, $0x1  }
0x275: {  	v5 =	vand.u32 @!p0 $0x7, v5;
	v9 =	vand.u32 @!p0 $0xFFFFFFF0, v9  }
0x276: {  	v5 =	vor.u32 @!p0 v5, v9  }
0x277: {  	v9 =	vperm.xlane @!p0 v5, v6;
	_ =	sdelay $0x1  }
0x278: {  	v5 =	vperm.xlane @!p0 v5, v7;
	v9 =	vadd.s32 @!p0 v8, v9;
	_ =	sdelay $0x1  }
0x279: {  	v5 =	vadd.s32 @!p0 v8, v5;
	_ =	sdelay $0x1  }
0x27a: {  	s9 =	simm.s32 @!p0 $0x6000  }
0x27b: {  	[tilespmem:s9], [sflag:$0x3] =	stream.indirect_vreg.gather @!p0 [hbm4b:s0+s8], $0x80, v9, vm2, $0xb8;
	[tilespmem:$0x14980] =	vst v63  }
0x27c: {  	s9 =	simm.s32 @!p0 $0x6800  }
0x27d: {  	[tilespmem:s9], [sflag:$0x3] =	stream.indirect_vreg.gather @!p0 [hbm4b:s0+s8], $0x80, v5, vm2, $0xb8;
	[tilespmem:$0x14980] =	vst v63  }
0x27e: {  	v5 =	vld @!p0 [tilespmem:s7+$0x8A0];
	_ =	sdelay $0x4  }
0x27f: {  	v9 =	vshll.u32 @!p0 v5, $0x1  }
0x280: {  	v5 =	vand.u32 @!p0 $0x7, v5;
	v9 =	vand.u32 @!p0 $0xFFFFFFF0, v9  }
0x281: {  	v5 =	vor.u32 @!p0 v5, v9  }
0x282: {  	v9 =	vperm.xlane @!p0 v5, v6;
	_ =	sdelay $0x1  }
0x283: {  	v5 =	vperm.xlane @!p0 v5, v7;
	v9 =	vadd.s32 @!p0 v8, v9;
	_ =	sdelay $0x1  }
0x284: {  	v5 =	vadd.s32 @!p0 v8, v5;
	_ =	sdelay $0x1  }
0x285: {  	s9 =	simm.s32 @!p0 $0x7000  }
0x286: {  	[tilespmem:s9], [sflag:$0x4] =	stream.indirect_vreg.gather @!p0 [hbm4b:s0+s8], $0x80, v9, vm2, $0xb8;
	[tilespmem:$0x14980] =	vst v63  }
0x287: {  	s9 =	simm.s32 @!p0 $0x7800  }
0x288: {  	[tilespmem:s9], [sflag:$0x4] =	stream.indirect_vreg.gather @!p0 [hbm4b:s0+s8], $0x80, v5, vm2, $0xb8;
	[tilespmem:$0x14980] =	vst v63  }
0x289: {  	v5 =	vld @!p0 [tilespmem:s7+$0x8B0];
	_ =	sdelay $0x4  }
0x28a: {  	v9 =	vshll.u32 @!p0 v5, $0x1  }
0x28b: {  	v5 =	vand.u32 @!p0 $0x7, v5;
	v9 =	vand.u32 @!p0 $0xFFFFFFF0, v9  }
0x28c: {  	v5 =	vor.u32 @!p0 v5, v9  }
0x28d: {  	v6 =	vperm.xlane @!p0 v5, v6;
	_ =	sdelay $0x1  }
0x28e: {  	v5 =	vperm.xlane @!p0 v5, v7;
	v6 =	vadd.s32 @!p0 v8, v6;
	_ =	sdelay $0x1  }
0x28f: {  	v5 =	vadd.s32 @!p0 v8, v5;
	_ =	sdelay $0x1  }
0x290: {  	s9 =	simm.s32 @!p0 $0x8000  }
0x291: {  	[tilespmem:s9], [sflag:$0x4] =	stream.indirect_vreg.gather @!p0 [hbm4b:s0+s8], $0x80, v6, vm2, $0xb8;
	[tilespmem:$0x14980] =	vst v63  }
0x292: {  	s9 =	simm.s32 @!p0 $0x8800  }
0x293: {  	[tilespmem:s9], [sflag:$0x4] =	stream.indirect_vreg.gather @!p0 [hbm4b:s0+s8], $0x80, v5, vm2, $0xb8;
	[tilespmem:$0x14980] =	vst v63  }
0x294: {  	_ =	swait.ge [sflag:s21], $0x2000  }
0x295: {  	[sflag:s21] =	ssyncset.done $0x0  }
0x296: {  	[sflag:s21] =	ssyncadd.s32 $0xFFFFE000  }
0x297: {  	s12 =	simm.s32 $0x0;
	_ =	swait.ge [sflag:s22], $0x2000  }
0x298: {  	s10 =	sand.u32 $0x1800, s12;
	s9 =	sand.u32 $0x380, s12;
	[sflag:s22] =	ssyncset.done $0x0  }
0x299: {  	s9 =	sor.u32 s9, s10;
	[sflag:s22] =	ssyncadd.s32 $0xFFFFE000  }
0x29a: {  	v5 =	vld [tilespmem:s9+$0x9000]  }
0x29b: {  	v6 =	vld [tilespmem:s9+$0xB000]  }
0x29c: {  	v7 =	vld [tilespmem:s9+$0x9010]  }
0x29d: {  	v8 =	vld [tilespmem:s9+$0xB010]  }
0x29e: {  	v9 =	vld [tilespmem:s9+$0x9020]  }
0x29f: {  	v10 =	vld [tilespmem:s9+$0xB020]  }
0x2a0: {  	v11 =	vld [tilespmem:s9+$0x9030]  }
0x2a1: {  	v12 =	vld [tilespmem:s9+$0xB030]  }
0x2a2: {  	v13 =	vld [tilespmem:s9+$0x9040]  }
0x2a3: {  	v14 =	vld [tilespmem:s9+$0xB040]  }
0x2a4: {  	v15 =	vld [tilespmem:s9+$0x9050]  }
0x2a5: {  	v16 =	vld [tilespmem:s9+$0xB050]  }
0x2a6: {  	v17 =	vld [tilespmem:s9+$0x9060]  }
0x2a7: {  	v18 =	vld [tilespmem:s9+$0xB060]  }
0x2a8: {  	v19 =	vld [tilespmem:s9+$0x9070]  }
0x2a9: {  	v20 =	vld [tilespmem:s9+$0xB070]  }
0x2aa: {  	v21 =	vld [tilespmem:s9+$0x9400]  }
0x2ab: {  	v22 =	vld [tilespmem:s9+$0xB400]  }
0x2ac: {  	v23 =	vld [tilespmem:s9+$0x9410]  }
0x2ad: {  	v24 =	vld [tilespmem:s9+$0xB410]  }
0x2ae: {  	s13 =	simm.s32 $0x100;
	s11 =	simm.s32 $0x80;
	v25 =	vld [tilespmem:s9+$0x9420]  }
0x2af: {  	s11 =	sand.u32 $0x380, s11;
	s10 =	sand.u32 $0x1800, s13;
	v26 =	vld [tilespmem:s9+$0xB420];
	v5 =	vmul.f32 v6, v5;
	v6 =	vmul.f32 v8, v7  }
0x2b0: {  	s11 =	sor.u32 s11, s10;
	v49 =	vld [tilespmem:s9+$0xB470]  }
0x2b1: {  	v50 =	vld [tilespmem:s11+$0x9000];
	v5 =	vadd.f32 v6, v5;
	v6 =	vmul.f32 v10, v9  }
0x2b2: {  	v51 =	vld [tilespmem:s11+$0xB000]  }
0x2b3: {  	v52 =	vld [tilespmem:s11+$0x9010];
	v5 =	vadd.f32 v6, v5;
	v6 =	vmul.f32 v12, v11  }
0x2b4: {  	v53 =	vld [tilespmem:s11+$0xB010]  }
0x2b5: {  	v54 =	vld [tilespmem:s11+$0x9020];
	v5 =	vadd.f32 v6, v5;
	v6 =	vmul.f32 v14, v13  }
0x2b6: {  	v55 =	vld [tilespmem:s11+$0xB020]  }
0x2b7: {  	v56 =	vld [tilespmem:s11+$0x9030];
	v5 =	vadd.f32 v6, v5;
	v6 =	vmul.f32 v16, v15  }
0x2b8: {  	v57 =	vld [tilespmem:s11+$0xB030]  }
0x2b9: {  	v58 =	vld [tilespmem:s11+$0x9040];
	v5 =	vadd.f32 v6, v5;
	v6 =	vmul.f32 v18, v17  }
0x2ba: {  	v60 =	vld [tilespmem:s11+$0xB040]  }
0x2bb: {  	v62 =	vld [tilespmem:s11+$0xB050];
	v5 =	vadd.f32 v6, v5;
	v6 =	vmul.f32 v20, v19  }
0x2bc: {  	v63 =	vld [tilespmem:s11+$0xB060]  }
0x2bd: {  	v7 =	vld [tilespmem:s9+$0x9430];
	v5 =	vadd.f32 v6, v5;
	v6 =	vmul.f32 v22, v21  }
0x2be: {  	v8 =	vld [tilespmem:s9+$0xB430]  }
0x2bf: {  	v9 =	vld [tilespmem:s9+$0x9440];
	v5 =	vadd.f32 v6, v5;
	v6 =	vmul.f32 v24, v23  }
0x2c0: {  	v10 =	vld [tilespmem:s9+$0xB440]  }
0x2c1: {  	v11 =	vld [tilespmem:s9+$0x9450];
	v5 =	vadd.f32 v6, v5;
	v6 =	vmul.f32 v26, v25  }
0x2c2: {  	v59 =	vmul.f32 v53, v52;
	v12 =	vld [tilespmem:s9+$0xB450];
	v17 =	vmul.f32 v51, v50  }
0x2c3: {  	v13 =	vld [tilespmem:s9+$0x9460];
	v5 =	vadd.f32 v6, v5;
	v6 =	vmul.f32 v8, v7  }
0x2c4: {  	v61 =	vmul.f32 v55, v54;
	v14 =	vld [tilespmem:s9+$0xB460];
	v8 =	vadd.f32 v59, v17  }
0x2c5: {  	v7 =	vld [tilespmem:s11+$0x9050];
	v5 =	vadd.f32 v6, v5;
	v6 =	vmul.f32 v10, v9  }
0x2c6: {  	v15 =	vld [tilespmem:s9+$0x9470];
	v8 =	vadd.f32 v61, v8;
	v10 =	vmul.f32 v57, v56  }
0x2c7: {  	v9 =	vld [tilespmem:s11+$0x9060];
	v5 =	vadd.f32 v6, v5;
	v6 =	vmul.f32 v12, v11  }
0x2c8: {  	v11 =	vld [tilespmem:s11+$0x9070];
	v8 =	vadd.f32 v10, v8;
	v10 =	vmul.f32 v60, v58  }
0x2c9: {  	v12 =	vld [tilespmem:s11+$0xB070];
	v5 =	vadd.f32 v6, v5;
	v6 =	vmul.f32 v14, v13  }
0x2ca: {  	v7 =	vmul.f32 v62, v7;
	v13 =	vld [tilespmem:s11+$0x9400];
	v8 =	vadd.f32 v10, v8  }
0x2cb: {  	v10 =	vld [tilespmem:s11+$0xB400];
	v5 =	vadd.f32 v6, v5;
	v6 =	vmul.f32 v49, v15  }
0x2cc: {  	v14 =	vld [tilespmem:s11+$0x9410];
	v7 =	vadd.f32 v7, v8;
	v8 =	vmul.f32 v63, v9  }
0x2cd: {  	v9 =	vld [tilespmem:s11+$0xB410];
	v5 =	vadd.f32 v6, v5  }
0x2ce: {  	v6 =	vld [tilespmem:s11+$0x9420];
	v7 =	vadd.f32 v8, v7;
	v8 =	vmul.f32 v12, v11  }
0x2cf: {  	v11 =	vld [tilespmem:s11+$0xB420];
	(xrf2) =	vadd.scan.msk.f32 $0xffff, v5  }
0x2d0: {  	v12 =	vld [tilespmem:s11+$0x9430];
	v5 =	vadd.f32 v8, v7;
	v7 =	vmul.f32 v10, v13  }
0x2d1: {  	v8 =	vld [tilespmem:s11+$0xB430]  }
0x2d2: {  	v10 =	vld [tilespmem:s11+$0x9440];
	v5 =	vadd.f32 v7, v5;
	v7 =	vmul.f32 v9, v14  }
0x2d3: {  	v9 =	vld [tilespmem:s11+$0xB440]  }
0x2d4: {  	v13 =	vld [tilespmem:s11+$0x9450];
	v6 =	vmul.f32 v11, v6;
	v7 =	vadd.f32 v7, v5  }
0x2d5: {  	v14 =	vld [tilespmem:s11+$0xB450]  }
0x2d6: {  	v5 =	vld [tilespmem:s11+$0x9460];
	v8 =	vmul.f32 v8, v12;
	v11 =	vadd.f32 v6, v7  }
0x2d7: {  	s14 =	simm.s32 $0x200;
	s10 =	simm.s32 $0x100;
	v6 =	vld [tilespmem:s11+$0xB460]  }
0x2d8: {  	s12 =	sand.u32 $0x380, s10;
	s9 =	sand.u32 $0x1800, s14;
	v7 =	vld [tilespmem:s11+$0x9470];
	v9 =	vmul.f32 v9, v10;
	v12 =	vadd.f32 v8, v11  }
0x2d9: {  	s8 =	simm.s32 $0x11000;
	s9 =	sor.u32 s12, s9;
	v8 =	vld [tilespmem:s11+$0xB470];
	v10, _, _ =	vpop (xrf2)  }
0x2da: {  	v11 =	vld [tilespmem:s9+$0x9000];
	v9 =	vadd.f32 v9, v12;
	[tilespmem:s8+$0x0] =	vst.msk vm1, v10;
	v10 =	vmul.f32 v14, v13  }
0x2db: {  	s11 =	simm.s32 $0x300;
	v12 =	vld [tilespmem:s9+$0xB000]  }
.LBB2_11:
0x2dc: {  	p1 =	seq.s32 s11, $0x1F00;
	v13 =	vld [tilespmem:s9+$0x9010];
	v9 =	vadd.f32 v10, v9;
	v5 =	vmul.f32 v6, v5  }
0x2dd: {  	v6 =	vld [tilespmem:s9+$0xB010]  }
0x2de: {  	v10 =	vld [tilespmem:s9+$0x9020];
	v5 =	vadd.f32 v5, v9;
	v7 =	vmul.f32 v8, v7  }
0x2df: {  	v8 =	vld [tilespmem:s9+$0xB020]  }
0x2e0: {  	v9 =	vld [tilespmem:s9+$0x9030];
	v5 =	vadd.f32 v7, v5  }
0x2e1: {  	v7 =	vld [tilespmem:s9+$0xB030]  }
0x2e2: {  	v11 =	vmul.f32 v12, v11;
	v6 =	vmul.f32 v6, v13;
	v12 =	vld [tilespmem:s9+$0x9040];
	(xrf2) =	vadd.scan.msk.f32 $0xffff, v5  }
0x2e3: {  	v5 =	vld [tilespmem:s9+$0xB040]  }
0x2e4: {  	v6 =	vadd.f32 v6, v11;
	v8 =	vmul.f32 v8, v10;
	v10 =	vld [tilespmem:s9+$0x9050]  }
0x2e5: {  	v11 =	vld [tilespmem:s9+$0xB050]  }
0x2e6: {  	v6 =	vadd.f32 v8, v6;
	v7 =	vmul.f32 v7, v9;
	v8 =	vld [tilespmem:s9+$0x9060]  }
0x2e7: {  	v9 =	vld [tilespmem:s9+$0xB060]  }
0x2e8: {  	v6 =	vadd.f32 v7, v6;
	v5 =	vmul.f32 v5, v12;
	v7 =	vld [tilespmem:s9+$0x9070]  }
0x2e9: {  	v12 =	vld [tilespmem:s9+$0xB070]  }
0x2ea: {  	v5 =	vadd.f32 v5, v6;
	v6 =	vmul.f32 v11, v10;
	v10 =	vld [tilespmem:s9+$0x9400]  }
0x2eb: {  	v11 =	vld [tilespmem:s9+$0xB400]  }
0x2ec: {  	s8 =	sadd.s32 $0x1, s8;
	v5 =	vadd.f32 v6, v5;
	v6 =	vmul.f32 v9, v8;
	v8 =	vld [tilespmem:s9+$0x9410];
	v9, _, _ =	vpop (xrf2)  }
0x2ed: {  	v13 =	vld [tilespmem:s9+$0xB410];
	[tilespmem:s8+$0x0] =	vst.msk vm1, v9  }
0x2ee: {  	v5 =	vadd.f32 v6, v5;
	v6 =	vmul.f32 v12, v7;
	v7 =	vld [tilespmem:s9+$0x9420]  }
0x2ef: {  	v9 =	vld [tilespmem:s9+$0xB420]  }
0x2f0: {  	v5 =	vadd.f32 v6, v5;
	v6 =	vmul.f32 v11, v10;
	v10 =	vld [tilespmem:s9+$0x9430]  }
0x2f1: {  	v11 =	vld [tilespmem:s9+$0xB430]  }
0x2f2: {  	v5 =	vadd.f32 v6, v5;
	v6 =	vmul.f32 v13, v8;
	v8 =	vld [tilespmem:s9+$0x9440]  }
0x2f3: {  	v12 =	vld [tilespmem:s9+$0xB440]  }
0x2f4: {  	v5 =	vadd.f32 v6, v5;
	v6 =	vmul.f32 v9, v7;
	v13 =	vld [tilespmem:s9+$0x9450]  }
0x2f5: {  	v14 =	vld [tilespmem:s9+$0xB450]  }
0x2f6: {  	v7 =	vadd.f32 v6, v5;
	v9 =	vmul.f32 v11, v10;
	v5 =	vld [tilespmem:s9+$0x9460]  }
.Ltmp4:
0x2f7: {  	s10 =	sadd.s32 $0x80, s10;
	v6 =	vld [tilespmem:s9+$0xB460];
	(pc) =	sbr.rel @!p1 .LBB2_11-.Ltmp4, $4  }
0x2f8: {  	s12 =	sand.u32 $0x1800, s11;
	s13 =	sand.u32 $0x380, s10;
	v9 =	vadd.f32 v9, v7;
	v10 =	vmul.f32 v12, v8;
	v7 =	vld [tilespmem:s9+$0x9470]  }
0x2f9: {  	v8 =	vld [tilespmem:s9+$0xB470];
	s9 =	sor.u32 s13, s12  }
0x2fa: {  	v11 =	vld [tilespmem:s9+$0x9000];
	v9 =	vadd.f32 v10, v9;
	v10 =	vmul.f32 v14, v13  }
0x2fb: {  	s11 =	sadd.s32 $0x100, s11;
	v12 =	vld [tilespmem:s9+$0xB000]  }
0x2fc: {  	v13 =	vld [tilespmem:s9+$0x9010]  }
0x2fd: {  	v14 =	vld [tilespmem:s9+$0xB010]  }
0x2fe: {  	v15 =	vld [tilespmem:s9+$0x9020]  }
0x2ff: {  	v16 =	vld [tilespmem:s9+$0xB020]  }
0x300: {  	v17 =	vld [tilespmem:s9+$0x9030]  }
0x301: {  	v18 =	vld [tilespmem:s9+$0xB030]  }
0x302: {  	v26 =	vld [tilespmem:s9+$0x9040];
	v11 =	vmul.f32 v12, v11;
	v25 =	vmul.f32 v14, v13  }
0x303: {  	v27 =	vld [tilespmem:s9+$0xB040]  }
0x304: {  	v29 =	vld [tilespmem:s9+$0x9050];
	v28 =	vmul.f32 v16, v15;
	v11 =	vadd.f32 v25, v11  }
0x305: {  	v30 =	vld [tilespmem:s9+$0xB050]  }
0x306: {  	v32 =	vld [tilespmem:s9+$0x9060];
	v31 =	vmul.f32 v18, v17;
	v11 =	vadd.f32 v28, v11  }
0x307: {  	v33 =	vld [tilespmem:s9+$0xB060]  }
0x308: {  	v35 =	vld [tilespmem:s9+$0x9070];
	v34 =	vmul.f32 v27, v26;
	v11 =	vadd.f32 v31, v11  }
0x309: {  	v36 =	vld [tilespmem:s9+$0xB070]  }
0x30a: {  	v38 =	vld [tilespmem:s9+$0x9400];
	v37 =	vmul.f32 v30, v29;
	v11 =	vadd.f32 v34, v11  }
0x30b: {  	v39 =	vld [tilespmem:s9+$0xB400]  }
0x30c: {  	v41 =	vld [tilespmem:s9+$0x9410];
	v40 =	vmul.f32 v33, v32;
	v11 =	vadd.f32 v37, v11  }
0x30d: {  	v42 =	vld [tilespmem:s9+$0xB410]  }
0x30e: {  	v44 =	vld [tilespmem:s9+$0x9420];
	v43 =	vmul.f32 v36, v35;
	v11 =	vadd.f32 v40, v11  }
0x30f: {  	v45 =	vld [tilespmem:s9+$0xB420]  }
0x310: {  	v47 =	vld [tilespmem:s9+$0x9430];
	v46 =	vmul.f32 v39, v38;
	v11 =	vadd.f32 v43, v11  }
0x311: {  	v48 =	vld [tilespmem:s9+$0xB430]  }
0x312: {  	v50 =	vld [tilespmem:s9+$0x9440];
	v49 =	vmul.f32 v42, v41;
	v11 =	vadd.f32 v46, v11  }
0x313: {  	v51 =	vld [tilespmem:s9+$0xB440]  }
0x314: {  	v53 =	vld [tilespmem:s9+$0x9450];
	v52 =	vmul.f32 v45, v44;
	v11 =	vadd.f32 v49, v11  }
0x315: {  	v54 =	vld [tilespmem:s9+$0xB450]  }
0x316: {  	v56 =	vld [tilespmem:s9+$0x9460];
	v55 =	vmul.f32 v48, v47;
	v11 =	vadd.f32 v52, v11  }
0x317: {  	v57 =	vld [tilespmem:s9+$0xB460]  }
0x318: {  	v59 =	vld [tilespmem:s9+$0x9470];
	v58 =	vmul.f32 v51, v50;
	v11 =	vadd.f32 v55, v11  }
0x319: {  	v60 =	vld [tilespmem:s9+$0xB470]  }
0x31a: {  	v61 =	vmul.f32 v54, v53;
	v11 =	vadd.f32 v58, v11  }
0x31b: {  	v9 =	vadd.f32 v10, v9;
	v5 =	vmul.f32 v6, v5  }
0x31c: {  	v62 =	vmul.f32 v57, v56;
	v6 =	vadd.f32 v61, v11  }
0x31d: {  	v5 =	vadd.f32 v5, v9;
	v7 =	vmul.f32 v8, v7  }
0x31e: {  	v63 =	vmul.f32 v60, v59;
	v6 =	vadd.f32 v62, v6  }
0x31f: {  	v5 =	vadd.f32 v7, v5  }
0x320: {  	v6 =	vadd.f32 v63, v6  }
0x321: {  	(xrf2) =	vadd.scan.msk.f32 $0xffff, v5  }
0x322: {  	(xrf2) =	vadd.scan.msk.f32 $0xffff, v6;
	_ =	sdelay $0x8  }
0x323: {  	s8 =	sadd.s32 $0x1, s8;
	v5, _, _ =	vpop (xrf2)  }
0x324: {  	[tilespmem:s8+$0x0] =	vst.msk vm1, v5;
	s8 =	sadd.s32 $0x1, s8;
	v5, _, _ =	vpop (xrf2)  }
0x325: {  	s9 =	simm.s32 $0x0;
	p1 =	por $0x1, $0x1;
	[tilespmem:s8+$0x0] =	vst.msk vm1, v5;
	s8 =	sor.u32 $0x40, s7  }
.LBB2_13:
0x326: {  	v5 =	vld [tilespmem:s9+$0x11000];
	_ =	sdelay $0x2  }
0x327: {  	s14 =	sor.u32 s8, s9  }
0x328: {  	v6 =	vld [tilespmem:s14+$0x11880]  }
0x329: {  	v5 =	vmul.f32 $3.906250000e-03, v5;
	_ =	sdelay $0x1  }
0x32a: {  	v5 =	vmax.f32 v5, $0.0e+00  }
0x32b: {  	v5 =	vmin.f32 v5, $1.000000000e+00  }
0x32c: {  	v6 =	vmul.f32 $9.499999880e-01, v6;
	v5 =	vmul.f32 $5.000000070e-02, v5;
	_ =	sdelay $0x1  }
0x32d: {  	v5 =	vadd.f32 v5, v6  }
0x32e: {  	v6 =	vld [tilespmem:s14+$0x11080]  }
0x32f: {  	v7 =	vmul.f32 v5, v4;
	_ =	sdelay $0x1  }
0x330: {  	v7 =	vadd.f32 v7, v3  }
0x331: {  	v8 =	vld [tilespmem:s14+$0x12080]  }
0x332: {  	v6 =	vadd.f32 v7, v6;
	_ =	sdelay $0x1  }
0x333: {  	v6 =	vmax.f32 v6, $0.0e+00  }
0x334: {  	v6 =	vmin.f32 v6, $1.000000000e+00  }
0x335: {  	vm4 =	veq.f32 v8, $0.0e+00;
	vm3 =	vgt.f32 v6, $1.000000010e-01;
	v7 =	vmul.f32 $1.600000020e+00, v6  }
0x336: {  	p2 =	por p1, p1;
	vm3 =	vmand vm4, vm3  }
.Ltmp5:
0x337: {  	vm15 =	vlt.f32 v6, $5.000000070e-02;
	v8 =	vsel vm3, $0x3F800000, v8;
	v7 =	vadd.f32 $2.000000030e-01, v7;
	(pc) =	sbr.rel @p2 .LBB2_13-.Ltmp5, $4  }
0x338: {  	[tilespmem:s14+$0x12880] =	vst v6;
	v6 =	vsel vm15, $0x0, v8  }
0x339: {  	[tilespmem:s14+$0x13080] =	vst v6;
	v6 =	vmul.f32 v6, v7  }
0x33a: {  	[tilespmem:s14+$0x13880] =	vst v5  }
0x33b: {  	s9 =	simm.s32 $0x10;
	p1 =	por $0x0, $0x0;
	[tilespmem:s14+$0x14080] =	vst v6  }
0x33c: {  	v5 =	vld @!p0 [tilespmem:s7+$0xC0];
	_ =	sdelay $0x4  }
0x33d: {  	v6 =	vshll.u32 @!p0 v5, $0x1  }
0x33e: {  	v7 =	vlaneseq.u32 @!p0;
	v5 =	vand.u32 @!p0 $0x7, v5;
	v6 =	vand.u32 @!p0 $0xFFFFFFF0, v6  }
0x33f: {  	v8 =	vshrl.u32 @!p0 v7, $0x3;
	v5 =	vor.u32 @!p0 v5, v6;
	v6 =	vand.u32 @!p0 $0x7, v7  }
0x340: {  	v8 =	vmul.u32 @!p0 $0x8, v8;
	v9 =	vperm.xlane @!p0 v5, v6  }
0x341: {  	v7 =	vor.u32 @!p0 $0x8, v7  }
0x342: {  	v5 =	vperm.xlane @!p0 v5, v7;
	v9 =	vadd.s32 @!p0 v8, v9;
	_ =	sdelay $0x1  }
0x343: {  	v5 =	vadd.s32 @!p0 v8, v5;
	_ =	sdelay $0x1  }
0x344: {  	s8 =	simm.s32 @!p0 $0x0;
	s9 =	simm.s32 @!p0 $0x9000  }
0x345: {  	[tilespmem:s9], [sflag:$0x5] =	stream.indirect_vreg.gather @!p0 [hbm4b:s0+s8], $0x80, v9, vm2, $0xb8;
	[tilespmem:$0x14980] =	vst v63  }
0x346: {  	s9 =	simm.s32 @!p0 $0x9800  }
0x347: {  	[tilespmem:s9], [sflag:$0x5] =	stream.indirect_vreg.gather @!p0 [hbm4b:s0+s8], $0x80, v5, vm2, $0xb8;
	[tilespmem:$0x14980] =	vst v63  }
0x348: {  	v5 =	vld @!p0 [tilespmem:s7+$0xD0];
	_ =	sdelay $0x4  }
0x349: {  	v9 =	vshll.u32 @!p0 v5, $0x1  }
0x34a: {  	v5 =	vand.u32 @!p0 $0x7, v5;
	v9 =	vand.u32 @!p0 $0xFFFFFFF0, v9  }
0x34b: {  	v5 =	vor.u32 @!p0 v5, v9  }
0x34c: {  	v9 =	vperm.xlane @!p0 v5, v6;
	_ =	sdelay $0x1  }
0x34d: {  	v5 =	vperm.xlane @!p0 v5, v7;
	v9 =	vadd.s32 @!p0 v8, v9;
	_ =	sdelay $0x1  }
0x34e: {  	v5 =	vadd.s32 @!p0 v8, v5;
	_ =	sdelay $0x1  }
0x34f: {  	s9 =	simm.s32 @!p0 $0xA000  }
0x350: {  	[tilespmem:s9], [sflag:$0x5] =	stream.indirect_vreg.gather @!p0 [hbm4b:s0+s8], $0x80, v9, vm2, $0xb8;
	[tilespmem:$0x14980] =	vst v63  }
0x351: {  	s9 =	simm.s32 @!p0 $0xA800  }
0x352: {  	[tilespmem:s9], [sflag:$0x5] =	stream.indirect_vreg.gather @!p0 [hbm4b:s0+s8], $0x80, v5, vm2, $0xb8;
	[tilespmem:$0x14980] =	vst v63  }
0x353: {  	v5 =	vld @!p0 [tilespmem:s7+$0x8C0];
	_ =	sdelay $0x4  }
0x354: {  	v9 =	vshll.u32 @!p0 v5, $0x1  }
0x355: {  	v5 =	vand.u32 @!p0 $0x7, v5;
	v9 =	vand.u32 @!p0 $0xFFFFFFF0, v9  }
0x356: {  	v5 =	vor.u32 @!p0 v5, v9  }
0x357: {  	v9 =	vperm.xlane @!p0 v5, v6;
	_ =	sdelay $0x1  }
0x358: {  	v5 =	vperm.xlane @!p0 v5, v7;
	v9 =	vadd.s32 @!p0 v8, v9;
	_ =	sdelay $0x1  }
0x359: {  	v5 =	vadd.s32 @!p0 v8, v5;
	_ =	sdelay $0x1  }
0x35a: {  	s9 =	simm.s32 @!p0 $0xB000  }
0x35b: {  	[tilespmem:s9], [sflag:$0x6] =	stream.indirect_vreg.gather @!p0 [hbm4b:s0+s8], $0x80, v9, vm2, $0xb8;
	[tilespmem:$0x14980] =	vst v63  }
0x35c: {  	s9 =	simm.s32 @!p0 $0xB800  }
0x35d: {  	[tilespmem:s9], [sflag:$0x6] =	stream.indirect_vreg.gather @!p0 [hbm4b:s0+s8], $0x80, v5, vm2, $0xb8;
	[tilespmem:$0x14980] =	vst v63  }
0x35e: {  	v5 =	vld @!p0 [tilespmem:s7+$0x8D0];
	_ =	sdelay $0x4  }
0x35f: {  	v9 =	vshll.u32 @!p0 v5, $0x1  }
0x360: {  	v5 =	vand.u32 @!p0 $0x7, v5;
	v9 =	vand.u32 @!p0 $0xFFFFFFF0, v9  }
0x361: {  	v5 =	vor.u32 @!p0 v5, v9  }
0x362: {  	v6 =	vperm.xlane @!p0 v5, v6;
	_ =	sdelay $0x1  }
0x363: {  	v5 =	vperm.xlane @!p0 v5, v7;
	v6 =	vadd.s32 @!p0 v8, v6;
	_ =	sdelay $0x1  }
0x364: {  	v5 =	vadd.s32 @!p0 v8, v5;
	_ =	sdelay $0x1  }
0x365: {  	s7 =	simm.s32 @!p0 $0xC000  }
0x366: {  	[tilespmem:s7], [sflag:$0x6] =	stream.indirect_vreg.gather @!p0 [hbm4b:s0+s8], $0x80, v6, vm2, $0xb8;
	[tilespmem:$0x14980] =	vst v63  }
0x367: {  	s7 =	simm.s32 @!p0 $0xC800  }
0x368: {  	[tilespmem:s7], [sflag:$0x6] =	stream.indirect_vreg.gather @!p0 [hbm4b:s0+s8], $0x80, v5, vm2, $0xb8;
	[tilespmem:$0x14980] =	vst v63  }
0x369: {  	_ =	swait.ge [sflag:s23], $0x2000  }
0x36a: {  	[sflag:s23] =	ssyncset.done $0x0  }
0x36b: {  	[sflag:s23] =	ssyncadd.s32 $0xFFFFE000  }
0x36c: {  	s7 =	simm.s32 $0x0;
	_ =	swait.ge [sflag:s24], $0x2000  }
0x36d: {  	s11 =	sand.u32 $0x1800, s7;
	s12 =	sand.u32 $0x380, s7;
	[sflag:s24] =	ssyncset.done $0x0  }
0x36e: {  	s9 =	sor.u32 s12, s11;
	[sflag:s24] =	ssyncadd.s32 $0xFFFFE000  }
0x36f: {  	v5 =	vld [tilespmem:s9+$0xD000]  }
0x370: {  	v6 =	vld [tilespmem:s9+$0xF000]  }
0x371: {  	v7 =	vld [tilespmem:s9+$0xD010]  }
0x372: {  	v8 =	vld [tilespmem:s9+$0xF010]  }
0x373: {  	v9 =	vld [tilespmem:s9+$0xD020]  }
0x374: {  	v10 =	vld [tilespmem:s9+$0xF020]  }
0x375: {  	v11 =	vld [tilespmem:s9+$0xD030]  }
0x376: {  	v12 =	vld [tilespmem:s9+$0xF030]  }
0x377: {  	v13 =	vld [tilespmem:s9+$0xD040]  }
0x378: {  	v14 =	vld [tilespmem:s9+$0xF040]  }
0x379: {  	v15 =	vld [tilespmem:s9+$0xD050]  }
0x37a: {  	v16 =	vld [tilespmem:s9+$0xF050]  }
0x37b: {  	v17 =	vld [tilespmem:s9+$0xD060]  }
0x37c: {  	v18 =	vld [tilespmem:s9+$0xF060]  }
0x37d: {  	v19 =	vld [tilespmem:s9+$0xD070]  }
0x37e: {  	v20 =	vld [tilespmem:s9+$0xF070]  }
0x37f: {  	v21 =	vld [tilespmem:s9+$0xD400]  }
0x380: {  	v22 =	vld [tilespmem:s9+$0xF400]  }
0x381: {  	v23 =	vld [tilespmem:s9+$0xD410]  }
0x382: {  	v24 =	vld [tilespmem:s9+$0xF410]  }
0x383: {  	s13 =	simm.s32 $0x100;
	s10 =	simm.s32 $0x80;
	v25 =	vld [tilespmem:s9+$0xD420]  }
0x384: {  	s10 =	sand.u32 $0x380, s10;
	s8 =	sand.u32 $0x1800, s13;
	v26 =	vld [tilespmem:s9+$0xF420];
	v5 =	vmul.f32 v6, v5;
	v6 =	vmul.f32 v8, v7  }
0x385: {  	s8 =	sor.u32 s10, s8;
	v49 =	vld [tilespmem:s9+$0xF470]  }
0x386: {  	v50 =	vld [tilespmem:s8+$0xD000];
	v5 =	vadd.f32 v6, v5;
	v6 =	vmul.f32 v10, v9  }
0x387: {  	v51 =	vld [tilespmem:s8+$0xF000]  }
0x388: {  	v52 =	vld [tilespmem:s8+$0xD010];
	v5 =	vadd.f32 v6, v5;
	v6 =	vmul.f32 v12, v11  }
0x389: {  	v53 =	vld [tilespmem:s8+$0xF010]  }
0x38a: {  	v54 =	vld [tilespmem:s8+$0xD020];
	v5 =	vadd.f32 v6, v5;
	v6 =	vmul.f32 v14, v13  }
0x38b: {  	v55 =	vld [tilespmem:s8+$0xF020]  }
0x38c: {  	v56 =	vld [tilespmem:s8+$0xD030];
	v5 =	vadd.f32 v6, v5;
	v6 =	vmul.f32 v16, v15  }
0x38d: {  	v57 =	vld [tilespmem:s8+$0xF030]  }
0x38e: {  	v58 =	vld [tilespmem:s8+$0xD040];
	v5 =	vadd.f32 v6, v5;
	v6 =	vmul.f32 v18, v17  }
0x38f: {  	v60 =	vld [tilespmem:s8+$0xF040]  }
0x390: {  	v62 =	vld [tilespmem:s8+$0xF050];
	v5 =	vadd.f32 v6, v5;
	v6 =	vmul.f32 v20, v19  }
0x391: {  	v63 =	vld [tilespmem:s8+$0xF060]  }
0x392: {  	v7 =	vld [tilespmem:s9+$0xD430];
	v5 =	vadd.f32 v6, v5;
	v6 =	vmul.f32 v22, v21  }
0x393: {  	v8 =	vld [tilespmem:s9+$0xF430]  }
0x394: {  	v9 =	vld [tilespmem:s9+$0xD440];
	v5 =	vadd.f32 v6, v5;
	v6 =	vmul.f32 v24, v23  }
0x395: {  	v10 =	vld [tilespmem:s9+$0xF440]  }
0x396: {  	v11 =	vld [tilespmem:s9+$0xD450];
	v5 =	vadd.f32 v6, v5;
	v6 =	vmul.f32 v26, v25  }
0x397: {  	v59 =	vmul.f32 v53, v52;
	v12 =	vld [tilespmem:s9+$0xF450];
	v17 =	vmul.f32 v51, v50  }
0x398: {  	v13 =	vld [tilespmem:s9+$0xD460];
	v5 =	vadd.f32 v6, v5;
	v6 =	vmul.f32 v8, v7  }
0x399: {  	v61 =	vmul.f32 v55, v54;
	v14 =	vld [tilespmem:s9+$0xF460];
	v8 =	vadd.f32 v59, v17  }
0x39a: {  	v7 =	vld [tilespmem:s8+$0xD050];
	v5 =	vadd.f32 v6, v5;
	v6 =	vmul.f32 v10, v9  }
0x39b: {  	v15 =	vld [tilespmem:s9+$0xD470];
	v8 =	vadd.f32 v61, v8;
	v10 =	vmul.f32 v57, v56  }
0x39c: {  	v9 =	vld [tilespmem:s8+$0xD060];
	v5 =	vadd.f32 v6, v5;
	v6 =	vmul.f32 v12, v11  }
0x39d: {  	v11 =	vld [tilespmem:s8+$0xD070];
	v8 =	vadd.f32 v10, v8;
	v10 =	vmul.f32 v60, v58  }
0x39e: {  	v12 =	vld [tilespmem:s8+$0xF070];
	v5 =	vadd.f32 v6, v5;
	v6 =	vmul.f32 v14, v13  }
0x39f: {  	v7 =	vmul.f32 v62, v7;
	v13 =	vld [tilespmem:s8+$0xD400];
	v8 =	vadd.f32 v10, v8  }
0x3a0: {  	v10 =	vld [tilespmem:s8+$0xF400];
	v5 =	vadd.f32 v6, v5;
	v6 =	vmul.f32 v49, v15  }
0x3a1: {  	v14 =	vld [tilespmem:s8+$0xD410];
	v7 =	vadd.f32 v7, v8;
	v8 =	vmul.f32 v63, v9  }
0x3a2: {  	v9 =	vld [tilespmem:s8+$0xF410];
	v5 =	vadd.f32 v6, v5  }
0x3a3: {  	v6 =	vld [tilespmem:s8+$0xD420];
	v7 =	vadd.f32 v8, v7;
	v8 =	vmul.f32 v12, v11  }
0x3a4: {  	v11 =	vld [tilespmem:s8+$0xF420];
	(xrf2) =	vadd.scan.msk.f32 $0xffff, v5  }
0x3a5: {  	v12 =	vld [tilespmem:s8+$0xD430];
	v5 =	vadd.f32 v8, v7;
	v7 =	vmul.f32 v10, v13  }
0x3a6: {  	v8 =	vld [tilespmem:s8+$0xF430]  }
0x3a7: {  	v10 =	vld [tilespmem:s8+$0xD440];
	v5 =	vadd.f32 v7, v5;
	v7 =	vmul.f32 v9, v14  }
0x3a8: {  	v9 =	vld [tilespmem:s8+$0xF440]  }
0x3a9: {  	v13 =	vld [tilespmem:s8+$0xD450];
	v6 =	vmul.f32 v11, v6;
	v7 =	vadd.f32 v7, v5  }
0x3aa: {  	v14 =	vld [tilespmem:s8+$0xF450]  }
0x3ab: {  	v5 =	vld [tilespmem:s8+$0xD460];
	v8 =	vmul.f32 v8, v12;
	v11 =	vadd.f32 v6, v7  }
0x3ac: {  	s14 =	simm.s32 $0x200;
	s10 =	simm.s32 $0x100;
	v6 =	vld [tilespmem:s8+$0xF460]  }
0x3ad: {  	s11 =	sand.u32 $0x380, s10;
	s9 =	sand.u32 $0x1800, s14;
	v7 =	vld [tilespmem:s8+$0xD470];
	v9 =	vmul.f32 v9, v10;
	v12 =	vadd.f32 v8, v11  }
0x3ae: {  	s9 =	sor.u32 s11, s9;
	v8 =	vld [tilespmem:s8+$0xF470];
	s8 =	simm.s32 $0x11000;
	v10, _, _ =	vpop (xrf2)  }
0x3af: {  	v11 =	vld [tilespmem:s9+$0xD000];
	v9 =	vadd.f32 v9, v12;
	[tilespmem:s8+$0x0] =	vst.msk vm1, v10;
	v10 =	vmul.f32 v14, v13  }
0x3b0: {  	s11 =	simm.s32 $0x300;
	v12 =	vld [tilespmem:s9+$0xF000]  }
.LBB2_15:
0x3b1: {  	p0 =	sne.s32 s11, $0x1F00;
	v13 =	vld [tilespmem:s9+$0xD010];
	v9 =	vadd.f32 v10, v9;
	v5 =	vmul.f32 v6, v5  }
0x3b2: {  	v6 =	vld [tilespmem:s9+$0xF010]  }
0x3b3: {  	v10 =	vld [tilespmem:s9+$0xD020];
	v5 =	vadd.f32 v5, v9;
	v7 =	vmul.f32 v8, v7  }
0x3b4: {  	v8 =	vld [tilespmem:s9+$0xF020]  }
0x3b5: {  	v9 =	vld [tilespmem:s9+$0xD030];
	v5 =	vadd.f32 v7, v5  }
0x3b6: {  	v7 =	vld [tilespmem:s9+$0xF030]  }
0x3b7: {  	v11 =	vmul.f32 v12, v11;
	v6 =	vmul.f32 v6, v13;
	v12 =	vld [tilespmem:s9+$0xD040];
	(xrf2) =	vadd.scan.msk.f32 $0xffff, v5  }
0x3b8: {  	v5 =	vld [tilespmem:s9+$0xF040]  }
0x3b9: {  	v6 =	vadd.f32 v6, v11;
	v8 =	vmul.f32 v8, v10;
	v10 =	vld [tilespmem:s9+$0xD050]  }
0x3ba: {  	v11 =	vld [tilespmem:s9+$0xF050]  }
0x3bb: {  	v6 =	vadd.f32 v8, v6;
	v7 =	vmul.f32 v7, v9;
	v8 =	vld [tilespmem:s9+$0xD060]  }
0x3bc: {  	v9 =	vld [tilespmem:s9+$0xF060]  }
0x3bd: {  	v6 =	vadd.f32 v7, v6;
	v5 =	vmul.f32 v5, v12;
	v7 =	vld [tilespmem:s9+$0xD070]  }
0x3be: {  	v12 =	vld [tilespmem:s9+$0xF070]  }
0x3bf: {  	v5 =	vadd.f32 v5, v6;
	v6 =	vmul.f32 v11, v10;
	v10 =	vld [tilespmem:s9+$0xD400]  }
0x3c0: {  	v11 =	vld [tilespmem:s9+$0xF400]  }
0x3c1: {  	s8 =	sadd.s32 $0x1, s8;
	v5 =	vadd.f32 v6, v5;
	v6 =	vmul.f32 v9, v8;
	v8 =	vld [tilespmem:s9+$0xD410];
	v9, _, _ =	vpop (xrf2)  }
0x3c2: {  	v13 =	vld [tilespmem:s9+$0xF410];
	[tilespmem:s8+$0x0] =	vst.msk vm1, v9  }
0x3c3: {  	v5 =	vadd.f32 v6, v5;
	v6 =	vmul.f32 v12, v7;
	v7 =	vld [tilespmem:s9+$0xD420]  }
0x3c4: {  	v9 =	vld [tilespmem:s9+$0xF420]  }
0x3c5: {  	v5 =	vadd.f32 v6, v5;
	v6 =	vmul.f32 v11, v10;
	v10 =	vld [tilespmem:s9+$0xD430]  }
0x3c6: {  	v11 =	vld [tilespmem:s9+$0xF430]  }
0x3c7: {  	v5 =	vadd.f32 v6, v5;
	v6 =	vmul.f32 v13, v8;
	v8 =	vld [tilespmem:s9+$0xD440]  }
0x3c8: {  	v12 =	vld [tilespmem:s9+$0xF440]  }
0x3c9: {  	v5 =	vadd.f32 v6, v5;
	v6 =	vmul.f32 v9, v7;
	v13 =	vld [tilespmem:s9+$0xD450]  }
0x3ca: {  	v14 =	vld [tilespmem:s9+$0xF450]  }
0x3cb: {  	v7 =	vadd.f32 v6, v5;
	v9 =	vmul.f32 v11, v10;
	v5 =	vld [tilespmem:s9+$0xD460]  }
.Ltmp6:
0x3cc: {  	s10 =	sadd.s32 $0x80, s10;
	v6 =	vld [tilespmem:s9+$0xF460];
	(pc) =	sbr.rel @p0 .LBB2_15-.Ltmp6, $4  }
0x3cd: {  	s12 =	sand.u32 $0x1800, s11;
	s13 =	sand.u32 $0x380, s10;
	v9 =	vadd.f32 v9, v7;
	v10 =	vmul.f32 v12, v8;
	v7 =	vld [tilespmem:s9+$0xD470]  }
0x3ce: {  	v8 =	vld [tilespmem:s9+$0xF470];
	s9 =	sor.u32 s13, s12  }
0x3cf: {  	v11 =	vld [tilespmem:s9+$0xD000];
	v9 =	vadd.f32 v10, v9;
	v10 =	vmul.f32 v14, v13  }
0x3d0: {  	s11 =	sadd.s32 $0x100, s11;
	v12 =	vld [tilespmem:s9+$0xF000]  }
0x3d1: {  	v13 =	vld [tilespmem:s9+$0xD010]  }
0x3d2: {  	v14 =	vld [tilespmem:s9+$0xF010]  }
0x3d3: {  	v15 =	vld [tilespmem:s9+$0xD020]  }
0x3d4: {  	v16 =	vld [tilespmem:s9+$0xF020]  }
0x3d5: {  	v17 =	vld [tilespmem:s9+$0xD030]  }
0x3d6: {  	v18 =	vld [tilespmem:s9+$0xF030]  }
0x3d7: {  	v26 =	vld [tilespmem:s9+$0xD040];
	v11 =	vmul.f32 v12, v11;
	v25 =	vmul.f32 v14, v13  }
0x3d8: {  	v27 =	vld [tilespmem:s9+$0xF040]  }
0x3d9: {  	v29 =	vld [tilespmem:s9+$0xD050];
	v28 =	vmul.f32 v16, v15;
	v11 =	vadd.f32 v25, v11  }
0x3da: {  	v30 =	vld [tilespmem:s9+$0xF050]  }
0x3db: {  	v32 =	vld [tilespmem:s9+$0xD060];
	v31 =	vmul.f32 v18, v17;
	v11 =	vadd.f32 v28, v11  }
0x3dc: {  	v33 =	vld [tilespmem:s9+$0xF060]  }
0x3dd: {  	v35 =	vld [tilespmem:s9+$0xD070];
	v34 =	vmul.f32 v27, v26;
	v11 =	vadd.f32 v31, v11  }
0x3de: {  	v36 =	vld [tilespmem:s9+$0xF070]  }
0x3df: {  	v38 =	vld [tilespmem:s9+$0xD400];
	v37 =	vmul.f32 v30, v29;
	v11 =	vadd.f32 v34, v11  }
0x3e0: {  	v39 =	vld [tilespmem:s9+$0xF400]  }
0x3e1: {  	v41 =	vld [tilespmem:s9+$0xD410];
	v40 =	vmul.f32 v33, v32;
	v11 =	vadd.f32 v37, v11  }
0x3e2: {  	v42 =	vld [tilespmem:s9+$0xF410]  }
0x3e3: {  	v44 =	vld [tilespmem:s9+$0xD420];
	v43 =	vmul.f32 v36, v35;
	v11 =	vadd.f32 v40, v11  }
0x3e4: {  	v45 =	vld [tilespmem:s9+$0xF420]  }
0x3e5: {  	v47 =	vld [tilespmem:s9+$0xD430];
	v46 =	vmul.f32 v39, v38;
	v11 =	vadd.f32 v43, v11  }
0x3e6: {  	v48 =	vld [tilespmem:s9+$0xF430]  }
0x3e7: {  	v50 =	vld [tilespmem:s9+$0xD440];
	v49 =	vmul.f32 v42, v41;
	v11 =	vadd.f32 v46, v11  }
0x3e8: {  	v51 =	vld [tilespmem:s9+$0xF440]  }
0x3e9: {  	v53 =	vld [tilespmem:s9+$0xD450];
	v52 =	vmul.f32 v45, v44;
	v11 =	vadd.f32 v49, v11  }
0x3ea: {  	v54 =	vld [tilespmem:s9+$0xF450]  }
0x3eb: {  	v56 =	vld [tilespmem:s9+$0xD460];
	v55 =	vmul.f32 v48, v47;
	v11 =	vadd.f32 v52, v11  }
0x3ec: {  	v57 =	vld [tilespmem:s9+$0xF460]  }
0x3ed: {  	v59 =	vld [tilespmem:s9+$0xD470];
	v58 =	vmul.f32 v51, v50;
	v11 =	vadd.f32 v55, v11  }
0x3ee: {  	v60 =	vld [tilespmem:s9+$0xF470]  }
0x3ef: {  	v61 =	vmul.f32 v54, v53;
	v11 =	vadd.f32 v58, v11  }
0x3f0: {  	v9 =	vadd.f32 v10, v9;
	v5 =	vmul.f32 v6, v5  }
0x3f1: {  	v62 =	vmul.f32 v57, v56;
	v6 =	vadd.f32 v61, v11  }
0x3f2: {  	v5 =	vadd.f32 v5, v9;
	v7 =	vmul.f32 v8, v7  }
0x3f3: {  	v63 =	vmul.f32 v60, v59;
	v6 =	vadd.f32 v62, v6  }
0x3f4: {  	v5 =	vadd.f32 v7, v5  }
0x3f5: {  	v6 =	vadd.f32 v63, v6  }
0x3f6: {  	(xrf2) =	vadd.scan.msk.f32 $0xffff, v5  }
0x3f7: {  	(xrf2) =	vadd.scan.msk.f32 $0xffff, v6;
	_ =	sdelay $0x8  }
0x3f8: {  	s8 =	sadd.s32 $0x1, s8;
	v5, _, _ =	vpop (xrf2)  }
0x3f9: {  	[tilespmem:s8+$0x0] =	vst.msk vm1, v5;
	s8 =	sadd.s32 $0x1, s8;
	v5, _, _ =	vpop (xrf2)  }
0x3fa: {  	p0 =	por $0x1, $0x1;
	[tilespmem:s8+$0x0] =	vst.msk vm1, v5  }
.LBB2_17:
0x3fb: {  	v5 =	vld [tilespmem:s7+$0x11000];
	_ =	sdelay $0x2  }
0x3fc: {  	s14 =	sor.u32 s6, s7  }
0x3fd: {  	v6 =	vld [tilespmem:s14+$0x11880]  }
0x3fe: {  	v5 =	vmul.f32 $3.906250000e-03, v5;
	_ =	sdelay $0x1  }
0x3ff: {  	v5 =	vmax.f32 v5, $0.0e+00  }
0x400: {  	v5 =	vmin.f32 v5, $1.000000000e+00  }
0x401: {  	v6 =	vmul.f32 $9.499999880e-01, v6;
	v5 =	vmul.f32 $5.000000070e-02, v5;
	_ =	sdelay $0x1  }
0x402: {  	v5 =	vadd.f32 v5, v6  }
0x403: {  	v6 =	vld [tilespmem:s14+$0x11080]  }
0x404: {  	v7 =	vmul.f32 v5, v4;
	_ =	sdelay $0x1  }
0x405: {  	v7 =	vadd.f32 v7, v3  }
0x406: {  	v8 =	vld [tilespmem:s14+$0x12080]  }
0x407: {  	v6 =	vadd.f32 v7, v6;
	_ =	sdelay $0x1  }
0x408: {  	v6 =	vmax.f32 v6, $0.0e+00  }
0x409: {  	v6 =	vmin.f32 v6, $1.000000000e+00  }
0x40a: {  	vm3 =	veq.f32 v8, $0.0e+00;
	vm2 =	vgt.f32 v6, $1.000000010e-01;
	v7 =	vmul.f32 $1.600000020e+00, v6  }
0x40b: {  	p1 =	por p0, p0;
	vm2 =	vmand vm3, vm2  }
.Ltmp7:
0x40c: {  	vm3 =	vlt.f32 v6, $5.000000070e-02;
	v8 =	vsel vm2, $0x3F800000, v8;
	v7 =	vadd.f32 $2.000000030e-01, v7;
	(pc) =	sbr.rel @p1 .LBB2_17-.Ltmp7, $4  }
0x40d: {  	[tilespmem:s14+$0x12880] =	vst v6;
	v6 =	vsel vm3, $0x0, v8  }
0x40e: {  	[tilespmem:s14+$0x13080] =	vst v6;
	v6 =	vmul.f32 v6, v7  }
0x40f: {  	[tilespmem:s14+$0x13880] =	vst v5  }
0x410: {  	s7 =	simm.s32 $0x10;
	p0 =	por $0x0, $0x0;
	[tilespmem:s14+$0x14080] =	vst v6  }
0x411: {  	s5 =	sadd.s32 $0x1, s5  }
0x412: {  	p0 =	sne.s32 s5, $0x10  }
.Ltmp8:
0x413: {  	_ = 	snop;
	(pc) =	sbr.rel @p0 .LBB2_2-.Ltmp8, $1  }
0x414: {  	_ =	sdelay $0x3  }
0x415: {  	s5 =	rddreg [dreg:$0x11];
	s6 =	simm.s32 $0x12880  }
0x416: {  	[hbm4b:s5+s4] =	stream.linear.scatter [tilespmem:s6], [sflag:$0xA], $0x800, $0x38;
	[tilespmem:$0x14980] =	vst v63  }
0x417: {  	_ =	swait.ge [sflag:s26], $0x800  }
0x418: {  	[sflag:s26] =	ssyncset.done $0x0  }
0x419: {  	s9 =	simm.s32 $0x13080;
	s8 =	rddreg [dreg:$0x12];
	[sflag:s26] =	ssyncadd.s32 $0xFFFFF800  }
0x41a: {  	[hbm4b:s8+s4] =	stream.linear.scatter [tilespmem:s9], [sflag:$0xA], $0x800, $0x38;
	[tilespmem:$0x14980] =	vst v63  }
0x41b: {  	_ =	swait.ge [sflag:s26], $0x800  }
0x41c: {  	[sflag:s26] =	ssyncset.done $0x0  }
0x41d: {  	s11 =	simm.s32 $0x13880;
	s10 =	rddreg [dreg:$0x13];
	[sflag:s26] =	ssyncadd.s32 $0xFFFFF800  }
0x41e: {  	[hbm4b:s10+s4] =	stream.linear.scatter [tilespmem:s11], [sflag:$0xA], $0x800, $0x38;
	[tilespmem:$0x14980] =	vst v63  }
0x41f: {  	_ =	swait.ge [sflag:s26], $0x800  }
0x420: {  	[sflag:s26] =	ssyncset.done $0x0  }
0x421: {  	s13 =	simm.s32 $0x14080;
	s12 =	rddreg [dreg:$0x14];
	[sflag:s26] =	ssyncadd.s32 $0xFFFFF800  }
0x422: {  	[hbm4b:s12+s4] =	stream.linear.scatter [tilespmem:s13], [sflag:$0xA], $0x800, $0x38;
	[tilespmem:$0x14980] =	vst v63  }
0x423: {  	_ =	swait.ge [sflag:s26], $0x800  }
0x424: {  	s25 =	sadd.s32 $0x1, s25;
	s14 =	rddreg [dreg:$0x15]  }
0x425: {  	p0 =	sne.s32 s25, s14  }
.Ltmp9:
0x426: {  	_ = 	snop;
	(pc) =	sbr.rel @p0 .LBB2_1-.Ltmp9, $3  }
0x427: {  	_ =	sdelay $0x1  }
0x428: {  	[sflag:s26] =	ssyncset.done $0x0  }
0x429: {  	[sflag:s26] =	ssyncadd.s32 $0xFFFFF800  }
0x42a: {  	_ =	sfence.sel $0x180000  }
0x42b: {  	[bflag:$0x0] =	sbarrier.arrive $0xFFFF  }
0x42c: {  	_ =	strace $0x90000047  }
0x42d: {  	s0 =	stileid.u32;
	[bflag:$0x2] =	sbarrier.arrive $0xFFFF  }
0x42e: {  	p0 =	sne.s32 s0, $0x0;
	s0 =	rddreg [dreg:$0xb]  }
0x42f: {  	s0 =	sadd.s32 @!p0 $0x100000, s0  }
0x430: {  	[sflag:s0] =	ssyncadd.tile.s32 @!p0 $0x1;
	_ =	shalt  }
.Lfunc_end2:
_tile_overlayer_lowered:
.L_overlay_start_2:
0x431: {  	(tag) =	ssettag $0x2  }
0x432: {  	s0 =	rddreg [dreg:$0x0];
	s2 =	stileid.u32  }
0x433: {  	s1 =	rddreg [dreg:$0x1];
	p0 =	sne.s32 s2, $0x0  }
0x434: {  	s3 =	rddreg [dreg:$0x2];
	[bflag:$0x3] =	sbarrier.arrive $0xFFFF;
	s2 =	simm.s32 @!p0 $0x1C0A  }
0x435: {  	[timem:s3], [sflag:s2] =	dma.local @!p0 [hbm:s0], s1  }
0x436: {  	s0 =	simm.s32 @!p0 $0xA  }
0x437: {  	_ =	swait.ge @!p0 [sflag:s0], s1  }
0x438: {  	s1 =	ssub.s32 @!p0 $0x0, s1;
	[sflag:s0] =	ssyncset.done @!p0 $0x0  }
0x439: {  	[sflag:s0] =	ssyncadd.s32 @!p0 s1  }
0x43a: {  	[bflag:$0x3] =	sbarrier.arrive $0xFFFF  }
0x43b: {  	_ =	shalt  }

</sc_bundles>
